<compile_context>
chip_gen: v7x
topology: tpu7x:2x2x1
jax: 0.10.2.dev20260603
libtpu: 0.0.44.dev20260713+nightly
codegen_flags: <defaults>
</compile_context>

<pallas_src>
import functools

import jax
import jax.numpy as jnp
from jax import lax
from jax.experimental import pallas as pl
from jax.experimental.pallas import tpu as pltpu
from jax.experimental.pallas import tpu_sc as plsc

N = 10000
E = 320000
F = 128
PW = 16
NC, NS = 2, 16
NW = NC * NS
EPT = E // NW
CH = 128
NCH = 80
EPAD = NCH * CH - EPT
DL = NW * EPAD
NR = N
ZCH = 100
NZ = N // ZCH
ZPT = -(-NZ // NS)


def _mesh():
    return plsc.VectorSubcoreMesh(
        core_axis_name="c", subcore_axis_name="s", num_cores=NC, num_subcores=NS
    )


def _pipelined_agg(tab_hbm, eidx_hbm, wid, rows, ebs, acc_sh,
                   gsems, ssems, isems, ones_v=None, cnt_sh=None, osems=None):
    ebase = wid * (NCH * 2)

    def ones_wait(b):
        pltpu.make_async_copy(ones_v, cnt_sh.at[ebs[b].at[1]],
                              osems[b]).wait()

    for b in (0, 1):
        pltpu.sync_copy(eidx_hbm.at[pl.ds(ebase + 2 * b, 2)], ebs[b])
        pltpu.async_copy(tab_hbm.at[ebs[b].at[0]], rows[b], gsems[b])

    def step(g, carry):
        for b in (0, 1, 2, 3):
            c = 4 * g + b
            s = b % 2
            q2 = (b + 2) % 4
            pltpu.make_async_copy(tab_hbm.at[ebs[b].at[0]], rows[s],
                                  gsems[s]).wait()
            pltpu.async_copy(rows[s], acc_sh.at[ebs[b].at[1]], ssems[s],
                             add=True)
            if osems is not None:
                pltpu.async_copy(ones_v, cnt_sh.at[ebs[b].at[1]], osems[b],
                                 add=True)

                @pl.when(c >= 2)
                def _():
                    ones_wait(q2)

            @pl.when(c + 2 < NCH)
            def _():
                pltpu.async_copy(eidx_hbm.at[pl.ds(ebase + 2 * (c + 2), 2)],
                                 ebs[q2], isems[q2])

            pltpu.make_async_copy(rows[s], acc_sh.at[ebs[b].at[1]],
                                  ssems[s]).wait()

            @pl.when(c + 2 < NCH)
            def _():
                pltpu.make_async_copy(eidx_hbm.at[pl.ds(ebase + 2 * (c + 2),
                                                        2)],
                                      ebs[q2], isems[q2]).wait()
                pltpu.async_copy(tab_hbm.at[ebs[q2].at[0]], rows[s], gsems[s])

        return carry

    lax.fori_loop(0, NCH // 4, step, 0)
    if osems is not None:
        ones_wait((NCH - 2) % 4)
        ones_wait((NCH - 1) % 4)


@functools.cache
def _sc_agg_wide():
    return pl.kernel(
        _sc_agg_wide_body,
        out_type=(
            jax.ShapeDtypeStruct((NC, N, F), jnp.float32),
            jax.ShapeDtypeStruct((NC, N, PW), jnp.float32),
        ),
        mesh=_mesh(),
        scratch_types=[
            pltpu.VMEM((2, CH), jnp.int32),
            pltpu.VMEM((2, CH), jnp.int32),
            pltpu.VMEM((2, CH), jnp.int32),
            pltpu.VMEM((2, CH), jnp.int32),
            pltpu.VMEM((CH, F), jnp.float32),
            pltpu.VMEM((CH, F), jnp.float32),
            pltpu.VMEM((CH, PW), jnp.float32),
            pltpu.VMEM((ZCH, PW), jnp.float32),
            pltpu.VMEM_SHARED((NR, F), jnp.float32),
            pltpu.VMEM_SHARED((NR, PW), jnp.float32),
            pltpu.SemaphoreType.DMA,
            pltpu.SemaphoreType.DMA,
            pltpu.SemaphoreType.DMA,
            pltpu.SemaphoreType.DMA,
            pltpu.SemaphoreType.DMA,
            pltpu.SemaphoreType.DMA,
            pltpu.SemaphoreType.DMA,
            pltpu.SemaphoreType.DMA,
            pltpu.SemaphoreType.DMA,
            pltpu.SemaphoreType.DMA,
            pltpu.SemaphoreType.DMA,
            pltpu.SemaphoreType.DMA,
        ],
        compiler_params=pltpu.CompilerParams(use_tc_tiling_on_sc=False),
    )


def _sc_agg_wide_body(x_hbm, eidx_hbm, ones_hbm, z128_hbm, z16_hbm,
                      acc_out, cnt_out,
                      eb0, eb1, eb2, eb3, rows0, rows1, ones_v, cb_v,
                      acc_sh, cnt_sh,
                      gsem0, gsem1, ssem0, ssem1,
                      isem0, isem1, isem2, isem3,
                      osem0, osem1, osem2, osem3):
    cid = lax.axis_index("c")
    sid = lax.axis_index("s")
    wid = sid * NC + cid

    pltpu.sync_copy(z128_hbm, rows0.at[pl.ds(0, ZCH)])
    pltpu.sync_copy(z16_hbm, cb_v)
    pltpu.sync_copy(ones_hbm, ones_v)

    def zero_step(j, carry):
        k = sid + NS * j

        @pl.when(k < NZ)
        def _():
            pltpu.sync_copy(rows0.at[pl.ds(0, ZCH)],
                            acc_sh.at[pl.ds(k * ZCH, ZCH)])
            pltpu.sync_copy(cb_v, cnt_sh.at[pl.ds(k * ZCH, ZCH)])

        return carry

    lax.fori_loop(0, ZPT, zero_step, 0)
    plsc.subcore_barrier()
    _pipelined_agg(x_hbm, eidx_hbm, wid, (rows0, rows1),
                   (eb0, eb1, eb2, eb3), acc_sh,
                   (gsem0, gsem1), (ssem0, ssem1),
                   (isem0, isem1, isem2, isem3),
                   ones_v=ones_v, cnt_sh=cnt_sh,
                   osems=(osem0, osem1, osem2, osem3))
    plsc.subcore_barrier()

    def rb_step(j, carry):
        k = sid + NS * j

        @pl.when(k < NZ)
        def _():
            pltpu.sync_copy(acc_sh.at[pl.ds(k * ZCH, ZCH)],
                            rows0.at[pl.ds(0, ZCH)])
            pltpu.sync_copy(rows0.at[pl.ds(0, ZCH)],
                            acc_out.at[cid, pl.ds(k * ZCH, ZCH)])
            pltpu.sync_copy(cnt_sh.at[pl.ds(k * ZCH, ZCH)], cb_v)
            pltpu.sync_copy(cb_v, cnt_out.at[cid, pl.ds(k * ZCH, ZCH)])

        return carry

    lax.fori_loop(0, ZPT, rb_step, 0)


@functools.cache
def _sc_agg_narrow():
    return pl.kernel(
        _sc_agg_narrow_body,
        out_type=jax.ShapeDtypeStruct((NC, N, PW), jnp.float32),
        mesh=_mesh(),
        scratch_types=[
            pltpu.VMEM((2, CH), jnp.int32),
            pltpu.VMEM((2, CH), jnp.int32),
            pltpu.VMEM((2, CH), jnp.int32),
            pltpu.VMEM((2, CH), jnp.int32),
            pltpu.VMEM((CH, PW), jnp.float32),
            pltpu.VMEM((CH, PW), jnp.float32),
            pltpu.VMEM((ZCH, PW), jnp.float32),
            pltpu.VMEM_SHARED((NR, PW), jnp.float32),
            pltpu.VMEM_SHARED((NR, PW), jnp.float32),
            pltpu.SemaphoreType.DMA,
            pltpu.SemaphoreType.DMA,
            pltpu.SemaphoreType.DMA,
            pltpu.SemaphoreType.DMA,
            pltpu.SemaphoreType.DMA,
            pltpu.SemaphoreType.DMA,
            pltpu.SemaphoreType.DMA,
            pltpu.SemaphoreType.DMA,
        ],
        compiler_params=pltpu.CompilerParams(use_tc_tiling_on_sc=False),
    )


def _sc_agg_narrow_body(p_hbm, eidx_hbm, z16_hbm, acc_out,
                        eb0, eb1, eb2, eb3, rows0, rows1, cb_v, acc_sh, p_sh,
                        gsem0, gsem1, ssem0, ssem1,
                        isem0, isem1, isem2, isem3):
    cid = lax.axis_index("c")
    sid = lax.axis_index("s")
    wid = sid * NC + cid

    pltpu.sync_copy(z16_hbm, cb_v)

    def zero_step(j, carry):
        k = sid + NS * j

        @pl.when(k < NZ)
        def _():
            pltpu.sync_copy(cb_v, acc_sh.at[pl.ds(k * ZCH, ZCH)])
            pltpu.sync_copy(p_hbm.at[pl.ds(k * ZCH, ZCH)],
                            rows0.at[pl.ds(0, ZCH)])
            pltpu.sync_copy(rows0.at[pl.ds(0, ZCH)],
                            p_sh.at[pl.ds(k * ZCH, ZCH)])

        return carry

    lax.fori_loop(0, ZPT, zero_step, 0)
    plsc.subcore_barrier()
    _pipelined_agg(p_sh, eidx_hbm, wid, (rows0, rows1),
                   (eb0, eb1, eb2, eb3), acc_sh,
                   (gsem0, gsem1), (ssem0, ssem1),
                   (isem0, isem1, isem2, isem3))
    plsc.subcore_barrier()

    def rb_step(j, carry):
        k = sid + NS * j

        @pl.when(k < NZ)
        def _():
            pltpu.sync_copy(acc_sh.at[pl.ds(k * ZCH, ZCH)], cb_v)
            pltpu.sync_copy(cb_v, acc_out.at[cid, pl.ds(k * ZCH, ZCH)])

        return carry

    lax.fori_loop(0, ZPT, rb_step, 0)


RBLK = 2000


def _tc1_body(accp, cntp, x, w1l, b1l, w1r, w2, h_out, p_out, cnt_out):
    a = accp[...]
    c = cntp[...]
    xb = x[...]
    row = RBLK * pl.program_id(0) + lax.broadcasted_iota(
        jnp.int32, (RBLK, 1), 0)
    dmask = (row < DL).astype(jnp.float32)
    acc = a[0] + a[1] - dmask * xb
    cnt = jnp.maximum(c[0, :, 0:1] + c[1, :, 0:1] - dmask, 1.0)
    agg = acc / cnt
    dn = (((1,), (1,)), ((), ()))
    h = (
        lax.dot_general(agg, w1l[...], dn, preferred_element_type=jnp.float32)
        + b1l[...]
        + lax.dot_general(xb, w1r[...], dn,
                          preferred_element_type=jnp.float32)
    )
    h = jnp.maximum(h, 0.0)
    h_out[...] = h
    p_out[...] = lax.dot_general(h, w2[...], dn,
                                 preferred_element_type=jnp.float32)
    cnt_out[...] = cnt


def _tc1(accp, cntp, x, w1l, b1l, w1r, w2, interpret=False):
    return pl.pallas_call(
        _tc1_body,
        grid=(N // RBLK,),
        in_specs=[
            pl.BlockSpec((NC, RBLK, F), lambda i: (0, i, 0)),
            pl.BlockSpec((NC, RBLK, PW), lambda i: (0, i, 0)),
            pl.BlockSpec((RBLK, F), lambda i: (i, 0)),
            pl.BlockSpec((F, F), lambda i: (0, 0)),
            pl.BlockSpec((1, F), lambda i: (0, 0)),
            pl.BlockSpec((F, F), lambda i: (0, 0)),
            pl.BlockSpec((PW, F), lambda i: (0, 0)),
        ],
        out_specs=[
            pl.BlockSpec((RBLK, F), lambda i: (i, 0)),
            pl.BlockSpec((RBLK, PW), lambda i: (i, 0)),
            pl.BlockSpec((RBLK, 1), lambda i: (i, 0)),
        ],
        out_shape=[
            jax.ShapeDtypeStruct((N, F), jnp.float32),
            jax.ShapeDtypeStruct((N, PW), jnp.float32),
            jax.ShapeDtypeStruct((N, 1), jnp.float32),
        ],
        interpret=interpret,
    )(accp, cntp, x, w1l, b1l, w1r, w2)


def _tc2_body(acc2p, cnt, p, b2l, out_ref):
    a = acc2p[...]
    pb = p[...]
    row = RBLK * pl.program_id(0) + lax.broadcasted_iota(
        jnp.int32, (RBLK, 1), 0)
    dmask = (row < DL).astype(jnp.float32)
    s = a[0, :, 0:1] + a[1, :, 0:1] - dmask * pb[:, 0:1]
    z = s / cnt[...] + b2l[0, 0] + pb[:, 1:2]
    out_ref[...] = jax.nn.sigmoid(z)


def _tc2(acc2p, cnt, p, b2l, interpret=False):
    return pl.pallas_call(
        _tc2_body,
        grid=(N // RBLK,),
        in_specs=[
            pl.BlockSpec((NC, RBLK, PW), lambda i: (0, i, 0)),
            pl.BlockSpec((RBLK, 1), lambda i: (i, 0)),
            pl.BlockSpec((RBLK, PW), lambda i: (i, 0)),
            pl.BlockSpec((1, 1), lambda i: (0, 0)),
        ],
        out_specs=pl.BlockSpec((RBLK, 1), lambda i: (i, 0)),
        out_shape=jax.ShapeDtypeStruct((N, 1), jnp.float32),
        interpret=interpret,
    )(acc2p, cnt, p, b2l)


def kernel(x, edge_index, W1l, b1l, W1r, W2l, b2l, W2r):
    ei = edge_index.astype(jnp.int32)
    dummy = jnp.arange(DL, dtype=jnp.int32).reshape(NW, EPAD)
    srcp = jnp.concatenate([ei[0].reshape(NW, EPT), dummy], axis=1)
    dstp = jnp.concatenate([ei[1].reshape(NW, EPT), dummy], axis=1)
    eidx = jnp.stack([srcp.reshape(NW, NCH, CH), dstp.reshape(NW, NCH, CH)],
                     axis=2).reshape(NW * NCH * 2, CH)
    ones = jnp.ones((CH, PW), jnp.float32)
    z128 = jnp.zeros((ZCH, F), jnp.float32)
    z16 = jnp.zeros((ZCH, PW), jnp.float32)

    accp, cntp = _sc_agg_wide()(x, eidx, ones, z128, z16)

    b1l2 = b1l.reshape(1, F)
    w2 = jnp.concatenate([W2l, W2r, jnp.zeros((PW - 2, F), jnp.float32)], 0)

    h, p, cnt = _tc1(accp, cntp, x, W1l, b1l2, W1r, w2)

    acc2p = _sc_agg_narrow()(p, eidx, z16)

    out = _tc2(acc2p, cnt, p, b2l.reshape(1, 1))
    return (out, h)

# --- scband reference (transcript-rebuilt; emitter-appended) ---
"""Pipeline reference for scband-graph-sagenet-66932770341053 (READ-ONLY COPY).

The authoritative reference and input builder live on the scoring server;
editing this copy changes nothing except your own understanding.
"""

import jax, jax.numpy as jnp
import numpy as np

N_NODES = 10000
N_EDGES = 320000
F_IN = 128
HID = 128
OUT = 1


def setup_inputs(seed: int = 0) -> dict:
    key = jax.random.key(seed)
    ks = jax.random.split(key, 10)
    x = jax.random.normal(ks[0], (N_NODES, F_IN), dtype=jnp.float32)
    edge_index = jax.random.randint(ks[1], (2, N_EDGES), 0, N_NODES)
    s1 = 1.0 / np.sqrt(F_IN)
    s2 = 1.0 / np.sqrt(HID)
    W1l = jax.random.uniform(ks[2], (HID, F_IN), jnp.float32, -s1, s1)
    b1l = jax.random.uniform(ks[3], (HID,), jnp.float32, -s1, s1)
    W1r = jax.random.uniform(ks[4], (HID, F_IN), jnp.float32, -s1, s1)
    W2l = jax.random.uniform(ks[5], (OUT, HID), jnp.float32, -s2, s2)
    b2l = jax.random.uniform(ks[6], (OUT,), jnp.float32, -s2, s2)
    W2r = jax.random.uniform(ks[7], (OUT, HID), jnp.float32, -s2, s2)
    return {"x": x, "edge_index": edge_index, "W1l": W1l, "b1l": b1l, "W1r": W1r, "W2l": W2l, "b2l": b2l, "W2r": W2r}


def _sage_conv(x, edge_index, Wl, bl, Wr):
    # PyG SAGEConv with mean aggregation:
    #   out = lin_l(mean_{j in N(i)} x_j) + lin_r(x_i)
    src = edge_index[0]
    dst = edge_index[1]
    msgs = jnp.take(x, src, axis=0)
    agg = jax.ops.segment_sum(msgs, dst, num_segments=N_NODES)
    cnt = jax.ops.segment_sum(jnp.ones((edge_index.shape[1], 1), x.dtype), dst, num_segments=N_NODES)
    agg = agg / jnp.maximum(cnt, 1.0)
    return agg @ Wl.T + bl + x @ Wr.T


def reference(x, edge_index, W1l, b1l, W1r, W2l, b2l, W2r):
    h = jax.nn.relu(_sage_conv(x, edge_index, W1l, b1l, W1r))
    embeddings = h  # F.dropout in eval mode is identity
    logits = _sage_conv(embeddings, edge_index, W2l, b2l, W2r)
    out = jax.nn.sigmoid(logits)
    return (out, embeddings)

if __name__ == "__main__":
    import jax
    _d = setup_inputs()
    print(jax.jit(kernel)(*tuple(_d.values())))

</pallas_src>

<mosaic_0001>
#map = affine_map<(d0, d1) -> (0, 0)>
#map1 = affine_map<(d0, d1) -> (0, 0, 0)>
module attributes {stable_mosaic.version = 14 : i64} {
  func.func @_sc_agg_narrow_body(%arg0: i32, %arg1: i32, %arg2: memref<10000x16xf32, #tpu.memory_space<hbm>>, %arg3: memref<5120x128xi32, #tpu.memory_space<hbm>>, %arg4: memref<100x16xf32, #tpu.memory_space<hbm>>, %arg5: memref<2x10000x16xf32, #tpu.memory_space<hbm>>, %arg6: memref<2x128xi32, #tpu.memory_space<vmem>>, %arg7: memref<2x128xi32, #tpu.memory_space<vmem>>, %arg8: memref<2x128xi32, #tpu.memory_space<vmem>>, %arg9: memref<2x128xi32, #tpu.memory_space<vmem>>, %arg10: memref<128x16xf32, #tpu.memory_space<vmem>>, %arg11: memref<128x16xf32, #tpu.memory_space<vmem>>, %arg12: memref<100x16xf32, #tpu.memory_space<vmem>>, %arg13: memref<10000x16xf32, #tpu.memory_space<vmem_shared>>, %arg14: memref<10000x16xf32, #tpu.memory_space<vmem_shared>>, %arg15: memref<!tpu.dma_semaphore, #tpu.memory_space<semaphore_mem>>, %arg16: memref<!tpu.dma_semaphore, #tpu.memory_space<semaphore_mem>>, %arg17: memref<!tpu.dma_semaphore, #tpu.memory_space<semaphore_mem>>, %arg18: memref<!tpu.dma_semaphore, #tpu.memory_space<semaphore_mem>>, %arg19: memref<!tpu.dma_semaphore, #tpu.memory_space<semaphore_mem>>, %arg20: memref<!tpu.dma_semaphore, #tpu.memory_space<semaphore_mem>>, %arg21: memref<!tpu.dma_semaphore, #tpu.memory_space<semaphore_mem>>, %arg22: memref<!tpu.dma_semaphore, #tpu.memory_space<semaphore_mem>>) attributes {dimension_semantics = [#tpu.dimension_semantics<core_parallel>, #tpu.dimension_semantics<subcore_parallel>], iteration_bounds = array<i64: 2, 16>, scalar_prefetch = 0 : i64, scratch_operands = 17 : i64, tpu.core_type = #tpu.core_type<sc_vector_subcore>, window_params = [{transform_indices = #map}, {transform_indices = #map}, {transform_indices = #map}, {transform_indices = #map1}]} {
    %mul3A = arith.constant 2 : i32
    %mul3A_0 = arith.muli %arg1, %mul3A : i32
    %add3A = arith.addi %mul3A_0, %arg0 : i32
    "tpu.region"() ({
      %run_scoped3A = tpu.sem_alloc : memref<!tpu.dma_semaphore, #tpu.memory_space<semaphore_mem>>
      tpu.enqueue_dma source(%arg4 : memref<100x16xf32, #tpu.memory_space<hbm>>) target(%arg12 : memref<100x16xf32, #tpu.memory_space<vmem>>) target_semaphore(%run_scoped3A : memref<!tpu.dma_semaphore, #tpu.memory_space<semaphore_mem>>)
      tpu.wait_dma2 semaphore(%run_scoped3A : memref<!tpu.dma_semaphore, #tpu.memory_space<semaphore_mem>>) src(%arg4 : memref<100x16xf32, #tpu.memory_space<hbm>>) dst(%arg12 : memref<100x16xf32, #tpu.memory_space<vmem>>)
      tpu.yield
    }) : () -> ()
    %scan3A = arith.constant 0 : i32
    %scan3A_1 = arith.constant 0 : i32
    %scan3A_2 = arith.constant 7 : i32
    %scan3A_3 = arith.addi %scan3A_1, %scan3A_2 : i32
    %scan3A_4 = arith.constant 1 : i32
    scf.for %scan3A_38 = %scan3A_1 to %scan3A_3 step %scan3A_4  : i32 {
      %mul3A_39 = arith.constant 16 : i32
      %mul3A_40 = arith.muli %mul3A_39, %scan3A_38 : i32
      %add3A_41 = arith.addi %arg1, %mul3A_40 : i32
      %lt3A = arith.constant 100 : i32
      %lt3A_42 = arith.cmpi slt, %add3A_41, %lt3A : i32
      %convert_element_type3A = arith.extui %lt3A_42 : i1 to i32
      %cond3A = arith.constant 0 : i32
      %cond3A_43 = arith.cmpi ne, %convert_element_type3A, %cond3A : i32
      scf.if %cond3A_43 {
        %mul3A_44 = arith.constant 100 : i32
        %mul3A_45 = arith.muli %add3A_41, %mul3A_44 : i32
        "tpu.region"() ({
          %run_scoped3A = tpu.sem_alloc : memref<!tpu.dma_semaphore, #tpu.memory_space<semaphore_mem>>
          %dma_start3A_50 = arith.constant 0 : i32
          %dma_start3A_51 = tpu.memref_slice %arg13[%mul3A_45, %dma_start3A_50] : memref<10000x16xf32, #tpu.memory_space<vmem_shared>> -> memref<100x16xf32, #tpu.memory_space<vmem_shared>>
          %dma_start3A_52 = arith.constant 0 : i32
          %dma_start3A_53 = tpu.memref_slice %arg13[%mul3A_45, %dma_start3A_52] : memref<10000x16xf32, #tpu.memory_space<vmem_shared>> -> memref<100x16xf32, #tpu.memory_space<vmem_shared>>
          tpu.enqueue_dma source(%arg12 : memref<100x16xf32, #tpu.memory_space<vmem>>) target(%dma_start3A_53 : memref<100x16xf32, #tpu.memory_space<vmem_shared>>) target_semaphore(%run_scoped3A : memref<!tpu.dma_semaphore, #tpu.memory_space<semaphore_mem>>)
          %dma_wait3A = arith.constant 0 : i32
          %dma_wait3A_54 = tpu.memref_slice %arg13[%mul3A_45, %dma_wait3A] : memref<10000x16xf32, #tpu.memory_space<vmem_shared>> -> memref<100x16xf32, #tpu.memory_space<vmem_shared>>
          %dma_wait3A_55 = arith.constant 0 : i32
          %dma_wait3A_56 = tpu.memref_slice %arg13[%mul3A_45, %dma_wait3A_55] : memref<10000x16xf32, #tpu.memory_space<vmem_shared>> -> memref<100x16xf32, #tpu.memory_space<vmem_shared>>
          tpu.wait_dma2 semaphore(%run_scoped3A : memref<!tpu.dma_semaphore, #tpu.memory_space<semaphore_mem>>) src(%arg12 : memref<100x16xf32, #tpu.memory_space<vmem>>) dst(%dma_wait3A_56 : memref<100x16xf32, #tpu.memory_space<vmem_shared>>)
          tpu.yield
        }) : () -> ()
        %mul3A_46 = arith.constant 100 : i32
        %mul3A_47 = arith.muli %add3A_41, %mul3A_46 : i32
        "tpu.region"() ({
          %run_scoped3A = tpu.sem_alloc : memref<!tpu.dma_semaphore, #tpu.memory_space<semaphore_mem>>
          %dma_start3A_50 = arith.constant 0 : i32
          %dma_start3A_51 = arith.constant 0 : i32
          %dma_start3A_52 = tpu.memref_slice %arg10[%dma_start3A_50, %dma_start3A_51] : memref<128x16xf32, #tpu.memory_space<vmem>> -> memref<100x16xf32, #tpu.memory_space<vmem>>
          %dma_start3A_53 = arith.constant 0 : i32
          %dma_start3A_54 = tpu.memref_slice %arg2[%mul3A_47, %dma_start3A_53] : memref<10000x16xf32, #tpu.memory_space<hbm>> -> memref<100x16xf32, #tpu.memory_space<hbm>>
          %dma_start3A_55 = arith.constant 0 : i32
          %dma_start3A_56 = arith.constant 0 : i32
          %dma_start3A_57 = tpu.memref_slice %arg10[%dma_start3A_55, %dma_start3A_56] : memref<128x16xf32, #tpu.memory_space<vmem>> -> memref<100x16xf32, #tpu.memory_space<vmem>>
          %dma_start3A_58 = arith.constant 0 : i32
          %dma_start3A_59 = tpu.memref_slice %arg2[%mul3A_47, %dma_start3A_58] : memref<10000x16xf32, #tpu.memory_space<hbm>> -> memref<100x16xf32, #tpu.memory_space<hbm>>
          tpu.enqueue_dma source(%dma_start3A_59 : memref<100x16xf32, #tpu.memory_space<hbm>>) target(%dma_start3A_57 : memref<100x16xf32, #tpu.memory_space<vmem>>) target_semaphore(%run_scoped3A : memref<!tpu.dma_semaphore, #tpu.memory_space<semaphore_mem>>)
          %dma_wait3A = arith.constant 0 : i32
          %dma_wait3A_60 = arith.constant 0 : i32
          %dma_wait3A_61 = tpu.memref_slice %arg10[%dma_wait3A, %dma_wait3A_60] : memref<128x16xf32, #tpu.memory_space<vmem>> -> memref<100x16xf32, #tpu.memory_space<vmem>>
          %dma_wait3A_62 = arith.constant 0 : i32
          %dma_wait3A_63 = tpu.memref_slice %arg2[%mul3A_47, %dma_wait3A_62] : memref<10000x16xf32, #tpu.memory_space<hbm>> -> memref<100x16xf32, #tpu.memory_space<hbm>>
          %dma_wait3A_64 = arith.constant 0 : i32
          %dma_wait3A_65 = arith.constant 0 : i32
          %dma_wait3A_66 = tpu.memref_slice %arg10[%dma_wait3A_64, %dma_wait3A_65] : memref<128x16xf32, #tpu.memory_space<vmem>> -> memref<100x16xf32, #tpu.memory_space<vmem>>
          %dma_wait3A_67 = arith.constant 0 : i32
          %dma_wait3A_68 = tpu.memref_slice %arg2[%mul3A_47, %dma_wait3A_67] : memref<10000x16xf32, #tpu.memory_space<hbm>> -> memref<100x16xf32, #tpu.memory_space<hbm>>
          tpu.wait_dma2 semaphore(%run_scoped3A : memref<!tpu.dma_semaphore, #tpu.memory_space<semaphore_mem>>) src(%dma_wait3A_68 : memref<100x16xf32, #tpu.memory_space<hbm>>) dst(%dma_wait3A_66 : memref<100x16xf32, #tpu.memory_space<vmem>>)
          tpu.yield
        }) : () -> ()
        %mul3A_48 = arith.constant 100 : i32
        %mul3A_49 = arith.muli %add3A_41, %mul3A_48 : i32
        "tpu.region"() ({
          %run_scoped3A = tpu.sem_alloc : memref<!tpu.dma_semaphore, #tpu.memory_space<semaphore_mem>>
          %dma_start3A_50 = arith.constant 0 : i32
          %dma_start3A_51 = arith.constant 0 : i32
          %dma_start3A_52 = tpu.memref_slice %arg10[%dma_start3A_50, %dma_start3A_51] : memref<128x16xf32, #tpu.memory_space<vmem>> -> memref<100x16xf32, #tpu.memory_space<vmem>>
          %dma_start3A_53 = arith.constant 0 : i32
          %dma_start3A_54 = tpu.memref_slice %arg14[%mul3A_49, %dma_start3A_53] : memref<10000x16xf32, #tpu.memory_space<vmem_shared>> -> memref<100x16xf32, #tpu.memory_space<vmem_shared>>
          %dma_start3A_55 = arith.constant 0 : i32
          %dma_start3A_56 = tpu.memref_slice %arg14[%mul3A_49, %dma_start3A_55] : memref<10000x16xf32, #tpu.memory_space<vmem_shared>> -> memref<100x16xf32, #tpu.memory_space<vmem_shared>>
          %dma_start3A_57 = arith.constant 0 : i32
          %dma_start3A_58 = arith.constant 0 : i32
          %dma_start3A_59 = tpu.memref_slice %arg10[%dma_start3A_57, %dma_start3A_58] : memref<128x16xf32, #tpu.memory_space<vmem>> -> memref<100x16xf32, #tpu.memory_space<vmem>>
          tpu.enqueue_dma source(%dma_start3A_59 : memref<100x16xf32, #tpu.memory_space<vmem>>) target(%dma_start3A_56 : memref<100x16xf32, #tpu.memory_space<vmem_shared>>) target_semaphore(%run_scoped3A : memref<!tpu.dma_semaphore, #tpu.memory_space<semaphore_mem>>)
          %dma_wait3A = arith.constant 0 : i32
          %dma_wait3A_60 = arith.constant 0 : i32
          %dma_wait3A_61 = tpu.memref_slice %arg10[%dma_wait3A, %dma_wait3A_60] : memref<128x16xf32, #tpu.memory_space<vmem>> -> memref<100x16xf32, #tpu.memory_space<vmem>>
          %dma_wait3A_62 = arith.constant 0 : i32
          %dma_wait3A_63 = tpu.memref_slice %arg14[%mul3A_49, %dma_wait3A_62] : memref<10000x16xf32, #tpu.memory_space<vmem_shared>> -> memref<100x16xf32, #tpu.memory_space<vmem_shared>>
          %dma_wait3A_64 = arith.constant 0 : i32
          %dma_wait3A_65 = tpu.memref_slice %arg14[%mul3A_49, %dma_wait3A_64] : memref<10000x16xf32, #tpu.memory_space<vmem_shared>> -> memref<100x16xf32, #tpu.memory_space<vmem_shared>>
          %dma_wait3A_66 = arith.constant 0 : i32
          %dma_wait3A_67 = arith.constant 0 : i32
          %dma_wait3A_68 = tpu.memref_slice %arg10[%dma_wait3A_66, %dma_wait3A_67] : memref<128x16xf32, #tpu.memory_space<vmem>> -> memref<100x16xf32, #tpu.memory_space<vmem>>
          tpu.wait_dma2 semaphore(%run_scoped3A : memref<!tpu.dma_semaphore, #tpu.memory_space<semaphore_mem>>) src(%dma_wait3A_68 : memref<100x16xf32, #tpu.memory_space<vmem>>) dst(%dma_wait3A_65 : memref<100x16xf32, #tpu.memory_space<vmem_shared>>)
          tpu.yield
        }) : () -> ()
      } else {
      }
    }
    %scan3A_5 = arith.constant 7 : i32
    %barrier3A = arith.constant 0 : index
    tpu.barrier barrier_id(%barrier3A)
    %mul3A_6 = arith.constant 160 : i32
    %mul3A_7 = arith.muli %add3A, %mul3A_6 : i32
    %add3A_8 = arith.constant 0 : i32
    %add3A_9 = arith.addi %mul3A_7, %add3A_8 : i32
    "tpu.region"() ({
      %run_scoped3A = tpu.sem_alloc : memref<!tpu.dma_semaphore, #tpu.memory_space<semaphore_mem>>
      %dma_start3A_38 = arith.constant 0 : i32
      %dma_start3A_39 = tpu.memref_slice %arg3[%add3A_9, %dma_start3A_38] : memref<5120x128xi32, #tpu.memory_space<hbm>> -> memref<2x128xi32, #tpu.memory_space<hbm>>
      %dma_start3A_40 = arith.constant 0 : i32
      %dma_start3A_41 = tpu.memref_slice %arg3[%add3A_9, %dma_start3A_40] : memref<5120x128xi32, #tpu.memory_space<hbm>> -> memref<2x128xi32, #tpu.memory_space<hbm>>
      tpu.enqueue_dma source(%dma_start3A_41 : memref<2x128xi32, #tpu.memory_space<hbm>>) target(%arg6 : memref<2x128xi32, #tpu.memory_space<vmem>>) target_semaphore(%run_scoped3A : memref<!tpu.dma_semaphore, #tpu.memory_space<semaphore_mem>>)
      %dma_wait3A = arith.constant 0 : i32
      %dma_wait3A_42 = tpu.memref_slice %arg3[%add3A_9, %dma_wait3A] : memref<5120x128xi32, #tpu.memory_space<hbm>> -> memref<2x128xi32, #tpu.memory_space<hbm>>
      %dma_wait3A_43 = arith.constant 0 : i32
      %dma_wait3A_44 = tpu.memref_slice %arg3[%add3A_9, %dma_wait3A_43] : memref<5120x128xi32, #tpu.memory_space<hbm>> -> memref<2x128xi32, #tpu.memory_space<hbm>>
      tpu.wait_dma2 semaphore(%run_scoped3A : memref<!tpu.dma_semaphore, #tpu.memory_space<semaphore_mem>>) src(%dma_wait3A_44 : memref<2x128xi32, #tpu.memory_space<hbm>>) dst(%arg6 : memref<2x128xi32, #tpu.memory_space<vmem>>)
      tpu.yield
    }) : () -> ()
    %dma_start3A = arith.constant 0 : i32
    %dma_start3A_10 = arith.constant 0 : i32
    %dma_start3A_11 = tpu.memref_slice %arg6[%dma_start3A, %dma_start3A_10] : memref<2x128xi32, #tpu.memory_space<vmem>> -> memref<1x128xi32, #tpu.memory_space<vmem>>
    %dma_start3A_12 = tpu.memref_squeeze %dma_start3A_11 : memref<1x128xi32, #tpu.memory_space<vmem>> -> memref<128xi32, #tpu.memory_space<vmem>>
    %dma_start3A_13 = arith.constant 0 : i32
    %dma_start3A_14 = arith.constant 0 : i32
    %dma_start3A_15 = tpu.memref_slice %arg14[%dma_start3A_13, %dma_start3A_14] : memref<10000x16xf32, #tpu.memory_space<vmem_shared>> -> memref<10000x16xf32, #tpu.memory_space<vmem_shared>>
    tpu.enqueue_indirect_dma source(%dma_start3A_15 : memref<10000x16xf32, #tpu.memory_space<vmem_shared>>) target(%arg10 : memref<128x16xf32, #tpu.memory_space<vmem>>) offsets(%dma_start3A_12 : memref<128xi32, #tpu.memory_space<vmem>>) semaphore(%arg15 : memref<!tpu.dma_semaphore, #tpu.memory_space<semaphore_mem>>)
    %add3A_16 = arith.constant 2 : i32
    %add3A_17 = arith.addi %mul3A_7, %add3A_16 : i32
    "tpu.region"() ({
      %run_scoped3A = tpu.sem_alloc : memref<!tpu.dma_semaphore, #tpu.memory_space<semaphore_mem>>
      %dma_start3A_38 = arith.constant 0 : i32
      %dma_start3A_39 = tpu.memref_slice %arg3[%add3A_17, %dma_start3A_38] : memref<5120x128xi32, #tpu.memory_space<hbm>> -> memref<2x128xi32, #tpu.memory_space<hbm>>
      %dma_start3A_40 = arith.constant 0 : i32
      %dma_start3A_41 = tpu.memref_slice %arg3[%add3A_17, %dma_start3A_40] : memref<5120x128xi32, #tpu.memory_space<hbm>> -> memref<2x128xi32, #tpu.memory_space<hbm>>
      tpu.enqueue_dma source(%dma_start3A_41 : memref<2x128xi32, #tpu.memory_space<hbm>>) target(%arg7 : memref<2x128xi32, #tpu.memory_space<vmem>>) target_semaphore(%run_scoped3A : memref<!tpu.dma_semaphore, #tpu.memory_space<semaphore_mem>>)
      %dma_wait3A = arith.constant 0 : i32
      %dma_wait3A_42 = tpu.memref_slice %arg3[%add3A_17, %dma_wait3A] : memref<5120x128xi32, #tpu.memory_space<hbm>> -> memref<2x128xi32, #tpu.memory_space<hbm>>
      %dma_wait3A_43 = arith.constant 0 : i32
      %dma_wait3A_44 = tpu.memref_slice %arg3[%add3A_17, %dma_wait3A_43] : memref<5120x128xi32, #tpu.memory_space<hbm>> -> memref<2x128xi32, #tpu.memory_space<hbm>>
      tpu.wait_dma2 semaphore(%run_scoped3A : memref<!tpu.dma_semaphore, #tpu.memory_space<semaphore_mem>>) src(%dma_wait3A_44 : memref<2x128xi32, #tpu.memory_space<hbm>>) dst(%arg7 : memref<2x128xi32, #tpu.memory_space<vmem>>)
      tpu.yield
    }) : () -> ()
    %dma_start3A_18 = arith.constant 0 : i32
    %dma_start3A_19 = arith.constant 0 : i32
    %dma_start3A_20 = tpu.memref_slice %arg7[%dma_start3A_18, %dma_start3A_19] : memref<2x128xi32, #tpu.memory_space<vmem>> -> memref<1x128xi32, #tpu.memory_space<vmem>>
    %dma_start3A_21 = tpu.memref_squeeze %dma_start3A_20 : memref<1x128xi32, #tpu.memory_space<vmem>> -> memref<128xi32, #tpu.memory_space<vmem>>
    %dma_start3A_22 = arith.constant 0 : i32
    %dma_start3A_23 = arith.constant 0 : i32
    %dma_start3A_24 = tpu.memref_slice %arg14[%dma_start3A_22, %dma_start3A_23] : memref<10000x16xf32, #tpu.memory_space<vmem_shared>> -> memref<10000x16xf32, #tpu.memory_space<vmem_shared>>
    tpu.enqueue_indirect_dma source(%dma_start3A_24 : memref<10000x16xf32, #tpu.memory_space<vmem_shared>>) target(%arg11 : memref<128x16xf32, #tpu.memory_space<vmem>>) offsets(%dma_start3A_21 : memref<128xi32, #tpu.memory_space<vmem>>) semaphore(%arg16 : memref<!tpu.dma_semaphore, #tpu.memory_space<semaphore_mem>>)
    %scan3A_25 = arith.constant 0 : i32
    %scan3A_26 = arith.constant 0 : i32
    %scan3A_27 = arith.constant 20 : i32
    %scan3A_28 = arith.addi %scan3A_26, %scan3A_27 : i32
    %scan3A_29 = arith.constant 1 : i32
    scf.for %scan3A_38 = %scan3A_26 to %scan3A_28 step %scan3A_29  : i32 {
      %mul3A_39 = arith.constant 4 : i32
      %mul3A_40 = arith.muli %mul3A_39, %scan3A_38 : i32
      %add3A_41 = arith.constant 0 : i32
      %add3A_42 = arith.addi %mul3A_40, %add3A_41 : i32
      %dma_wait3A = arith.constant 0 : i32
      %dma_wait3A_43 = arith.constant 0 : i32
      %dma_wait3A_44 = tpu.memref_slice %arg6[%dma_wait3A, %dma_wait3A_43] : memref<2x128xi32, #tpu.memory_space<vmem>> -> memref<1x128xi32, #tpu.memory_space<vmem>>
      %dma_wait3A_45 = tpu.memref_squeeze %dma_wait3A_44 : memref<1x128xi32, #tpu.memory_space<vmem>> -> memref<128xi32, #tpu.memory_space<vmem>>
      %dma_wait3A_46 = arith.constant 0 : i32
      %dma_wait3A_47 = arith.constant 0 : i32
      %dma_wait3A_48 = tpu.memref_slice %arg14[%dma_wait3A_46, %dma_wait3A_47] : memref<10000x16xf32, #tpu.memory_space<vmem_shared>> -> memref<10000x16xf32, #tpu.memory_space<vmem_shared>>
      tpu.wait_indirect_dma semaphore(%arg15 : memref<!tpu.dma_semaphore, #tpu.memory_space<semaphore_mem>>) src(%dma_wait3A_48 : memref<10000x16xf32, #tpu.memory_space<vmem_shared>>) dst(%arg10 : memref<128x16xf32, #tpu.memory_space<vmem>>)
      %dma_start3A_49 = arith.constant 1 : i32
      %dma_start3A_50 = arith.constant 0 : i32
      %dma_start3A_51 = tpu.memref_slice %arg6[%dma_start3A_49, %dma_start3A_50] : memref<2x128xi32, #tpu.memory_space<vmem>> -> memref<1x128xi32, #tpu.memory_space<vmem>>
      %dma_start3A_52 = tpu.memref_squeeze %dma_start3A_51 : memref<1x128xi32, #tpu.memory_space<vmem>> -> memref<128xi32, #tpu.memory_space<vmem>>
      %dma_start3A_53 = arith.constant 0 : i32
      %dma_start3A_54 = arith.constant 0 : i32
      %dma_start3A_55 = tpu.memref_slice %arg13[%dma_start3A_53, %dma_start3A_54] : memref<10000x16xf32, #tpu.memory_space<vmem_shared>> -> memref<10000x16xf32, #tpu.memory_space<vmem_shared>>
      tpu.enqueue_indirect_dma source(%arg10 : memref<128x16xf32, #tpu.memory_space<vmem>>) target(%dma_start3A_55 : memref<10000x16xf32, #tpu.memory_space<vmem_shared>>) offsets(%dma_start3A_52 : memref<128xi32, #tpu.memory_space<vmem>>) semaphore(%arg17 : memref<!tpu.dma_semaphore, #tpu.memory_space<semaphore_mem>>) {add = true}
      %add3A_56 = arith.constant 2 : i32
      %add3A_57 = arith.addi %add3A_42, %add3A_56 : i32
      %lt3A = arith.constant 80 : i32
      %lt3A_58 = arith.cmpi slt, %add3A_57, %lt3A : i32
      %convert_element_type3A = arith.extui %lt3A_58 : i1 to i32
      %cond3A = arith.constant 0 : i32
      %cond3A_59 = arith.cmpi ne, %convert_element_type3A, %cond3A : i32
      scf.if %cond3A_59 {
        %add3A_191 = arith.constant 2 : i32
        %add3A_192 = arith.addi %add3A_42, %add3A_191 : i32
        %mul3A_193 = arith.constant 2 : i32
        %mul3A_194 = arith.muli %mul3A_193, %add3A_192 : i32
        %add3A_195 = arith.addi %mul3A_7, %mul3A_194 : i32
        %dma_start3A_196 = arith.constant 0 : i32
        %dma_start3A_197 = tpu.memref_slice %arg3[%add3A_195, %dma_start3A_196] : memref<5120x128xi32, #tpu.memory_space<hbm>> -> memref<2x128xi32, #tpu.memory_space<hbm>>
        %dma_start3A_198 = arith.constant 0 : i32
        %dma_start3A_199 = tpu.memref_slice %arg3[%add3A_195, %dma_start3A_198] : memref<5120x128xi32, #tpu.memory_space<hbm>> -> memref<2x128xi32, #tpu.memory_space<hbm>>
        tpu.enqueue_dma source(%dma_start3A_199 : memref<2x128xi32, #tpu.memory_space<hbm>>) target(%arg8 : memref<2x128xi32, #tpu.memory_space<vmem>>) target_semaphore(%arg21 : memref<!tpu.dma_semaphore, #tpu.memory_space<semaphore_mem>>)
      } else {
      }
      %dma_wait3A_60 = arith.constant 1 : i32
      %dma_wait3A_61 = arith.constant 0 : i32
      %dma_wait3A_62 = tpu.memref_slice %arg6[%dma_wait3A_60, %dma_wait3A_61] : memref<2x128xi32, #tpu.memory_space<vmem>> -> memref<1x128xi32, #tpu.memory_space<vmem>>
      %dma_wait3A_63 = tpu.memref_squeeze %dma_wait3A_62 : memref<1x128xi32, #tpu.memory_space<vmem>> -> memref<128xi32, #tpu.memory_space<vmem>>
      %dma_wait3A_64 = arith.constant 0 : i32
      %dma_wait3A_65 = arith.constant 0 : i32
      %dma_wait3A_66 = tpu.memref_slice %arg13[%dma_wait3A_64, %dma_wait3A_65] : memref<10000x16xf32, #tpu.memory_space<vmem_shared>> -> memref<10000x16xf32, #tpu.memory_space<vmem_shared>>
      tpu.wait_indirect_dma semaphore(%arg17 : memref<!tpu.dma_semaphore, #tpu.memory_space<semaphore_mem>>) src(%arg10 : memref<128x16xf32, #tpu.memory_space<vmem>>) dst(%dma_wait3A_66 : memref<10000x16xf32, #tpu.memory_space<vmem_shared>>)
      %add3A_67 = arith.constant 2 : i32
      %add3A_68 = arith.addi %add3A_42, %add3A_67 : i32
      %lt3A_69 = arith.constant 80 : i32
      %lt3A_70 = arith.cmpi slt, %add3A_68, %lt3A_69 : i32
      %convert_element_type3A_71 = arith.extui %lt3A_70 : i1 to i32
      %cond3A_72 = arith.constant 0 : i32
      %cond3A_73 = arith.cmpi ne, %convert_element_type3A_71, %cond3A_72 : i32
      scf.if %cond3A_73 {
        %add3A_191 = arith.constant 2 : i32
        %add3A_192 = arith.addi %add3A_42, %add3A_191 : i32
        %mul3A_193 = arith.constant 2 : i32
        %mul3A_194 = arith.muli %mul3A_193, %add3A_192 : i32
        %add3A_195 = arith.addi %mul3A_7, %mul3A_194 : i32
        %dma_wait3A_196 = arith.constant 0 : i32
        %dma_wait3A_197 = tpu.memref_slice %arg3[%add3A_195, %dma_wait3A_196] : memref<5120x128xi32, #tpu.memory_space<hbm>> -> memref<2x128xi32, #tpu.memory_space<hbm>>
        %dma_wait3A_198 = arith.constant 0 : i32
        %dma_wait3A_199 = tpu.memref_slice %arg3[%add3A_195, %dma_wait3A_198] : memref<5120x128xi32, #tpu.memory_space<hbm>> -> memref<2x128xi32, #tpu.memory_space<hbm>>
        tpu.wait_dma2 semaphore(%arg21 : memref<!tpu.dma_semaphore, #tpu.memory_space<semaphore_mem>>) src(%dma_wait3A_199 : memref<2x128xi32, #tpu.memory_space<hbm>>) dst(%arg8 : memref<2x128xi32, #tpu.memory_space<vmem>>)
        %dma_start3A_200 = arith.constant 0 : i32
        %dma_start3A_201 = arith.constant 0 : i32
        %dma_start3A_202 = tpu.memref_slice %arg8[%dma_start3A_200, %dma_start3A_201] : memref<2x128xi32, #tpu.memory_space<vmem>> -> memref<1x128xi32, #tpu.memory_space<vmem>>
        %dma_start3A_203 = tpu.memref_squeeze %dma_start3A_202 : memref<1x128xi32, #tpu.memory_space<vmem>> -> memref<128xi32, #tpu.memory_space<vmem>>
        %dma_start3A_204 = arith.constant 0 : i32
        %dma_start3A_205 = arith.constant 0 : i32
        %dma_start3A_206 = tpu.memref_slice %arg14[%dma_start3A_204, %dma_start3A_205] : memref<10000x16xf32, #tpu.memory_space<vmem_shared>> -> memref<10000x16xf32, #tpu.memory_space<vmem_shared>>
        tpu.enqueue_indirect_dma source(%dma_start3A_206 : memref<10000x16xf32, #tpu.memory_space<vmem_shared>>) target(%arg10 : memref<128x16xf32, #tpu.memory_space<vmem>>) offsets(%dma_start3A_203 : memref<128xi32, #tpu.memory_space<vmem>>) semaphore(%arg15 : memref<!tpu.dma_semaphore, #tpu.memory_space<semaphore_mem>>)
      } else {
      }
      %mul3A_74 = arith.constant 4 : i32
      %mul3A_75 = arith.muli %mul3A_74, %scan3A_38 : i32
      %add3A_76 = arith.constant 1 : i32
      %add3A_77 = arith.addi %mul3A_75, %add3A_76 : i32
      %dma_wait3A_78 = arith.constant 0 : i32
      %dma_wait3A_79 = arith.constant 0 : i32
      %dma_wait3A_80 = tpu.memref_slice %arg7[%dma_wait3A_78, %dma_wait3A_79] : memref<2x128xi32, #tpu.memory_space<vmem>> -> memref<1x128xi32, #tpu.memory_space<vmem>>
      %dma_wait3A_81 = tpu.memref_squeeze %dma_wait3A_80 : memref<1x128xi32, #tpu.memory_space<vmem>> -> memref<128xi32, #tpu.memory_space<vmem>>
      %dma_wait3A_82 = arith.constant 0 : i32
      %dma_wait3A_83 = arith.constant 0 : i32
      %dma_wait3A_84 = tpu.memref_slice %arg14[%dma_wait3A_82, %dma_wait3A_83] : memref<10000x16xf32, #tpu.memory_space<vmem_shared>> -> memref<10000x16xf32, #tpu.memory_space<vmem_shared>>
      tpu.wait_indirect_dma semaphore(%arg16 : memref<!tpu.dma_semaphore, #tpu.memory_space<semaphore_mem>>) src(%dma_wait3A_84 : memref<10000x16xf32, #tpu.memory_space<vmem_shared>>) dst(%arg11 : memref<128x16xf32, #tpu.memory_space<vmem>>)
      %dma_start3A_85 = arith.constant 1 : i32
      %dma_start3A_86 = arith.constant 0 : i32
      %dma_start3A_87 = tpu.memref_slice %arg7[%dma_start3A_85, %dma_start3A_86] : memref<2x128xi32, #tpu.memory_space<vmem>> -> memref<1x128xi32, #tpu.memory_space<vmem>>
      %dma_start3A_88 = tpu.memref_squeeze %dma_start3A_87 : memref<1x128xi32, #tpu.memory_space<vmem>> -> memref<128xi32, #tpu.memory_space<vmem>>
      %dma_start3A_89 = arith.constant 0 : i32
      %dma_start3A_90 = arith.constant 0 : i32
      %dma_start3A_91 = tpu.memref_slice %arg13[%dma_start3A_89, %dma_start3A_90] : memref<10000x16xf32, #tpu.memory_space<vmem_shared>> -> memref<10000x16xf32, #tpu.memory_space<vmem_shared>>
      tpu.enqueue_indirect_dma source(%arg11 : memref<128x16xf32, #tpu.memory_space<vmem>>) target(%dma_start3A_91 : memref<10000x16xf32, #tpu.memory_space<vmem_shared>>) offsets(%dma_start3A_88 : memref<128xi32, #tpu.memory_space<vmem>>) semaphore(%arg18 : memref<!tpu.dma_semaphore, #tpu.memory_space<semaphore_mem>>) {add = true}
      %add3A_92 = arith.constant 2 : i32
      %add3A_93 = arith.addi %add3A_77, %add3A_92 : i32
      %lt3A_94 = arith.constant 80 : i32
      %lt3A_95 = arith.cmpi slt, %add3A_93, %lt3A_94 : i32
      %convert_element_type3A_96 = arith.extui %lt3A_95 : i1 to i32
      %cond3A_97 = arith.constant 0 : i32
      %cond3A_98 = arith.cmpi ne, %convert_element_type3A_96, %cond3A_97 : i32
      scf.if %cond3A_98 {
        %add3A_191 = arith.constant 2 : i32
        %add3A_192 = arith.addi %add3A_77, %add3A_191 : i32
        %mul3A_193 = arith.constant 2 : i32
        %mul3A_194 = arith.muli %mul3A_193, %add3A_192 : i32
        %add3A_195 = arith.addi %mul3A_7, %mul3A_194 : i32
        %dma_start3A_196 = arith.constant 0 : i32
        %dma_start3A_197 = tpu.memref_slice %arg3[%add3A_195, %dma_start3A_196] : memref<5120x128xi32, #tpu.memory_space<hbm>> -> memref<2x128xi32, #tpu.memory_space<hbm>>
        %dma_start3A_198 = arith.constant 0 : i32
        %dma_start3A_199 = tpu.memref_slice %arg3[%add3A_195, %dma_start3A_198] : memref<5120x128xi32, #tpu.memory_space<hbm>> -> memref<2x128xi32, #tpu.memory_space<hbm>>
        tpu.enqueue_dma source(%dma_start3A_199 : memref<2x128xi32, #tpu.memory_space<hbm>>) target(%arg9 : memref<2x128xi32, #tpu.memory_space<vmem>>) target_semaphore(%arg22 : memref<!tpu.dma_semaphore, #tpu.memory_space<semaphore_mem>>)
      } else {
      }
      %dma_wait3A_99 = arith.constant 1 : i32
      %dma_wait3A_100 = arith.constant 0 : i32
      %dma_wait3A_101 = tpu.memref_slice %arg7[%dma_wait3A_99, %dma_wait3A_100] : memref<2x128xi32, #tpu.memory_space<vmem>> -> memref<1x128xi32, #tpu.memory_space<vmem>>
      %dma_wait3A_102 = tpu.memref_squeeze %dma_wait3A_101 : memref<1x128xi32, #tpu.memory_space<vmem>> -> memref<128xi32, #tpu.memory_space<vmem>>
      %dma_wait3A_103 = arith.constant 0 : i32
      %dma_wait3A_104 = arith.constant 0 : i32
      %dma_wait3A_105 = tpu.memref_slice %arg13[%dma_wait3A_103, %dma_wait3A_104] : memref<10000x16xf32, #tpu.memory_space<vmem_shared>> -> memref<10000x16xf32, #tpu.memory_space<vmem_shared>>
      tpu.wait_indirect_dma semaphore(%arg18 : memref<!tpu.dma_semaphore, #tpu.memory_space<semaphore_mem>>) src(%arg11 : memref<128x16xf32, #tpu.memory_space<vmem>>) dst(%dma_wait3A_105 : memref<10000x16xf32, #tpu.memory_space<vmem_shared>>)
      %add3A_106 = arith.constant 2 : i32
      %add3A_107 = arith.addi %add3A_77, %add3A_106 : i32
      %lt3A_108 = arith.constant 80 : i32
      %lt3A_109 = arith.cmpi slt, %add3A_107, %lt3A_108 : i32
      %convert_element_type3A_110 = arith.extui %lt3A_109 : i1 to i32
      %cond3A_111 = arith.constant 0 : i32
      %cond3A_112 = arith.cmpi ne, %convert_element_type3A_110, %cond3A_111 : i32
      scf.if %cond3A_112 {
        %add3A_191 = arith.constant 2 : i32
        %add3A_192 = arith.addi %add3A_77, %add3A_191 : i32
        %mul3A_193 = arith.constant 2 : i32
        %mul3A_194 = arith.muli %mul3A_193, %add3A_192 : i32
        %add3A_195 = arith.addi %mul3A_7, %mul3A_194 : i32
        %dma_wait3A_196 = arith.constant 0 : i32
        %dma_wait3A_197 = tpu.memref_slice %arg3[%add3A_195, %dma_wait3A_196] : memref<5120x128xi32, #tpu.memory_space<hbm>> -> memref<2x128xi32, #tpu.memory_space<hbm>>
        %dma_wait3A_198 = arith.constant 0 : i32
        %dma_wait3A_199 = tpu.memref_slice %arg3[%add3A_195, %dma_wait3A_198] : memref<5120x128xi32, #tpu.memory_space<hbm>> -> memref<2x128xi32, #tpu.memory_space<hbm>>
        tpu.wait_dma2 semaphore(%arg22 : memref<!tpu.dma_semaphore, #tpu.memory_space<semaphore_mem>>) src(%dma_wait3A_199 : memref<2x128xi32, #tpu.memory_space<hbm>>) dst(%arg9 : memref<2x128xi32, #tpu.memory_space<vmem>>)
        %dma_start3A_200 = arith.constant 0 : i32
        %dma_start3A_201 = arith.constant 0 : i32
        %dma_start3A_202 = tpu.memref_slice %arg9[%dma_start3A_200, %dma_start3A_201] : memref<2x128xi32, #tpu.memory_space<vmem>> -> memref<1x128xi32, #tpu.memory_space<vmem>>
        %dma_start3A_203 = tpu.memref_squeeze %dma_start3A_202 : memref<1x128xi32, #tpu.memory_space<vmem>> -> memref<128xi32, #tpu.memory_space<vmem>>
        %dma_start3A_204 = arith.constant 0 : i32
        %dma_start3A_205 = arith.constant 0 : i32
        %dma_start3A_206 = tpu.memref_slice %arg14[%dma_start3A_204, %dma_start3A_205] : memref<10000x16xf32, #tpu.memory_space<vmem_shared>> -> memref<10000x16xf32, #tpu.memory_space<vmem_shared>>
        tpu.enqueue_indirect_dma source(%dma_start3A_206 : memref<10000x16xf32, #tpu.memory_space<vmem_shared>>) target(%arg11 : memref<128x16xf32, #tpu.memory_space<vmem>>) offsets(%dma_start3A_203 : memref<128xi32, #tpu.memory_space<vmem>>) semaphore(%arg16 : memref<!tpu.dma_semaphore, #tpu.memory_space<semaphore_mem>>)
      } else {
      }
      %mul3A_113 = arith.constant 4 : i32
      %mul3A_114 = arith.muli %mul3A_113, %scan3A_38 : i32
      %add3A_115 = arith.constant 2 : i32
      %add3A_116 = arith.addi %mul3A_114, %add3A_115 : i32
      %dma_wait3A_117 = arith.constant 0 : i32
      %dma_wait3A_118 = arith.constant 0 : i32
      %dma_wait3A_119 = tpu.memref_slice %arg8[%dma_wait3A_117, %dma_wait3A_118] : memref<2x128xi32, #tpu.memory_space<vmem>> -> memref<1x128xi32, #tpu.memory_space<vmem>>
      %dma_wait3A_120 = tpu.memref_squeeze %dma_wait3A_119 : memref<1x128xi32, #tpu.memory_space<vmem>> -> memref<128xi32, #tpu.memory_space<vmem>>
      %dma_wait3A_121 = arith.constant 0 : i32
      %dma_wait3A_122 = arith.constant 0 : i32
      %dma_wait3A_123 = tpu.memref_slice %arg14[%dma_wait3A_121, %dma_wait3A_122] : memref<10000x16xf32, #tpu.memory_space<vmem_shared>> -> memref<10000x16xf32, #tpu.memory_space<vmem_shared>>
      tpu.wait_indirect_dma semaphore(%arg15 : memref<!tpu.dma_semaphore, #tpu.memory_space<semaphore_mem>>) src(%dma_wait3A_123 : memref<10000x16xf32, #tpu.memory_space<vmem_shared>>) dst(%arg10 : memref<128x16xf32, #tpu.memory_space<vmem>>)
      %dma_start3A_124 = arith.constant 1 : i32
      %dma_start3A_125 = arith.constant 0 : i32
      %dma_start3A_126 = tpu.memref_slice %arg8[%dma_start3A_124, %dma_start3A_125] : memref<2x128xi32, #tpu.memory_space<vmem>> -> memref<1x128xi32, #tpu.memory_space<vmem>>
      %dma_start3A_127 = tpu.memref_squeeze %dma_start3A_126 : memref<1x128xi32, #tpu.memory_space<vmem>> -> memref<128xi32, #tpu.memory_space<vmem>>
      %dma_start3A_128 = arith.constant 0 : i32
      %dma_start3A_129 = arith.constant 0 : i32
      %dma_start3A_130 = tpu.memref_slice %arg13[%dma_start3A_128, %dma_start3A_129] : memref<10000x16xf32, #tpu.memory_space<vmem_shared>> -> memref<10000x16xf32, #tpu.memory_space<vmem_shared>>
      tpu.enqueue_indirect_dma source(%arg10 : memref<128x16xf32, #tpu.memory_space<vmem>>) target(%dma_start3A_130 : memref<10000x16xf32, #tpu.memory_space<vmem_shared>>) offsets(%dma_start3A_127 : memref<128xi32, #tpu.memory_space<vmem>>) semaphore(%arg17 : memref<!tpu.dma_semaphore, #tpu.memory_space<semaphore_mem>>) {add = true}
      %add3A_131 = arith.constant 2 : i32
      %add3A_132 = arith.addi %add3A_116, %add3A_131 : i32
      %lt3A_133 = arith.constant 80 : i32
      %lt3A_134 = arith.cmpi slt, %add3A_132, %lt3A_133 : i32
      %convert_element_type3A_135 = arith.extui %lt3A_134 : i1 to i32
      %cond3A_136 = arith.constant 0 : i32
      %cond3A_137 = arith.cmpi ne, %convert_element_type3A_135, %cond3A_136 : i32
      scf.if %cond3A_137 {
        %add3A_191 = arith.constant 2 : i32
        %add3A_192 = arith.addi %add3A_116, %add3A_191 : i32
        %mul3A_193 = arith.constant 2 : i32
        %mul3A_194 = arith.muli %mul3A_193, %add3A_192 : i32
        %add3A_195 = arith.addi %mul3A_7, %mul3A_194 : i32
        %dma_start3A_196 = arith.constant 0 : i32
        %dma_start3A_197 = tpu.memref_slice %arg3[%add3A_195, %dma_start3A_196] : memref<5120x128xi32, #tpu.memory_space<hbm>> -> memref<2x128xi32, #tpu.memory_space<hbm>>
        %dma_start3A_198 = arith.constant 0 : i32
        %dma_start3A_199 = tpu.memref_slice %arg3[%add3A_195, %dma_start3A_198] : memref<5120x128xi32, #tpu.memory_space<hbm>> -> memref<2x128xi32, #tpu.memory_space<hbm>>
        tpu.enqueue_dma source(%dma_start3A_199 : memref<2x128xi32, #tpu.memory_space<hbm>>) target(%arg6 : memref<2x128xi32, #tpu.memory_space<vmem>>) target_semaphore(%arg19 : memref<!tpu.dma_semaphore, #tpu.memory_space<semaphore_mem>>)
      } else {
      }
      %dma_wait3A_138 = arith.constant 1 : i32
      %dma_wait3A_139 = arith.constant 0 : i32
      %dma_wait3A_140 = tpu.memref_slice %arg8[%dma_wait3A_138, %dma_wait3A_139] : memref<2x128xi32, #tpu.memory_space<vmem>> -> memref<1x128xi32, #tpu.memory_space<vmem>>
      %dma_wait3A_141 = tpu.memref_squeeze %dma_wait3A_140 : memref<1x128xi32, #tpu.memory_space<vmem>> -> memref<128xi32, #tpu.memory_space<vmem>>
      %dma_wait3A_142 = arith.constant 0 : i32
      %dma_wait3A_143 = arith.constant 0 : i32
      %dma_wait3A_144 = tpu.memref_slice %arg13[%dma_wait3A_142, %dma_wait3A_143] : memref<10000x16xf32, #tpu.memory_space<vmem_shared>> -> memref<10000x16xf32, #tpu.memory_space<vmem_shared>>
      tpu.wait_indirect_dma semaphore(%arg17 : memref<!tpu.dma_semaphore, #tpu.memory_space<semaphore_mem>>) src(%arg10 : memref<128x16xf32, #tpu.memory_space<vmem>>) dst(%dma_wait3A_144 : memref<10000x16xf32, #tpu.memory_space<vmem_shared>>)
      %add3A_145 = arith.constant 2 : i32
      %add3A_146 = arith.addi %add3A_116, %add3A_145 : i32
      %lt3A_147 = arith.constant 80 : i32
      %lt3A_148 = arith.cmpi slt, %add3A_146, %lt3A_147 : i32
      %convert_element_type3A_149 = arith.extui %lt3A_148 : i1 to i32
      %cond3A_150 = arith.constant 0 : i32
      %cond3A_151 = arith.cmpi ne, %convert_element_type3A_149, %cond3A_150 : i32
      scf.if %cond3A_151 {
        %add3A_191 = arith.constant 2 : i32
        %add3A_192 = arith.addi %add3A_116, %add3A_191 : i32
        %mul3A_193 = arith.constant 2 : i32
        %mul3A_194 = arith.muli %mul3A_193, %add3A_192 : i32
        %add3A_195 = arith.addi %mul3A_7, %mul3A_194 : i32
        %dma_wait3A_196 = arith.constant 0 : i32
        %dma_wait3A_197 = tpu.memref_slice %arg3[%add3A_195, %dma_wait3A_196] : memref<5120x128xi32, #tpu.memory_space<hbm>> -> memref<2x128xi32, #tpu.memory_space<hbm>>
        %dma_wait3A_198 = arith.constant 0 : i32
        %dma_wait3A_199 = tpu.memref_slice %arg3[%add3A_195, %dma_wait3A_198] : memref<5120x128xi32, #tpu.memory_space<hbm>> -> memref<2x128xi32, #tpu.memory_space<hbm>>
        tpu.wait_dma2 semaphore(%arg19 : memref<!tpu.dma_semaphore, #tpu.memory_space<semaphore_mem>>) src(%dma_wait3A_199 : memref<2x128xi32, #tpu.memory_space<hbm>>) dst(%arg6 : memref<2x128xi32, #tpu.memory_space<vmem>>)
        %dma_start3A_200 = arith.constant 0 : i32
        %dma_start3A_201 = arith.constant 0 : i32
        %dma_start3A_202 = tpu.memref_slice %arg6[%dma_start3A_200, %dma_start3A_201] : memref<2x128xi32, #tpu.memory_space<vmem>> -> memref<1x128xi32, #tpu.memory_space<vmem>>
        %dma_start3A_203 = tpu.memref_squeeze %dma_start3A_202 : memref<1x128xi32, #tpu.memory_space<vmem>> -> memref<128xi32, #tpu.memory_space<vmem>>
        %dma_start3A_204 = arith.constant 0 : i32
        %dma_start3A_205 = arith.constant 0 : i32
        %dma_start3A_206 = tpu.memref_slice %arg14[%dma_start3A_204, %dma_start3A_205] : memref<10000x16xf32, #tpu.memory_space<vmem_shared>> -> memref<10000x16xf32, #tpu.memory_space<vmem_shared>>
        tpu.enqueue_indirect_dma source(%dma_start3A_206 : memref<10000x16xf32, #tpu.memory_space<vmem_shared>>) target(%arg10 : memref<128x16xf32, #tpu.memory_space<vmem>>) offsets(%dma_start3A_203 : memref<128xi32, #tpu.memory_space<vmem>>) semaphore(%arg15 : memref<!tpu.dma_semaphore, #tpu.memory_space<semaphore_mem>>)
      } else {
      }
      %mul3A_152 = arith.constant 4 : i32
      %mul3A_153 = arith.muli %mul3A_152, %scan3A_38 : i32
      %add3A_154 = arith.constant 3 : i32
      %add3A_155 = arith.addi %mul3A_153, %add3A_154 : i32
      %dma_wait3A_156 = arith.constant 0 : i32
      %dma_wait3A_157 = arith.constant 0 : i32
      %dma_wait3A_158 = tpu.memref_slice %arg9[%dma_wait3A_156, %dma_wait3A_157] : memref<2x128xi32, #tpu.memory_space<vmem>> -> memref<1x128xi32, #tpu.memory_space<vmem>>
      %dma_wait3A_159 = tpu.memref_squeeze %dma_wait3A_158 : memref<1x128xi32, #tpu.memory_space<vmem>> -> memref<128xi32, #tpu.memory_space<vmem>>
      %dma_wait3A_160 = arith.constant 0 : i32
      %dma_wait3A_161 = arith.constant 0 : i32
      %dma_wait3A_162 = tpu.memref_slice %arg14[%dma_wait3A_160, %dma_wait3A_161] : memref<10000x16xf32, #tpu.memory_space<vmem_shared>> -> memref<10000x16xf32, #tpu.memory_space<vmem_shared>>
      tpu.wait_indirect_dma semaphore(%arg16 : memref<!tpu.dma_semaphore, #tpu.memory_space<semaphore_mem>>) src(%dma_wait3A_162 : memref<10000x16xf32, #tpu.memory_space<vmem_shared>>) dst(%arg11 : memref<128x16xf32, #tpu.memory_space<vmem>>)
      %dma_start3A_163 = arith.constant 1 : i32
      %dma_start3A_164 = arith.constant 0 : i32
      %dma_start3A_165 = tpu.memref_slice %arg9[%dma_start3A_163, %dma_start3A_164] : memref<2x128xi32, #tpu.memory_space<vmem>> -> memref<1x128xi32, #tpu.memory_space<vmem>>
      %dma_start3A_166 = tpu.memref_squeeze %dma_start3A_165 : memref<1x128xi32, #tpu.memory_space<vmem>> -> memref<128xi32, #tpu.memory_space<vmem>>
      %dma_start3A_167 = arith.constant 0 : i32
      %dma_start3A_168 = arith.constant 0 : i32
      %dma_start3A_169 = tpu.memref_slice %arg13[%dma_start3A_167, %dma_start3A_168] : memref<10000x16xf32, #tpu.memory_space<vmem_shared>> -> memref<10000x16xf32, #tpu.memory_space<vmem_shared>>
      tpu.enqueue_indirect_dma source(%arg11 : memref<128x16xf32, #tpu.memory_space<vmem>>) target(%dma_start3A_169 : memref<10000x16xf32, #tpu.memory_space<vmem_shared>>) offsets(%dma_start3A_166 : memref<128xi32, #tpu.memory_space<vmem>>) semaphore(%arg18 : memref<!tpu.dma_semaphore, #tpu.memory_space<semaphore_mem>>) {add = true}
      %add3A_170 = arith.constant 2 : i32
      %add3A_171 = arith.addi %add3A_155, %add3A_170 : i32
      %lt3A_172 = arith.constant 80 : i32
      %lt3A_173 = arith.cmpi slt, %add3A_171, %lt3A_172 : i32
      %convert_element_type3A_174 = arith.extui %lt3A_173 : i1 to i32
      %cond3A_175 = arith.constant 0 : i32
      %cond3A_176 = arith.cmpi ne, %convert_element_type3A_174, %cond3A_175 : i32
      scf.if %cond3A_176 {
        %add3A_191 = arith.constant 2 : i32
        %add3A_192 = arith.addi %add3A_155, %add3A_191 : i32
        %mul3A_193 = arith.constant 2 : i32
        %mul3A_194 = arith.muli %mul3A_193, %add3A_192 : i32
        %add3A_195 = arith.addi %mul3A_7, %mul3A_194 : i32
        %dma_start3A_196 = arith.constant 0 : i32
        %dma_start3A_197 = tpu.memref_slice %arg3[%add3A_195, %dma_start3A_196] : memref<5120x128xi32, #tpu.memory_space<hbm>> -> memref<2x128xi32, #tpu.memory_space<hbm>>
        %dma_start3A_198 = arith.constant 0 : i32
        %dma_start3A_199 = tpu.memref_slice %arg3[%add3A_195, %dma_start3A_198] : memref<5120x128xi32, #tpu.memory_space<hbm>> -> memref<2x128xi32, #tpu.memory_space<hbm>>
        tpu.enqueue_dma source(%dma_start3A_199 : memref<2x128xi32, #tpu.memory_space<hbm>>) target(%arg7 : memref<2x128xi32, #tpu.memory_space<vmem>>) target_semaphore(%arg20 : memref<!tpu.dma_semaphore, #tpu.memory_space<semaphore_mem>>)
      } else {
      }
      %dma_wait3A_177 = arith.constant 1 : i32
      %dma_wait3A_178 = arith.constant 0 : i32
      %dma_wait3A_179 = tpu.memref_slice %arg9[%dma_wait3A_177, %dma_wait3A_178] : memref<2x128xi32, #tpu.memory_space<vmem>> -> memref<1x128xi32, #tpu.memory_space<vmem>>
      %dma_wait3A_180 = tpu.memref_squeeze %dma_wait3A_179 : memref<1x128xi32, #tpu.memory_space<vmem>> -> memref<128xi32, #tpu.memory_space<vmem>>
      %dma_wait3A_181 = arith.constant 0 : i32
      %dma_wait3A_182 = arith.constant 0 : i32
      %dma_wait3A_183 = tpu.memref_slice %arg13[%dma_wait3A_181, %dma_wait3A_182] : memref<10000x16xf32, #tpu.memory_space<vmem_shared>> -> memref<10000x16xf32, #tpu.memory_space<vmem_shared>>
      tpu.wait_indirect_dma semaphore(%arg18 : memref<!tpu.dma_semaphore, #tpu.memory_space<semaphore_mem>>) src(%arg11 : memref<128x16xf32, #tpu.memory_space<vmem>>) dst(%dma_wait3A_183 : memref<10000x16xf32, #tpu.memory_space<vmem_shared>>)
      %add3A_184 = arith.constant 2 : i32
      %add3A_185 = arith.addi %add3A_155, %add3A_184 : i32
      %lt3A_186 = arith.constant 80 : i32
      %lt3A_187 = arith.cmpi slt, %add3A_185, %lt3A_186 : i32
      %convert_element_type3A_188 = arith.extui %lt3A_187 : i1 to i32
      %cond3A_189 = arith.constant 0 : i32
      %cond3A_190 = arith.cmpi ne, %convert_element_type3A_188, %cond3A_189 : i32
      scf.if %cond3A_190 {
        %add3A_191 = arith.constant 2 : i32
        %add3A_192 = arith.addi %add3A_155, %add3A_191 : i32
        %mul3A_193 = arith.constant 2 : i32
        %mul3A_194 = arith.muli %mul3A_193, %add3A_192 : i32
        %add3A_195 = arith.addi %mul3A_7, %mul3A_194 : i32
        %dma_wait3A_196 = arith.constant 0 : i32
        %dma_wait3A_197 = tpu.memref_slice %arg3[%add3A_195, %dma_wait3A_196] : memref<5120x128xi32, #tpu.memory_space<hbm>> -> memref<2x128xi32, #tpu.memory_space<hbm>>
        %dma_wait3A_198 = arith.constant 0 : i32
        %dma_wait3A_199 = tpu.memref_slice %arg3[%add3A_195, %dma_wait3A_198] : memref<5120x128xi32, #tpu.memory_space<hbm>> -> memref<2x128xi32, #tpu.memory_space<hbm>>
        tpu.wait_dma2 semaphore(%arg20 : memref<!tpu.dma_semaphore, #tpu.memory_space<semaphore_mem>>) src(%dma_wait3A_199 : memref<2x128xi32, #tpu.memory_space<hbm>>) dst(%arg7 : memref<2x128xi32, #tpu.memory_space<vmem>>)
        %dma_start3A_200 = arith.constant 0 : i32
        %dma_start3A_201 = arith.constant 0 : i32
        %dma_start3A_202 = tpu.memref_slice %arg7[%dma_start3A_200, %dma_start3A_201] : memref<2x128xi32, #tpu.memory_space<vmem>> -> memref<1x128xi32, #tpu.memory_space<vmem>>
        %dma_start3A_203 = tpu.memref_squeeze %dma_start3A_202 : memref<1x128xi32, #tpu.memory_space<vmem>> -> memref<128xi32, #tpu.memory_space<vmem>>
        %dma_start3A_204 = arith.constant 0 : i32
        %dma_start3A_205 = arith.constant 0 : i32
        %dma_start3A_206 = tpu.memref_slice %arg14[%dma_start3A_204, %dma_start3A_205] : memref<10000x16xf32, #tpu.memory_space<vmem_shared>> -> memref<10000x16xf32, #tpu.memory_space<vmem_shared>>
        tpu.enqueue_indirect_dma source(%dma_start3A_206 : memref<10000x16xf32, #tpu.memory_space<vmem_shared>>) target(%arg11 : memref<128x16xf32, #tpu.memory_space<vmem>>) offsets(%dma_start3A_203 : memref<128xi32, #tpu.memory_space<vmem>>) semaphore(%arg16 : memref<!tpu.dma_semaphore, #tpu.memory_space<semaphore_mem>>)
      } else {
      }
    }
    %scan3A_30 = arith.constant 20 : i32
    %barrier3A_31 = arith.constant 0 : index
    tpu.barrier barrier_id(%barrier3A_31)
    %scan3A_32 = arith.constant 0 : i32
    %scan3A_33 = arith.constant 0 : i32
    %scan3A_34 = arith.constant 7 : i32
    %scan3A_35 = arith.addi %scan3A_33, %scan3A_34 : i32
    %scan3A_36 = arith.constant 1 : i32
    scf.for %scan3A_38 = %scan3A_33 to %scan3A_35 step %scan3A_36  : i32 {
      %mul3A_39 = arith.constant 16 : i32
      %mul3A_40 = arith.muli %mul3A_39, %scan3A_38 : i32
      %add3A_41 = arith.addi %arg1, %mul3A_40 : i32
      %lt3A = arith.constant 100 : i32
      %lt3A_42 = arith.cmpi slt, %add3A_41, %lt3A : i32
      %convert_element_type3A = arith.extui %lt3A_42 : i1 to i32
      %cond3A = arith.constant 0 : i32
      %cond3A_43 = arith.cmpi ne, %convert_element_type3A, %cond3A : i32
      scf.if %cond3A_43 {
        %mul3A_44 = arith.constant 100 : i32
        %mul3A_45 = arith.muli %add3A_41, %mul3A_44 : i32
        "tpu.region"() ({
          %run_scoped3A = tpu.sem_alloc : memref<!tpu.dma_semaphore, #tpu.memory_space<semaphore_mem>>
          %dma_start3A_48 = arith.constant 0 : i32
          %dma_start3A_49 = tpu.memref_slice %arg13[%mul3A_45, %dma_start3A_48] : memref<10000x16xf32, #tpu.memory_space<vmem_shared>> -> memref<100x16xf32, #tpu.memory_space<vmem_shared>>
          %dma_start3A_50 = arith.constant 0 : i32
          %dma_start3A_51 = tpu.memref_slice %arg13[%mul3A_45, %dma_start3A_50] : memref<10000x16xf32, #tpu.memory_space<vmem_shared>> -> memref<100x16xf32, #tpu.memory_space<vmem_shared>>
          tpu.enqueue_dma source(%dma_start3A_51 : memref<100x16xf32, #tpu.memory_space<vmem_shared>>) target(%arg12 : memref<100x16xf32, #tpu.memory_space<vmem>>) target_semaphore(%run_scoped3A : memref<!tpu.dma_semaphore, #tpu.memory_space<semaphore_mem>>)
          %dma_wait3A = arith.constant 0 : i32
          %dma_wait3A_52 = tpu.memref_slice %arg13[%mul3A_45, %dma_wait3A] : memref<10000x16xf32, #tpu.memory_space<vmem_shared>> -> memref<100x16xf32, #tpu.memory_space<vmem_shared>>
          %dma_wait3A_53 = arith.constant 0 : i32
          %dma_wait3A_54 = tpu.memref_slice %arg13[%mul3A_45, %dma_wait3A_53] : memref<10000x16xf32, #tpu.memory_space<vmem_shared>> -> memref<100x16xf32, #tpu.memory_space<vmem_shared>>
          tpu.wait_dma2 semaphore(%run_scoped3A : memref<!tpu.dma_semaphore, #tpu.memory_space<semaphore_mem>>) src(%dma_wait3A_54 : memref<100x16xf32, #tpu.memory_space<vmem_shared>>) dst(%arg12 : memref<100x16xf32, #tpu.memory_space<vmem>>)
          tpu.yield
        }) : () -> ()
        %mul3A_46 = arith.constant 100 : i32
        %mul3A_47 = arith.muli %add3A_41, %mul3A_46 : i32
        "tpu.region"() ({
          %run_scoped3A = tpu.sem_alloc : memref<!tpu.dma_semaphore, #tpu.memory_space<semaphore_mem>>
          %dma_start3A_48 = arith.constant 0 : i32
          %dma_start3A_49 = tpu.memref_slice %arg5[%arg0, %mul3A_47, %dma_start3A_48] : memref<2x10000x16xf32, #tpu.memory_space<hbm>> -> memref<1x100x16xf32, #tpu.memory_space<hbm>>
          %dma_start3A_50 = tpu.memref_squeeze %dma_start3A_49 : memref<1x100x16xf32, #tpu.memory_space<hbm>> -> memref<100x16xf32, #tpu.memory_space<hbm>>
          %dma_start3A_51 = arith.constant 0 : i32
          %dma_start3A_52 = tpu.memref_slice %arg5[%arg0, %mul3A_47, %dma_start3A_51] : memref<2x10000x16xf32, #tpu.memory_space<hbm>> -> memref<1x100x16xf32, #tpu.memory_space<hbm>>
          %dma_start3A_53 = tpu.memref_squeeze %dma_start3A_52 : memref<1x100x16xf32, #tpu.memory_space<hbm>> -> memref<100x16xf32, #tpu.memory_space<hbm>>
          tpu.enqueue_dma source(%arg12 : memref<100x16xf32, #tpu.memory_space<vmem>>) target(%dma_start3A_53 : memref<100x16xf32, #tpu.memory_space<hbm>>) target_semaphore(%run_scoped3A : memref<!tpu.dma_semaphore, #tpu.memory_space<semaphore_mem>>)
          %dma_wait3A = arith.constant 0 : i32
          %dma_wait3A_54 = tpu.memref_slice %arg5[%arg0, %mul3A_47, %dma_wait3A] : memref<2x10000x16xf32, #tpu.memory_space<hbm>> -> memref<1x100x16xf32, #tpu.memory_space<hbm>>
          %dma_wait3A_55 = tpu.memref_squeeze %dma_wait3A_54 : memref<1x100x16xf32, #tpu.memory_space<hbm>> -> memref<100x16xf32, #tpu.memory_space<hbm>>
          %dma_wait3A_56 = arith.constant 0 : i32
          %dma_wait3A_57 = tpu.memref_slice %arg5[%arg0, %mul3A_47, %dma_wait3A_56] : memref<2x10000x16xf32, #tpu.memory_space<hbm>> -> memref<1x100x16xf32, #tpu.memory_space<hbm>>
          %dma_wait3A_58 = tpu.memref_squeeze %dma_wait3A_57 : memref<1x100x16xf32, #tpu.memory_space<hbm>> -> memref<100x16xf32, #tpu.memory_space<hbm>>
          tpu.wait_dma2 semaphore(%run_scoped3A : memref<!tpu.dma_semaphore, #tpu.memory_space<semaphore_mem>>) src(%arg12 : memref<100x16xf32, #tpu.memory_space<vmem>>) dst(%dma_wait3A_58 : memref<100x16xf32, #tpu.memory_space<hbm>>)
          tpu.yield
        }) : () -> ()
      } else {
      }
    }
    %scan3A_37 = arith.constant 7 : i32
    return
  }
}

#map = affine_map<(d0, d1) -> (0, 0)>
#map1 = affine_map<(d0, d1) -> (0, 0, 0)>
module attributes {stable_mosaic.version = 14 : i64} {
  func.func @_sc_agg_wide_body(%arg0: i32, %arg1: i32, %arg2: memref<10000x128xf32, #tpu.memory_space<hbm>>, %arg3: memref<5120x128xi32, #tpu.memory_space<hbm>>, %arg4: memref<128x16xf32, #tpu.memory_space<hbm>>, %arg5: memref<100x128xf32, #tpu.memory_space<hbm>>, %arg6: memref<100x16xf32, #tpu.memory_space<hbm>>, %arg7: memref<2x10000x128xf32, #tpu.memory_space<hbm>>, %arg8: memref<2x10000x16xf32, #tpu.memory_space<hbm>>, %arg9: memref<2x128xi32, #tpu.memory_space<vmem>>, %arg10: memref<2x128xi32, #tpu.memory_space<vmem>>, %arg11: memref<2x128xi32, #tpu.memory_space<vmem>>, %arg12: memref<2x128xi32, #tpu.memory_space<vmem>>, %arg13: memref<128x128xf32, #tpu.memory_space<vmem>>, %arg14: memref<128x128xf32, #tpu.memory_space<vmem>>, %arg15: memref<128x16xf32, #tpu.memory_space<vmem>>, %arg16: memref<100x16xf32, #tpu.memory_space<vmem>>, %arg17: memref<10000x128xf32, #tpu.memory_space<vmem_shared>>, %arg18: memref<10000x16xf32, #tpu.memory_space<vmem_shared>>, %arg19: memref<!tpu.dma_semaphore, #tpu.memory_space<semaphore_mem>>, %arg20: memref<!tpu.dma_semaphore, #tpu.memory_space<semaphore_mem>>, %arg21: memref<!tpu.dma_semaphore, #tpu.memory_space<semaphore_mem>>, %arg22: memref<!tpu.dma_semaphore, #tpu.memory_space<semaphore_mem>>, %arg23: memref<!tpu.dma_semaphore, #tpu.memory_space<semaphore_mem>>, %arg24: memref<!tpu.dma_semaphore, #tpu.memory_space<semaphore_mem>>, %arg25: memref<!tpu.dma_semaphore, #tpu.memory_space<semaphore_mem>>, %arg26: memref<!tpu.dma_semaphore, #tpu.memory_space<semaphore_mem>>, %arg27: memref<!tpu.dma_semaphore, #tpu.memory_space<semaphore_mem>>, %arg28: memref<!tpu.dma_semaphore, #tpu.memory_space<semaphore_mem>>, %arg29: memref<!tpu.dma_semaphore, #tpu.memory_space<semaphore_mem>>, %arg30: memref<!tpu.dma_semaphore, #tpu.memory_space<semaphore_mem>>) attributes {dimension_semantics = [#tpu.dimension_semantics<core_parallel>, #tpu.dimension_semantics<subcore_parallel>], iteration_bounds = array<i64: 2, 16>, scalar_prefetch = 0 : i64, scratch_operands = 22 : i64, tpu.core_type = #tpu.core_type<sc_vector_subcore>, window_params = [{transform_indices = #map}, {transform_indices = #map}, {transform_indices = #map}, {transform_indices = #map}, {transform_indices = #map}, {transform_indices = #map1}, {transform_indices = #map1}]} {
    %mul3A = arith.constant 2 : i32
    %mul3A_0 = arith.muli %arg1, %mul3A : i32
    %add3A = arith.addi %mul3A_0, %arg0 : i32
    "tpu.region"() ({
      %run_scoped3A = tpu.sem_alloc : memref<!tpu.dma_semaphore, #tpu.memory_space<semaphore_mem>>
      %dma_start3A_51 = arith.constant 0 : i32
      %dma_start3A_52 = arith.constant 0 : i32
      %dma_start3A_53 = tpu.memref_slice %arg13[%dma_start3A_51, %dma_start3A_52] : memref<128x128xf32, #tpu.memory_space<vmem>> -> memref<100x128xf32, #tpu.memory_space<vmem>>
      %dma_start3A_54 = arith.constant 0 : i32
      %dma_start3A_55 = arith.constant 0 : i32
      %dma_start3A_56 = tpu.memref_slice %arg13[%dma_start3A_54, %dma_start3A_55] : memref<128x128xf32, #tpu.memory_space<vmem>> -> memref<100x128xf32, #tpu.memory_space<vmem>>
      tpu.enqueue_dma source(%arg5 : memref<100x128xf32, #tpu.memory_space<hbm>>) target(%dma_start3A_56 : memref<100x128xf32, #tpu.memory_space<vmem>>) target_semaphore(%run_scoped3A : memref<!tpu.dma_semaphore, #tpu.memory_space<semaphore_mem>>)
      %dma_wait3A_57 = arith.constant 0 : i32
      %dma_wait3A_58 = arith.constant 0 : i32
      %dma_wait3A_59 = tpu.memref_slice %arg13[%dma_wait3A_57, %dma_wait3A_58] : memref<128x128xf32, #tpu.memory_space<vmem>> -> memref<100x128xf32, #tpu.memory_space<vmem>>
      %dma_wait3A_60 = arith.constant 0 : i32
      %dma_wait3A_61 = arith.constant 0 : i32
      %dma_wait3A_62 = tpu.memref_slice %arg13[%dma_wait3A_60, %dma_wait3A_61] : memref<128x128xf32, #tpu.memory_space<vmem>> -> memref<100x128xf32, #tpu.memory_space<vmem>>
      tpu.wait_dma2 semaphore(%run_scoped3A : memref<!tpu.dma_semaphore, #tpu.memory_space<semaphore_mem>>) src(%arg5 : memref<100x128xf32, #tpu.memory_space<hbm>>) dst(%dma_wait3A_62 : memref<100x128xf32, #tpu.memory_space<vmem>>)
      tpu.yield
    }) : () -> ()
    "tpu.region"() ({
      %run_scoped3A = tpu.sem_alloc : memref<!tpu.dma_semaphore, #tpu.memory_space<semaphore_mem>>
      tpu.enqueue_dma source(%arg6 : memref<100x16xf32, #tpu.memory_space<hbm>>) target(%arg16 : memref<100x16xf32, #tpu.memory_space<vmem>>) target_semaphore(%run_scoped3A : memref<!tpu.dma_semaphore, #tpu.memory_space<semaphore_mem>>)
      tpu.wait_dma2 semaphore(%run_scoped3A : memref<!tpu.dma_semaphore, #tpu.memory_space<semaphore_mem>>) src(%arg6 : memref<100x16xf32, #tpu.memory_space<hbm>>) dst(%arg16 : memref<100x16xf32, #tpu.memory_space<vmem>>)
      tpu.yield
    }) : () -> ()
    "tpu.region"() ({
      %run_scoped3A = tpu.sem_alloc : memref<!tpu.dma_semaphore, #tpu.memory_space<semaphore_mem>>
      tpu.enqueue_dma source(%arg4 : memref<128x16xf32, #tpu.memory_space<hbm>>) target(%arg15 : memref<128x16xf32, #tpu.memory_space<vmem>>) target_semaphore(%run_scoped3A : memref<!tpu.dma_semaphore, #tpu.memory_space<semaphore_mem>>)
      tpu.wait_dma2 semaphore(%run_scoped3A : memref<!tpu.dma_semaphore, #tpu.memory_space<semaphore_mem>>) src(%arg4 : memref<128x16xf32, #tpu.memory_space<hbm>>) dst(%arg15 : memref<128x16xf32, #tpu.memory_space<vmem>>)
      tpu.yield
    }) : () -> ()
    %scan3A = arith.constant 0 : i32
    %scan3A_1 = arith.constant 0 : i32
    %scan3A_2 = arith.constant 7 : i32
    %scan3A_3 = arith.addi %scan3A_1, %scan3A_2 : i32
    %scan3A_4 = arith.constant 1 : i32
    scf.for %scan3A_51 = %scan3A_1 to %scan3A_3 step %scan3A_4  : i32 {
      %mul3A_52 = arith.constant 16 : i32
      %mul3A_53 = arith.muli %mul3A_52, %scan3A_51 : i32
      %add3A_54 = arith.addi %arg1, %mul3A_53 : i32
      %lt3A = arith.constant 100 : i32
      %lt3A_55 = arith.cmpi slt, %add3A_54, %lt3A : i32
      %convert_element_type3A = arith.extui %lt3A_55 : i1 to i32
      %cond3A = arith.constant 0 : i32
      %cond3A_56 = arith.cmpi ne, %convert_element_type3A, %cond3A : i32
      scf.if %cond3A_56 {
        %mul3A_57 = arith.constant 100 : i32
        %mul3A_58 = arith.muli %add3A_54, %mul3A_57 : i32
        "tpu.region"() ({
          %run_scoped3A = tpu.sem_alloc : memref<!tpu.dma_semaphore, #tpu.memory_space<semaphore_mem>>
          %dma_start3A_61 = arith.constant 0 : i32
          %dma_start3A_62 = arith.constant 0 : i32
          %dma_start3A_63 = tpu.memref_slice %arg13[%dma_start3A_61, %dma_start3A_62] : memref<128x128xf32, #tpu.memory_space<vmem>> -> memref<100x128xf32, #tpu.memory_space<vmem>>
          %dma_start3A_64 = arith.constant 0 : i32
          %dma_start3A_65 = tpu.memref_slice %arg17[%mul3A_58, %dma_start3A_64] : memref<10000x128xf32, #tpu.memory_space<vmem_shared>> -> memref<100x128xf32, #tpu.memory_space<vmem_shared>>
          %dma_start3A_66 = arith.constant 0 : i32
          %dma_start3A_67 = tpu.memref_slice %arg17[%mul3A_58, %dma_start3A_66] : memref<10000x128xf32, #tpu.memory_space<vmem_shared>> -> memref<100x128xf32, #tpu.memory_space<vmem_shared>>
          %dma_start3A_68 = arith.constant 0 : i32
          %dma_start3A_69 = arith.constant 0 : i32
          %dma_start3A_70 = tpu.memref_slice %arg13[%dma_start3A_68, %dma_start3A_69] : memref<128x128xf32, #tpu.memory_space<vmem>> -> memref<100x128xf32, #tpu.memory_space<vmem>>
          tpu.enqueue_dma source(%dma_start3A_70 : memref<100x128xf32, #tpu.memory_space<vmem>>) target(%dma_start3A_67 : memref<100x128xf32, #tpu.memory_space<vmem_shared>>) target_semaphore(%run_scoped3A : memref<!tpu.dma_semaphore, #tpu.memory_space<semaphore_mem>>)
          %dma_wait3A_71 = arith.constant 0 : i32
          %dma_wait3A_72 = arith.constant 0 : i32
          %dma_wait3A_73 = tpu.memref_slice %arg13[%dma_wait3A_71, %dma_wait3A_72] : memref<128x128xf32, #tpu.memory_space<vmem>> -> memref<100x128xf32, #tpu.memory_space<vmem>>
          %dma_wait3A_74 = arith.constant 0 : i32
          %dma_wait3A_75 = tpu.memref_slice %arg17[%mul3A_58, %dma_wait3A_74] : memref<10000x128xf32, #tpu.memory_space<vmem_shared>> -> memref<100x128xf32, #tpu.memory_space<vmem_shared>>
          %dma_wait3A_76 = arith.constant 0 : i32
          %dma_wait3A_77 = tpu.memref_slice %arg17[%mul3A_58, %dma_wait3A_76] : memref<10000x128xf32, #tpu.memory_space<vmem_shared>> -> memref<100x128xf32, #tpu.memory_space<vmem_shared>>
          %dma_wait3A_78 = arith.constant 0 : i32
          %dma_wait3A_79 = arith.constant 0 : i32
          %dma_wait3A_80 = tpu.memref_slice %arg13[%dma_wait3A_78, %dma_wait3A_79] : memref<128x128xf32, #tpu.memory_space<vmem>> -> memref<100x128xf32, #tpu.memory_space<vmem>>
          tpu.wait_dma2 semaphore(%run_scoped3A : memref<!tpu.dma_semaphore, #tpu.memory_space<semaphore_mem>>) src(%dma_wait3A_80 : memref<100x128xf32, #tpu.memory_space<vmem>>) dst(%dma_wait3A_77 : memref<100x128xf32, #tpu.memory_space<vmem_shared>>)
          tpu.yield
        }) : () -> ()
        %mul3A_59 = arith.constant 100 : i32
        %mul3A_60 = arith.muli %add3A_54, %mul3A_59 : i32
        "tpu.region"() ({
          %run_scoped3A = tpu.sem_alloc : memref<!tpu.dma_semaphore, #tpu.memory_space<semaphore_mem>>
          %dma_start3A_61 = arith.constant 0 : i32
          %dma_start3A_62 = tpu.memref_slice %arg18[%mul3A_60, %dma_start3A_61] : memref<10000x16xf32, #tpu.memory_space<vmem_shared>> -> memref<100x16xf32, #tpu.memory_space<vmem_shared>>
          %dma_start3A_63 = arith.constant 0 : i32
          %dma_start3A_64 = tpu.memref_slice %arg18[%mul3A_60, %dma_start3A_63] : memref<10000x16xf32, #tpu.memory_space<vmem_shared>> -> memref<100x16xf32, #tpu.memory_space<vmem_shared>>
          tpu.enqueue_dma source(%arg16 : memref<100x16xf32, #tpu.memory_space<vmem>>) target(%dma_start3A_64 : memref<100x16xf32, #tpu.memory_space<vmem_shared>>) target_semaphore(%run_scoped3A : memref<!tpu.dma_semaphore, #tpu.memory_space<semaphore_mem>>)
          %dma_wait3A_65 = arith.constant 0 : i32
          %dma_wait3A_66 = tpu.memref_slice %arg18[%mul3A_60, %dma_wait3A_65] : memref<10000x16xf32, #tpu.memory_space<vmem_shared>> -> memref<100x16xf32, #tpu.memory_space<vmem_shared>>
          %dma_wait3A_67 = arith.constant 0 : i32
          %dma_wait3A_68 = tpu.memref_slice %arg18[%mul3A_60, %dma_wait3A_67] : memref<10000x16xf32, #tpu.memory_space<vmem_shared>> -> memref<100x16xf32, #tpu.memory_space<vmem_shared>>
          tpu.wait_dma2 semaphore(%run_scoped3A : memref<!tpu.dma_semaphore, #tpu.memory_space<semaphore_mem>>) src(%arg16 : memref<100x16xf32, #tpu.memory_space<vmem>>) dst(%dma_wait3A_68 : memref<100x16xf32, #tpu.memory_space<vmem_shared>>)
          tpu.yield
        }) : () -> ()
      } else {
      }
    }
    %scan3A_5 = arith.constant 7 : i32
    %barrier3A = arith.constant 0 : index
    tpu.barrier barrier_id(%barrier3A)
    %mul3A_6 = arith.constant 160 : i32
    %mul3A_7 = arith.muli %add3A, %mul3A_6 : i32
    %add3A_8 = arith.constant 0 : i32
    %add3A_9 = arith.addi %mul3A_7, %add3A_8 : i32
    "tpu.region"() ({
      %run_scoped3A = tpu.sem_alloc : memref<!tpu.dma_semaphore, #tpu.memory_space<semaphore_mem>>
      %dma_start3A_51 = arith.constant 0 : i32
      %dma_start3A_52 = tpu.memref_slice %arg3[%add3A_9, %dma_start3A_51] : memref<5120x128xi32, #tpu.memory_space<hbm>> -> memref<2x128xi32, #tpu.memory_space<hbm>>
      %dma_start3A_53 = arith.constant 0 : i32
      %dma_start3A_54 = tpu.memref_slice %arg3[%add3A_9, %dma_start3A_53] : memref<5120x128xi32, #tpu.memory_space<hbm>> -> memref<2x128xi32, #tpu.memory_space<hbm>>
      tpu.enqueue_dma source(%dma_start3A_54 : memref<2x128xi32, #tpu.memory_space<hbm>>) target(%arg9 : memref<2x128xi32, #tpu.memory_space<vmem>>) target_semaphore(%run_scoped3A : memref<!tpu.dma_semaphore, #tpu.memory_space<semaphore_mem>>)
      %dma_wait3A_55 = arith.constant 0 : i32
      %dma_wait3A_56 = tpu.memref_slice %arg3[%add3A_9, %dma_wait3A_55] : memref<5120x128xi32, #tpu.memory_space<hbm>> -> memref<2x128xi32, #tpu.memory_space<hbm>>
      %dma_wait3A_57 = arith.constant 0 : i32
      %dma_wait3A_58 = tpu.memref_slice %arg3[%add3A_9, %dma_wait3A_57] : memref<5120x128xi32, #tpu.memory_space<hbm>> -> memref<2x128xi32, #tpu.memory_space<hbm>>
      tpu.wait_dma2 semaphore(%run_scoped3A : memref<!tpu.dma_semaphore, #tpu.memory_space<semaphore_mem>>) src(%dma_wait3A_58 : memref<2x128xi32, #tpu.memory_space<hbm>>) dst(%arg9 : memref<2x128xi32, #tpu.memory_space<vmem>>)
      tpu.yield
    }) : () -> ()
    %dma_start3A = arith.constant 0 : i32
    %dma_start3A_10 = arith.constant 0 : i32
    %dma_start3A_11 = tpu.memref_slice %arg9[%dma_start3A, %dma_start3A_10] : memref<2x128xi32, #tpu.memory_space<vmem>> -> memref<1x128xi32, #tpu.memory_space<vmem>>
    %dma_start3A_12 = tpu.memref_squeeze %dma_start3A_11 : memref<1x128xi32, #tpu.memory_space<vmem>> -> memref<128xi32, #tpu.memory_space<vmem>>
    %dma_start3A_13 = arith.constant 0 : i32
    %dma_start3A_14 = arith.constant 0 : i32
    %dma_start3A_15 = tpu.memref_slice %arg2[%dma_start3A_13, %dma_start3A_14] : memref<10000x128xf32, #tpu.memory_space<hbm>> -> memref<10000x128xf32, #tpu.memory_space<hbm>>
    tpu.enqueue_indirect_dma source(%dma_start3A_15 : memref<10000x128xf32, #tpu.memory_space<hbm>>) target(%arg13 : memref<128x128xf32, #tpu.memory_space<vmem>>) offsets(%dma_start3A_12 : memref<128xi32, #tpu.memory_space<vmem>>) semaphore(%arg19 : memref<!tpu.dma_semaphore, #tpu.memory_space<semaphore_mem>>)
    %add3A_16 = arith.constant 2 : i32
    %add3A_17 = arith.addi %mul3A_7, %add3A_16 : i32
    "tpu.region"() ({
      %run_scoped3A = tpu.sem_alloc : memref<!tpu.dma_semaphore, #tpu.memory_space<semaphore_mem>>
      %dma_start3A_51 = arith.constant 0 : i32
      %dma_start3A_52 = tpu.memref_slice %arg3[%add3A_17, %dma_start3A_51] : memref<5120x128xi32, #tpu.memory_space<hbm>> -> memref<2x128xi32, #tpu.memory_space<hbm>>
      %dma_start3A_53 = arith.constant 0 : i32
      %dma_start3A_54 = tpu.memref_slice %arg3[%add3A_17, %dma_start3A_53] : memref<5120x128xi32, #tpu.memory_space<hbm>> -> memref<2x128xi32, #tpu.memory_space<hbm>>
      tpu.enqueue_dma source(%dma_start3A_54 : memref<2x128xi32, #tpu.memory_space<hbm>>) target(%arg10 : memref<2x128xi32, #tpu.memory_space<vmem>>) target_semaphore(%run_scoped3A : memref<!tpu.dma_semaphore, #tpu.memory_space<semaphore_mem>>)
      %dma_wait3A_55 = arith.constant 0 : i32
      %dma_wait3A_56 = tpu.memref_slice %arg3[%add3A_17, %dma_wait3A_55] : memref<5120x128xi32, #tpu.memory_space<hbm>> -> memref<2x128xi32, #tpu.memory_space<hbm>>
      %dma_wait3A_57 = arith.constant 0 : i32
      %dma_wait3A_58 = tpu.memref_slice %arg3[%add3A_17, %dma_wait3A_57] : memref<5120x128xi32, #tpu.memory_space<hbm>> -> memref<2x128xi32, #tpu.memory_space<hbm>>
      tpu.wait_dma2 semaphore(%run_scoped3A : memref<!tpu.dma_semaphore, #tpu.memory_space<semaphore_mem>>) src(%dma_wait3A_58 : memref<2x128xi32, #tpu.memory_space<hbm>>) dst(%arg10 : memref<2x128xi32, #tpu.memory_space<vmem>>)
      tpu.yield
    }) : () -> ()
    %dma_start3A_18 = arith.constant 0 : i32
    %dma_start3A_19 = arith.constant 0 : i32
    %dma_start3A_20 = tpu.memref_slice %arg10[%dma_start3A_18, %dma_start3A_19] : memref<2x128xi32, #tpu.memory_space<vmem>> -> memref<1x128xi32, #tpu.memory_space<vmem>>
    %dma_start3A_21 = tpu.memref_squeeze %dma_start3A_20 : memref<1x128xi32, #tpu.memory_space<vmem>> -> memref<128xi32, #tpu.memory_space<vmem>>
    %dma_start3A_22 = arith.constant 0 : i32
    %dma_start3A_23 = arith.constant 0 : i32
    %dma_start3A_24 = tpu.memref_slice %arg2[%dma_start3A_22, %dma_start3A_23] : memref<10000x128xf32, #tpu.memory_space<hbm>> -> memref<10000x128xf32, #tpu.memory_space<hbm>>
    tpu.enqueue_indirect_dma source(%dma_start3A_24 : memref<10000x128xf32, #tpu.memory_space<hbm>>) target(%arg14 : memref<128x128xf32, #tpu.memory_space<vmem>>) offsets(%dma_start3A_21 : memref<128xi32, #tpu.memory_space<vmem>>) semaphore(%arg20 : memref<!tpu.dma_semaphore, #tpu.memory_space<semaphore_mem>>)
    %scan3A_25 = arith.constant 0 : i32
    %scan3A_26 = arith.constant 0 : i32
    %scan3A_27 = arith.constant 20 : i32
    %scan3A_28 = arith.addi %scan3A_26, %scan3A_27 : i32
    %scan3A_29 = arith.constant 1 : i32
    scf.for %scan3A_51 = %scan3A_26 to %scan3A_28 step %scan3A_29  : i32 {
      %mul3A_52 = arith.constant 4 : i32
      %mul3A_53 = arith.muli %mul3A_52, %scan3A_51 : i32
      %add3A_54 = arith.constant 0 : i32
      %add3A_55 = arith.addi %mul3A_53, %add3A_54 : i32
      %dma_wait3A_56 = arith.constant 0 : i32
      %dma_wait3A_57 = arith.constant 0 : i32
      %dma_wait3A_58 = tpu.memref_slice %arg9[%dma_wait3A_56, %dma_wait3A_57] : memref<2x128xi32, #tpu.memory_space<vmem>> -> memref<1x128xi32, #tpu.memory_space<vmem>>
      %dma_wait3A_59 = tpu.memref_squeeze %dma_wait3A_58 : memref<1x128xi32, #tpu.memory_space<vmem>> -> memref<128xi32, #tpu.memory_space<vmem>>
      %dma_wait3A_60 = arith.constant 0 : i32
      %dma_wait3A_61 = arith.constant 0 : i32
      %dma_wait3A_62 = tpu.memref_slice %arg2[%dma_wait3A_60, %dma_wait3A_61] : memref<10000x128xf32, #tpu.memory_space<hbm>> -> memref<10000x128xf32, #tpu.memory_space<hbm>>
      tpu.wait_indirect_dma semaphore(%arg19 : memref<!tpu.dma_semaphore, #tpu.memory_space<semaphore_mem>>) src(%dma_wait3A_62 : memref<10000x128xf32, #tpu.memory_space<hbm>>) dst(%arg13 : memref<128x128xf32, #tpu.memory_space<vmem>>)
      %dma_start3A_63 = arith.constant 1 : i32
      %dma_start3A_64 = arith.constant 0 : i32
      %dma_start3A_65 = tpu.memref_slice %arg9[%dma_start3A_63, %dma_start3A_64] : memref<2x128xi32, #tpu.memory_space<vmem>> -> memref<1x128xi32, #tpu.memory_space<vmem>>
      %dma_start3A_66 = tpu.memref_squeeze %dma_start3A_65 : memref<1x128xi32, #tpu.memory_space<vmem>> -> memref<128xi32, #tpu.memory_space<vmem>>
      %dma_start3A_67 = arith.constant 0 : i32
      %dma_start3A_68 = arith.constant 0 : i32
      %dma_start3A_69 = tpu.memref_slice %arg17[%dma_start3A_67, %dma_start3A_68] : memref<10000x128xf32, #tpu.memory_space<vmem_shared>> -> memref<10000x128xf32, #tpu.memory_space<vmem_shared>>
      tpu.enqueue_indirect_dma source(%arg13 : memref<128x128xf32, #tpu.memory_space<vmem>>) target(%dma_start3A_69 : memref<10000x128xf32, #tpu.memory_space<vmem_shared>>) offsets(%dma_start3A_66 : memref<128xi32, #tpu.memory_space<vmem>>) semaphore(%arg21 : memref<!tpu.dma_semaphore, #tpu.memory_space<semaphore_mem>>) {add = true}
      %dma_start3A_70 = arith.constant 1 : i32
      %dma_start3A_71 = arith.constant 0 : i32
      %dma_start3A_72 = tpu.memref_slice %arg9[%dma_start3A_70, %dma_start3A_71] : memref<2x128xi32, #tpu.memory_space<vmem>> -> memref<1x128xi32, #tpu.memory_space<vmem>>
      %dma_start3A_73 = tpu.memref_squeeze %dma_start3A_72 : memref<1x128xi32, #tpu.memory_space<vmem>> -> memref<128xi32, #tpu.memory_space<vmem>>
      %dma_start3A_74 = arith.constant 0 : i32
      %dma_start3A_75 = arith.constant 0 : i32
      %dma_start3A_76 = tpu.memref_slice %arg18[%dma_start3A_74, %dma_start3A_75] : memref<10000x16xf32, #tpu.memory_space<vmem_shared>> -> memref<10000x16xf32, #tpu.memory_space<vmem_shared>>
      tpu.enqueue_indirect_dma source(%arg15 : memref<128x16xf32, #tpu.memory_space<vmem>>) target(%dma_start3A_76 : memref<10000x16xf32, #tpu.memory_space<vmem_shared>>) offsets(%dma_start3A_73 : memref<128xi32, #tpu.memory_space<vmem>>) semaphore(%arg27 : memref<!tpu.dma_semaphore, #tpu.memory_space<semaphore_mem>>) {add = true}
      %ge3A = arith.constant 2 : i32
      %ge3A_77 = arith.cmpi sge, %add3A_55, %ge3A : i32
      %convert_element_type3A = arith.extui %ge3A_77 : i1 to i32
      %cond3A = arith.constant 0 : i32
      %cond3A_78 = arith.cmpi ne, %convert_element_type3A, %cond3A : i32
      scf.if %cond3A_78 {
        %dma_wait3A_252 = arith.constant 1 : i32
        %dma_wait3A_253 = arith.constant 0 : i32
        %dma_wait3A_254 = tpu.memref_slice %arg11[%dma_wait3A_252, %dma_wait3A_253] : memref<2x128xi32, #tpu.memory_space<vmem>> -> memref<1x128xi32, #tpu.memory_space<vmem>>
        %dma_wait3A_255 = tpu.memref_squeeze %dma_wait3A_254 : memref<1x128xi32, #tpu.memory_space<vmem>> -> memref<128xi32, #tpu.memory_space<vmem>>
        %dma_wait3A_256 = arith.constant 0 : i32
        %dma_wait3A_257 = arith.constant 0 : i32
        %dma_wait3A_258 = tpu.memref_slice %arg18[%dma_wait3A_256, %dma_wait3A_257] : memref<10000x16xf32, #tpu.memory_space<vmem_shared>> -> memref<10000x16xf32, #tpu.memory_space<vmem_shared>>
        tpu.wait_indirect_dma semaphore(%arg29 : memref<!tpu.dma_semaphore, #tpu.memory_space<semaphore_mem>>) src(%arg15 : memref<128x16xf32, #tpu.memory_space<vmem>>) dst(%dma_wait3A_258 : memref<10000x16xf32, #tpu.memory_space<vmem_shared>>)
      } else {
      }
      %add3A_79 = arith.constant 2 : i32
      %add3A_80 = arith.addi %add3A_55, %add3A_79 : i32
      %lt3A = arith.constant 80 : i32
      %lt3A_81 = arith.cmpi slt, %add3A_80, %lt3A : i32
      %convert_element_type3A_82 = arith.extui %lt3A_81 : i1 to i32
      %cond3A_83 = arith.constant 0 : i32
      %cond3A_84 = arith.cmpi ne, %convert_element_type3A_82, %cond3A_83 : i32
      scf.if %cond3A_84 {
        %add3A_252 = arith.constant 2 : i32
        %add3A_253 = arith.addi %add3A_55, %add3A_252 : i32
        %mul3A_254 = arith.constant 2 : i32
        %mul3A_255 = arith.muli %mul3A_254, %add3A_253 : i32
        %add3A_256 = arith.addi %mul3A_7, %mul3A_255 : i32
        %dma_start3A_257 = arith.constant 0 : i32
        %dma_start3A_258 = tpu.memref_slice %arg3[%add3A_256, %dma_start3A_257] : memref<5120x128xi32, #tpu.memory_space<hbm>> -> memref<2x128xi32, #tpu.memory_space<hbm>>
        %dma_start3A_259 = arith.constant 0 : i32
        %dma_start3A_260 = tpu.memref_slice %arg3[%add3A_256, %dma_start3A_259] : memref<5120x128xi32, #tpu.memory_space<hbm>> -> memref<2x128xi32, #tpu.memory_space<hbm>>
        tpu.enqueue_dma source(%dma_start3A_260 : memref<2x128xi32, #tpu.memory_space<hbm>>) target(%arg11 : memref<2x128xi32, #tpu.memory_space<vmem>>) target_semaphore(%arg25 : memref<!tpu.dma_semaphore, #tpu.memory_space<semaphore_mem>>)
      } else {
      }
      %dma_wait3A_85 = arith.constant 1 : i32
      %dma_wait3A_86 = arith.constant 0 : i32
      %dma_wait3A_87 = tpu.memref_slice %arg9[%dma_wait3A_85, %dma_wait3A_86] : memref<2x128xi32, #tpu.memory_space<vmem>> -> memref<1x128xi32, #tpu.memory_space<vmem>>
      %dma_wait3A_88 = tpu.memref_squeeze %dma_wait3A_87 : memref<1x128xi32, #tpu.memory_space<vmem>> -> memref<128xi32, #tpu.memory_space<vmem>>
      %dma_wait3A_89 = arith.constant 0 : i32
      %dma_wait3A_90 = arith.constant 0 : i32
      %dma_wait3A_91 = tpu.memref_slice %arg17[%dma_wait3A_89, %dma_wait3A_90] : memref<10000x128xf32, #tpu.memory_space<vmem_shared>> -> memref<10000x128xf32, #tpu.memory_space<vmem_shared>>
      tpu.wait_indirect_dma semaphore(%arg21 : memref<!tpu.dma_semaphore, #tpu.memory_space<semaphore_mem>>) src(%arg13 : memref<128x128xf32, #tpu.memory_space<vmem>>) dst(%dma_wait3A_91 : memref<10000x128xf32, #tpu.memory_space<vmem_shared>>)
      %add3A_92 = arith.constant 2 : i32
      %add3A_93 = arith.addi %add3A_55, %add3A_92 : i32
      %lt3A_94 = arith.constant 80 : i32
      %lt3A_95 = arith.cmpi slt, %add3A_93, %lt3A_94 : i32
      %convert_element_type3A_96 = arith.extui %lt3A_95 : i1 to i32
      %cond3A_97 = arith.constant 0 : i32
      %cond3A_98 = arith.cmpi ne, %convert_element_type3A_96, %cond3A_97 : i32
      scf.if %cond3A_98 {
        %add3A_252 = arith.constant 2 : i32
        %add3A_253 = arith.addi %add3A_55, %add3A_252 : i32
        %mul3A_254 = arith.constant 2 : i32
        %mul3A_255 = arith.muli %mul3A_254, %add3A_253 : i32
        %add3A_256 = arith.addi %mul3A_7, %mul3A_255 : i32
        %dma_wait3A_257 = arith.constant 0 : i32
        %dma_wait3A_258 = tpu.memref_slice %arg3[%add3A_256, %dma_wait3A_257] : memref<5120x128xi32, #tpu.memory_space<hbm>> -> memref<2x128xi32, #tpu.memory_space<hbm>>
        %dma_wait3A_259 = arith.constant 0 : i32
        %dma_wait3A_260 = tpu.memref_slice %arg3[%add3A_256, %dma_wait3A_259] : memref<5120x128xi32, #tpu.memory_space<hbm>> -> memref<2x128xi32, #tpu.memory_space<hbm>>
        tpu.wait_dma2 semaphore(%arg25 : memref<!tpu.dma_semaphore, #tpu.memory_space<semaphore_mem>>) src(%dma_wait3A_260 : memref<2x128xi32, #tpu.memory_space<hbm>>) dst(%arg11 : memref<2x128xi32, #tpu.memory_space<vmem>>)
        %dma_start3A_261 = arith.constant 0 : i32
        %dma_start3A_262 = arith.constant 0 : i32
        %dma_start3A_263 = tpu.memref_slice %arg11[%dma_start3A_261, %dma_start3A_262] : memref<2x128xi32, #tpu.memory_space<vmem>> -> memref<1x128xi32, #tpu.memory_space<vmem>>
        %dma_start3A_264 = tpu.memref_squeeze %dma_start3A_263 : memref<1x128xi32, #tpu.memory_space<vmem>> -> memref<128xi32, #tpu.memory_space<vmem>>
        %dma_start3A_265 = arith.constant 0 : i32
        %dma_start3A_266 = arith.constant 0 : i32
        %dma_start3A_267 = tpu.memref_slice %arg2[%dma_start3A_265, %dma_start3A_266] : memref<10000x128xf32, #tpu.memory_space<hbm>> -> memref<10000x128xf32, #tpu.memory_space<hbm>>
        tpu.enqueue_indirect_dma source(%dma_start3A_267 : memref<10000x128xf32, #tpu.memory_space<hbm>>) target(%arg13 : memref<128x128xf32, #tpu.memory_space<vmem>>) offsets(%dma_start3A_264 : memref<128xi32, #tpu.memory_space<vmem>>) semaphore(%arg19 : memref<!tpu.dma_semaphore, #tpu.memory_space<semaphore_mem>>)
      } else {
      }
      %mul3A_99 = arith.constant 4 : i32
      %mul3A_100 = arith.muli %mul3A_99, %scan3A_51 : i32
      %add3A_101 = arith.constant 1 : i32
      %add3A_102 = arith.addi %mul3A_100, %add3A_101 : i32
      %dma_wait3A_103 = arith.constant 0 : i32
      %dma_wait3A_104 = arith.constant 0 : i32
      %dma_wait3A_105 = tpu.memref_slice %arg10[%dma_wait3A_103, %dma_wait3A_104] : memref<2x128xi32, #tpu.memory_space<vmem>> -> memref<1x128xi32, #tpu.memory_space<vmem>>
      %dma_wait3A_106 = tpu.memref_squeeze %dma_wait3A_105 : memref<1x128xi32, #tpu.memory_space<vmem>> -> memref<128xi32, #tpu.memory_space<vmem>>
      %dma_wait3A_107 = arith.constant 0 : i32
      %dma_wait3A_108 = arith.constant 0 : i32
      %dma_wait3A_109 = tpu.memref_slice %arg2[%dma_wait3A_107, %dma_wait3A_108] : memref<10000x128xf32, #tpu.memory_space<hbm>> -> memref<10000x128xf32, #tpu.memory_space<hbm>>
      tpu.wait_indirect_dma semaphore(%arg20 : memref<!tpu.dma_semaphore, #tpu.memory_space<semaphore_mem>>) src(%dma_wait3A_109 : memref<10000x128xf32, #tpu.memory_space<hbm>>) dst(%arg14 : memref<128x128xf32, #tpu.memory_space<vmem>>)
      %dma_start3A_110 = arith.constant 1 : i32
      %dma_start3A_111 = arith.constant 0 : i32
      %dma_start3A_112 = tpu.memref_slice %arg10[%dma_start3A_110, %dma_start3A_111] : memref<2x128xi32, #tpu.memory_space<vmem>> -> memref<1x128xi32, #tpu.memory_space<vmem>>
      %dma_start3A_113 = tpu.memref_squeeze %dma_start3A_112 : memref<1x128xi32, #tpu.memory_space<vmem>> -> memref<128xi32, #tpu.memory_space<vmem>>
      %dma_start3A_114 = arith.constant 0 : i32
      %dma_start3A_115 = arith.constant 0 : i32
      %dma_start3A_116 = tpu.memref_slice %arg17[%dma_start3A_114, %dma_start3A_115] : memref<10000x128xf32, #tpu.memory_space<vmem_shared>> -> memref<10000x128xf32, #tpu.memory_space<vmem_shared>>
      tpu.enqueue_indirect_dma source(%arg14 : memref<128x128xf32, #tpu.memory_space<vmem>>) target(%dma_start3A_116 : memref<10000x128xf32, #tpu.memory_space<vmem_shared>>) offsets(%dma_start3A_113 : memref<128xi32, #tpu.memory_space<vmem>>) semaphore(%arg22 : memref<!tpu.dma_semaphore, #tpu.memory_space<semaphore_mem>>) {add = true}
      %dma_start3A_117 = arith.constant 1 : i32
      %dma_start3A_118 = arith.constant 0 : i32
      %dma_start3A_119 = tpu.memref_slice %arg10[%dma_start3A_117, %dma_start3A_118] : memref<2x128xi32, #tpu.memory_space<vmem>> -> memref<1x128xi32, #tpu.memory_space<vmem>>
      %dma_start3A_120 = tpu.memref_squeeze %dma_start3A_119 : memref<1x128xi32, #tpu.memory_space<vmem>> -> memref<128xi32, #tpu.memory_space<vmem>>
      %dma_start3A_121 = arith.constant 0 : i32
      %dma_start3A_122 = arith.constant 0 : i32
      %dma_start3A_123 = tpu.memref_slice %arg18[%dma_start3A_121, %dma_start3A_122] : memref<10000x16xf32, #tpu.memory_space<vmem_shared>> -> memref<10000x16xf32, #tpu.memory_space<vmem_shared>>
      tpu.enqueue_indirect_dma source(%arg15 : memref<128x16xf32, #tpu.memory_space<vmem>>) target(%dma_start3A_123 : memref<10000x16xf32, #tpu.memory_space<vmem_shared>>) offsets(%dma_start3A_120 : memref<128xi32, #tpu.memory_space<vmem>>) semaphore(%arg28 : memref<!tpu.dma_semaphore, #tpu.memory_space<semaphore_mem>>) {add = true}
      %ge3A_124 = arith.constant 2 : i32
      %ge3A_125 = arith.cmpi sge, %add3A_102, %ge3A_124 : i32
      %convert_element_type3A_126 = arith.extui %ge3A_125 : i1 to i32
      %cond3A_127 = arith.constant 0 : i32
      %cond3A_128 = arith.cmpi ne, %convert_element_type3A_126, %cond3A_127 : i32
      scf.if %cond3A_128 {
        %dma_wait3A_252 = arith.constant 1 : i32
        %dma_wait3A_253 = arith.constant 0 : i32
        %dma_wait3A_254 = tpu.memref_slice %arg12[%dma_wait3A_252, %dma_wait3A_253] : memref<2x128xi32, #tpu.memory_space<vmem>> -> memref<1x128xi32, #tpu.memory_space<vmem>>
        %dma_wait3A_255 = tpu.memref_squeeze %dma_wait3A_254 : memref<1x128xi32, #tpu.memory_space<vmem>> -> memref<128xi32, #tpu.memory_space<vmem>>
        %dma_wait3A_256 = arith.constant 0 : i32
        %dma_wait3A_257 = arith.constant 0 : i32
        %dma_wait3A_258 = tpu.memref_slice %arg18[%dma_wait3A_256, %dma_wait3A_257] : memref<10000x16xf32, #tpu.memory_space<vmem_shared>> -> memref<10000x16xf32, #tpu.memory_space<vmem_shared>>
        tpu.wait_indirect_dma semaphore(%arg30 : memref<!tpu.dma_semaphore, #tpu.memory_space<semaphore_mem>>) src(%arg15 : memref<128x16xf32, #tpu.memory_space<vmem>>) dst(%dma_wait3A_258 : memref<10000x16xf32, #tpu.memory_space<vmem_shared>>)
      } else {
      }
      %add3A_129 = arith.constant 2 : i32
      %add3A_130 = arith.addi %add3A_102, %add3A_129 : i32
      %lt3A_131 = arith.constant 80 : i32
      %lt3A_132 = arith.cmpi slt, %add3A_130, %lt3A_131 : i32
      %convert_element_type3A_133 = arith.extui %lt3A_132 : i1 to i32
      %cond3A_134 = arith.constant 0 : i32
      %cond3A_135 = arith.cmpi ne, %convert_element_type3A_133, %cond3A_134 : i32
      scf.if %cond3A_135 {
        %add3A_252 = arith.constant 2 : i32
        %add3A_253 = arith.addi %add3A_102, %add3A_252 : i32
        %mul3A_254 = arith.constant 2 : i32
        %mul3A_255 = arith.muli %mul3A_254, %add3A_253 : i32
        %add3A_256 = arith.addi %mul3A_7, %mul3A_255 : i32
        %dma_start3A_257 = arith.constant 0 : i32
        %dma_start3A_258 = tpu.memref_slice %arg3[%add3A_256, %dma_start3A_257] : memref<5120x128xi32, #tpu.memory_space<hbm>> -> memref<2x128xi32, #tpu.memory_space<hbm>>
        %dma_start3A_259 = arith.constant 0 : i32
        %dma_start3A_260 = tpu.memref_slice %arg3[%add3A_256, %dma_start3A_259] : memref<5120x128xi32, #tpu.memory_space<hbm>> -> memref<2x128xi32, #tpu.memory_space<hbm>>
        tpu.enqueue_dma source(%dma_start3A_260 : memref<2x128xi32, #tpu.memory_space<hbm>>) target(%arg12 : memref<2x128xi32, #tpu.memory_space<vmem>>) target_semaphore(%arg26 : memref<!tpu.dma_semaphore, #tpu.memory_space<semaphore_mem>>)
      } else {
      }
      %dma_wait3A_136 = arith.constant 1 : i32
      %dma_wait3A_137 = arith.constant 0 : i32
      %dma_wait3A_138 = tpu.memref_slice %arg10[%dma_wait3A_136, %dma_wait3A_137] : memref<2x128xi32, #tpu.memory_space<vmem>> -> memref<1x128xi32, #tpu.memory_space<vmem>>
      %dma_wait3A_139 = tpu.memref_squeeze %dma_wait3A_138 : memref<1x128xi32, #tpu.memory_space<vmem>> -> memref<128xi32, #tpu.memory_space<vmem>>
      %dma_wait3A_140 = arith.constant 0 : i32
      %dma_wait3A_141 = arith.constant 0 : i32
      %dma_wait3A_142 = tpu.memref_slice %arg17[%dma_wait3A_140, %dma_wait3A_141] : memref<10000x128xf32, #tpu.memory_space<vmem_shared>> -> memref<10000x128xf32, #tpu.memory_space<vmem_shared>>
      tpu.wait_indirect_dma semaphore(%arg22 : memref<!tpu.dma_semaphore, #tpu.memory_space<semaphore_mem>>) src(%arg14 : memref<128x128xf32, #tpu.memory_space<vmem>>) dst(%dma_wait3A_142 : memref<10000x128xf32, #tpu.memory_space<vmem_shared>>)
      %add3A_143 = arith.constant 2 : i32
      %add3A_144 = arith.addi %add3A_102, %add3A_143 : i32
      %lt3A_145 = arith.constant 80 : i32
      %lt3A_146 = arith.cmpi slt, %add3A_144, %lt3A_145 : i32
      %convert_element_type3A_147 = arith.extui %lt3A_146 : i1 to i32
      %cond3A_148 = arith.constant 0 : i32
      %cond3A_149 = arith.cmpi ne, %convert_element_type3A_147, %cond3A_148 : i32
      scf.if %cond3A_149 {
        %add3A_252 = arith.constant 2 : i32
        %add3A_253 = arith.addi %add3A_102, %add3A_252 : i32
        %mul3A_254 = arith.constant 2 : i32
        %mul3A_255 = arith.muli %mul3A_254, %add3A_253 : i32
        %add3A_256 = arith.addi %mul3A_7, %mul3A_255 : i32
        %dma_wait3A_257 = arith.constant 0 : i32
        %dma_wait3A_258 = tpu.memref_slice %arg3[%add3A_256, %dma_wait3A_257] : memref<5120x128xi32, #tpu.memory_space<hbm>> -> memref<2x128xi32, #tpu.memory_space<hbm>>
        %dma_wait3A_259 = arith.constant 0 : i32
        %dma_wait3A_260 = tpu.memref_slice %arg3[%add3A_256, %dma_wait3A_259] : memref<5120x128xi32, #tpu.memory_space<hbm>> -> memref<2x128xi32, #tpu.memory_space<hbm>>
        tpu.wait_dma2 semaphore(%arg26 : memref<!tpu.dma_semaphore, #tpu.memory_space<semaphore_mem>>) src(%dma_wait3A_260 : memref<2x128xi32, #tpu.memory_space<hbm>>) dst(%arg12 : memref<2x128xi32, #tpu.memory_space<vmem>>)
        %dma_start3A_261 = arith.constant 0 : i32
        %dma_start3A_262 = arith.constant 0 : i32
        %dma_start3A_263 = tpu.memref_slice %arg12[%dma_start3A_261, %dma_start3A_262] : memref<2x128xi32, #tpu.memory_space<vmem>> -> memref<1x128xi32, #tpu.memory_space<vmem>>
        %dma_start3A_264 = tpu.memref_squeeze %dma_start3A_263 : memref<1x128xi32, #tpu.memory_space<vmem>> -> memref<128xi32, #tpu.memory_space<vmem>>
        %dma_start3A_265 = arith.constant 0 : i32
        %dma_start3A_266 = arith.constant 0 : i32
        %dma_start3A_267 = tpu.memref_slice %arg2[%dma_start3A_265, %dma_start3A_266] : memref<10000x128xf32, #tpu.memory_space<hbm>> -> memref<10000x128xf32, #tpu.memory_space<hbm>>
        tpu.enqueue_indirect_dma source(%dma_start3A_267 : memref<10000x128xf32, #tpu.memory_space<hbm>>) target(%arg14 : memref<128x128xf32, #tpu.memory_space<vmem>>) offsets(%dma_start3A_264 : memref<128xi32, #tpu.memory_space<vmem>>) semaphore(%arg20 : memref<!tpu.dma_semaphore, #tpu.memory_space<semaphore_mem>>)
      } else {
      }
      %mul3A_150 = arith.constant 4 : i32
      %mul3A_151 = arith.muli %mul3A_150, %scan3A_51 : i32
      %add3A_152 = arith.constant 2 : i32
      %add3A_153 = arith.addi %mul3A_151, %add3A_152 : i32
      %dma_wait3A_154 = arith.constant 0 : i32
      %dma_wait3A_155 = arith.constant 0 : i32
      %dma_wait3A_156 = tpu.memref_slice %arg11[%dma_wait3A_154, %dma_wait3A_155] : memref<2x128xi32, #tpu.memory_space<vmem>> -> memref<1x128xi32, #tpu.memory_space<vmem>>
      %dma_wait3A_157 = tpu.memref_squeeze %dma_wait3A_156 : memref<1x128xi32, #tpu.memory_space<vmem>> -> memref<128xi32, #tpu.memory_space<vmem>>
      %dma_wait3A_158 = arith.constant 0 : i32
      %dma_wait3A_159 = arith.constant 0 : i32
      %dma_wait3A_160 = tpu.memref_slice %arg2[%dma_wait3A_158, %dma_wait3A_159] : memref<10000x128xf32, #tpu.memory_space<hbm>> -> memref<10000x128xf32, #tpu.memory_space<hbm>>
      tpu.wait_indirect_dma semaphore(%arg19 : memref<!tpu.dma_semaphore, #tpu.memory_space<semaphore_mem>>) src(%dma_wait3A_160 : memref<10000x128xf32, #tpu.memory_space<hbm>>) dst(%arg13 : memref<128x128xf32, #tpu.memory_space<vmem>>)
      %dma_start3A_161 = arith.constant 1 : i32
      %dma_start3A_162 = arith.constant 0 : i32
      %dma_start3A_163 = tpu.memref_slice %arg11[%dma_start3A_161, %dma_start3A_162] : memref<2x128xi32, #tpu.memory_space<vmem>> -> memref<1x128xi32, #tpu.memory_space<vmem>>
      %dma_start3A_164 = tpu.memref_squeeze %dma_start3A_163 : memref<1x128xi32, #tpu.memory_space<vmem>> -> memref<128xi32, #tpu.memory_space<vmem>>
      %dma_start3A_165 = arith.constant 0 : i32
      %dma_start3A_166 = arith.constant 0 : i32
      %dma_start3A_167 = tpu.memref_slice %arg17[%dma_start3A_165, %dma_start3A_166] : memref<10000x128xf32, #tpu.memory_space<vmem_shared>> -> memref<10000x128xf32, #tpu.memory_space<vmem_shared>>
      tpu.enqueue_indirect_dma source(%arg13 : memref<128x128xf32, #tpu.memory_space<vmem>>) target(%dma_start3A_167 : memref<10000x128xf32, #tpu.memory_space<vmem_shared>>) offsets(%dma_start3A_164 : memref<128xi32, #tpu.memory_space<vmem>>) semaphore(%arg21 : memref<!tpu.dma_semaphore, #tpu.memory_space<semaphore_mem>>) {add = true}
      %dma_start3A_168 = arith.constant 1 : i32
      %dma_start3A_169 = arith.constant 0 : i32
      %dma_start3A_170 = tpu.memref_slice %arg11[%dma_start3A_168, %dma_start3A_169] : memref<2x128xi32, #tpu.memory_space<vmem>> -> memref<1x128xi32, #tpu.memory_space<vmem>>
      %dma_start3A_171 = tpu.memref_squeeze %dma_start3A_170 : memref<1x128xi32, #tpu.memory_space<vmem>> -> memref<128xi32, #tpu.memory_space<vmem>>
      %dma_start3A_172 = arith.constant 0 : i32
      %dma_start3A_173 = arith.constant 0 : i32
      %dma_start3A_174 = tpu.memref_slice %arg18[%dma_start3A_172, %dma_start3A_173] : memref<10000x16xf32, #tpu.memory_space<vmem_shared>> -> memref<10000x16xf32, #tpu.memory_space<vmem_shared>>
      tpu.enqueue_indirect_dma source(%arg15 : memref<128x16xf32, #tpu.memory_space<vmem>>) target(%dma_start3A_174 : memref<10000x16xf32, #tpu.memory_space<vmem_shared>>) offsets(%dma_start3A_171 : memref<128xi32, #tpu.memory_space<vmem>>) semaphore(%arg29 : memref<!tpu.dma_semaphore, #tpu.memory_space<semaphore_mem>>) {add = true}
      %ge3A_175 = arith.constant 2 : i32
      %ge3A_176 = arith.cmpi sge, %add3A_153, %ge3A_175 : i32
      %convert_element_type3A_177 = arith.extui %ge3A_176 : i1 to i32
      %cond3A_178 = arith.constant 0 : i32
      %cond3A_179 = arith.cmpi ne, %convert_element_type3A_177, %cond3A_178 : i32
      scf.if %cond3A_179 {
        %dma_wait3A_252 = arith.constant 1 : i32
        %dma_wait3A_253 = arith.constant 0 : i32
        %dma_wait3A_254 = tpu.memref_slice %arg9[%dma_wait3A_252, %dma_wait3A_253] : memref<2x128xi32, #tpu.memory_space<vmem>> -> memref<1x128xi32, #tpu.memory_space<vmem>>
        %dma_wait3A_255 = tpu.memref_squeeze %dma_wait3A_254 : memref<1x128xi32, #tpu.memory_space<vmem>> -> memref<128xi32, #tpu.memory_space<vmem>>
        %dma_wait3A_256 = arith.constant 0 : i32
        %dma_wait3A_257 = arith.constant 0 : i32
        %dma_wait3A_258 = tpu.memref_slice %arg18[%dma_wait3A_256, %dma_wait3A_257] : memref<10000x16xf32, #tpu.memory_space<vmem_shared>> -> memref<10000x16xf32, #tpu.memory_space<vmem_shared>>
        tpu.wait_indirect_dma semaphore(%arg27 : memref<!tpu.dma_semaphore, #tpu.memory_space<semaphore_mem>>) src(%arg15 : memref<128x16xf32, #tpu.memory_space<vmem>>) dst(%dma_wait3A_258 : memref<10000x16xf32, #tpu.memory_space<vmem_shared>>)
      } else {
      }
      %add3A_180 = arith.constant 2 : i32
      %add3A_181 = arith.addi %add3A_153, %add3A_180 : i32
      %lt3A_182 = arith.constant 80 : i32
      %lt3A_183 = arith.cmpi slt, %add3A_181, %lt3A_182 : i32
      %convert_element_type3A_184 = arith.extui %lt3A_183 : i1 to i32
      %cond3A_185 = arith.constant 0 : i32
      %cond3A_186 = arith.cmpi ne, %convert_element_type3A_184, %cond3A_185 : i32
      scf.if %cond3A_186 {
        %add3A_252 = arith.constant 2 : i32
        %add3A_253 = arith.addi %add3A_153, %add3A_252 : i32
        %mul3A_254 = arith.constant 2 : i32
        %mul3A_255 = arith.muli %mul3A_254, %add3A_253 : i32
        %add3A_256 = arith.addi %mul3A_7, %mul3A_255 : i32
        %dma_start3A_257 = arith.constant 0 : i32
        %dma_start3A_258 = tpu.memref_slice %arg3[%add3A_256, %dma_start3A_257] : memref<5120x128xi32, #tpu.memory_space<hbm>> -> memref<2x128xi32, #tpu.memory_space<hbm>>
        %dma_start3A_259 = arith.constant 0 : i32
        %dma_start3A_260 = tpu.memref_slice %arg3[%add3A_256, %dma_start3A_259] : memref<5120x128xi32, #tpu.memory_space<hbm>> -> memref<2x128xi32, #tpu.memory_space<hbm>>
        tpu.enqueue_dma source(%dma_start3A_260 : memref<2x128xi32, #tpu.memory_space<hbm>>) target(%arg9 : memref<2x128xi32, #tpu.memory_space<vmem>>) target_semaphore(%arg23 : memref<!tpu.dma_semaphore, #tpu.memory_space<semaphore_mem>>)
      } else {
      }
      %dma_wait3A_187 = arith.constant 1 : i32
      %dma_wait3A_188 = arith.constant 0 : i32
      %dma_wait3A_189 = tpu.memref_slice %arg11[%dma_wait3A_187, %dma_wait3A_188] : memref<2x128xi32, #tpu.memory_space<vmem>> -> memref<1x128xi32, #tpu.memory_space<vmem>>
      %dma_wait3A_190 = tpu.memref_squeeze %dma_wait3A_189 : memref<1x128xi32, #tpu.memory_space<vmem>> -> memref<128xi32, #tpu.memory_space<vmem>>
      %dma_wait3A_191 = arith.constant 0 : i32
      %dma_wait3A_192 = arith.constant 0 : i32
      %dma_wait3A_193 = tpu.memref_slice %arg17[%dma_wait3A_191, %dma_wait3A_192] : memref<10000x128xf32, #tpu.memory_space<vmem_shared>> -> memref<10000x128xf32, #tpu.memory_space<vmem_shared>>
      tpu.wait_indirect_dma semaphore(%arg21 : memref<!tpu.dma_semaphore, #tpu.memory_space<semaphore_mem>>) src(%arg13 : memref<128x128xf32, #tpu.memory_space<vmem>>) dst(%dma_wait3A_193 : memref<10000x128xf32, #tpu.memory_space<vmem_shared>>)
      %add3A_194 = arith.constant 2 : i32
      %add3A_195 = arith.addi %add3A_153, %add3A_194 : i32
      %lt3A_196 = arith.constant 80 : i32
      %lt3A_197 = arith.cmpi slt, %add3A_195, %lt3A_196 : i32
      %convert_element_type3A_198 = arith.extui %lt3A_197 : i1 to i32
      %cond3A_199 = arith.constant 0 : i32
      %cond3A_200 = arith.cmpi ne, %convert_element_type3A_198, %cond3A_199 : i32
      scf.if %cond3A_200 {
        %add3A_252 = arith.constant 2 : i32
        %add3A_253 = arith.addi %add3A_153, %add3A_252 : i32
        %mul3A_254 = arith.constant 2 : i32
        %mul3A_255 = arith.muli %mul3A_254, %add3A_253 : i32
        %add3A_256 = arith.addi %mul3A_7, %mul3A_255 : i32
        %dma_wait3A_257 = arith.constant 0 : i32
        %dma_wait3A_258 = tpu.memref_slice %arg3[%add3A_256, %dma_wait3A_257] : memref<5120x128xi32, #tpu.memory_space<hbm>> -> memref<2x128xi32, #tpu.memory_space<hbm>>
        %dma_wait3A_259 = arith.constant 0 : i32
        %dma_wait3A_260 = tpu.memref_slice %arg3[%add3A_256, %dma_wait3A_259] : memref<5120x128xi32, #tpu.memory_space<hbm>> -> memref<2x128xi32, #tpu.memory_space<hbm>>
        tpu.wait_dma2 semaphore(%arg23 : memref<!tpu.dma_semaphore, #tpu.memory_space<semaphore_mem>>) src(%dma_wait3A_260 : memref<2x128xi32, #tpu.memory_space<hbm>>) dst(%arg9 : memref<2x128xi32, #tpu.memory_space<vmem>>)
        %dma_start3A_261 = arith.constant 0 : i32
        %dma_start3A_262 = arith.constant 0 : i32
        %dma_start3A_263 = tpu.memref_slice %arg9[%dma_start3A_261, %dma_start3A_262] : memref<2x128xi32, #tpu.memory_space<vmem>> -> memref<1x128xi32, #tpu.memory_space<vmem>>
        %dma_start3A_264 = tpu.memref_squeeze %dma_start3A_263 : memref<1x128xi32, #tpu.memory_space<vmem>> -> memref<128xi32, #tpu.memory_space<vmem>>
        %dma_start3A_265 = arith.constant 0 : i32
        %dma_start3A_266 = arith.constant 0 : i32
        %dma_start3A_267 = tpu.memref_slice %arg2[%dma_start3A_265, %dma_start3A_266] : memref<10000x128xf32, #tpu.memory_space<hbm>> -> memref<10000x128xf32, #tpu.memory_space<hbm>>
        tpu.enqueue_indirect_dma source(%dma_start3A_267 : memref<10000x128xf32, #tpu.memory_space<hbm>>) target(%arg13 : memref<128x128xf32, #tpu.memory_space<vmem>>) offsets(%dma_start3A_264 : memref<128xi32, #tpu.memory_space<vmem>>) semaphore(%arg19 : memref<!tpu.dma_semaphore, #tpu.memory_space<semaphore_mem>>)
      } else {
      }
      %mul3A_201 = arith.constant 4 : i32
      %mul3A_202 = arith.muli %mul3A_201, %scan3A_51 : i32
      %add3A_203 = arith.constant 3 : i32
      %add3A_204 = arith.addi %mul3A_202, %add3A_203 : i32
      %dma_wait3A_205 = arith.constant 0 : i32
      %dma_wait3A_206 = arith.constant 0 : i32
      %dma_wait3A_207 = tpu.memref_slice %arg12[%dma_wait3A_205, %dma_wait3A_206] : memref<2x128xi32, #tpu.memory_space<vmem>> -> memref<1x128xi32, #tpu.memory_space<vmem>>
      %dma_wait3A_208 = tpu.memref_squeeze %dma_wait3A_207 : memref<1x128xi32, #tpu.memory_space<vmem>> -> memref<128xi32, #tpu.memory_space<vmem>>
      %dma_wait3A_209 = arith.constant 0 : i32
      %dma_wait3A_210 = arith.constant 0 : i32
      %dma_wait3A_211 = tpu.memref_slice %arg2[%dma_wait3A_209, %dma_wait3A_210] : memref<10000x128xf32, #tpu.memory_space<hbm>> -> memref<10000x128xf32, #tpu.memory_space<hbm>>
      tpu.wait_indirect_dma semaphore(%arg20 : memref<!tpu.dma_semaphore, #tpu.memory_space<semaphore_mem>>) src(%dma_wait3A_211 : memref<10000x128xf32, #tpu.memory_space<hbm>>) dst(%arg14 : memref<128x128xf32, #tpu.memory_space<vmem>>)
      %dma_start3A_212 = arith.constant 1 : i32
      %dma_start3A_213 = arith.constant 0 : i32
      %dma_start3A_214 = tpu.memref_slice %arg12[%dma_start3A_212, %dma_start3A_213] : memref<2x128xi32, #tpu.memory_space<vmem>> -> memref<1x128xi32, #tpu.memory_space<vmem>>
      %dma_start3A_215 = tpu.memref_squeeze %dma_start3A_214 : memref<1x128xi32, #tpu.memory_space<vmem>> -> memref<128xi32, #tpu.memory_space<vmem>>
      %dma_start3A_216 = arith.constant 0 : i32
      %dma_start3A_217 = arith.constant 0 : i32
      %dma_start3A_218 = tpu.memref_slice %arg17[%dma_start3A_216, %dma_start3A_217] : memref<10000x128xf32, #tpu.memory_space<vmem_shared>> -> memref<10000x128xf32, #tpu.memory_space<vmem_shared>>
      tpu.enqueue_indirect_dma source(%arg14 : memref<128x128xf32, #tpu.memory_space<vmem>>) target(%dma_start3A_218 : memref<10000x128xf32, #tpu.memory_space<vmem_shared>>) offsets(%dma_start3A_215 : memref<128xi32, #tpu.memory_space<vmem>>) semaphore(%arg22 : memref<!tpu.dma_semaphore, #tpu.memory_space<semaphore_mem>>) {add = true}
      %dma_start3A_219 = arith.constant 1 : i32
      %dma_start3A_220 = arith.constant 0 : i32
      %dma_start3A_221 = tpu.memref_slice %arg12[%dma_start3A_219, %dma_start3A_220] : memref<2x128xi32, #tpu.memory_space<vmem>> -> memref<1x128xi32, #tpu.memory_space<vmem>>
      %dma_start3A_222 = tpu.memref_squeeze %dma_start3A_221 : memref<1x128xi32, #tpu.memory_space<vmem>> -> memref<128xi32, #tpu.memory_space<vmem>>
      %dma_start3A_223 = arith.constant 0 : i32
      %dma_start3A_224 = arith.constant 0 : i32
      %dma_start3A_225 = tpu.memref_slice %arg18[%dma_start3A_223, %dma_start3A_224] : memref<10000x16xf32, #tpu.memory_space<vmem_shared>> -> memref<10000x16xf32, #tpu.memory_space<vmem_shared>>
      tpu.enqueue_indirect_dma source(%arg15 : memref<128x16xf32, #tpu.memory_space<vmem>>) target(%dma_start3A_225 : memref<10000x16xf32, #tpu.memory_space<vmem_shared>>) offsets(%dma_start3A_222 : memref<128xi32, #tpu.memory_space<vmem>>) semaphore(%arg30 : memref<!tpu.dma_semaphore, #tpu.memory_space<semaphore_mem>>) {add = true}
      %ge3A_226 = arith.constant 2 : i32
      %ge3A_227 = arith.cmpi sge, %add3A_204, %ge3A_226 : i32
      %convert_element_type3A_228 = arith.extui %ge3A_227 : i1 to i32
      %cond3A_229 = arith.constant 0 : i32
      %cond3A_230 = arith.cmpi ne, %convert_element_type3A_228, %cond3A_229 : i32
      scf.if %cond3A_230 {
        %dma_wait3A_252 = arith.constant 1 : i32
        %dma_wait3A_253 = arith.constant 0 : i32
        %dma_wait3A_254 = tpu.memref_slice %arg10[%dma_wait3A_252, %dma_wait3A_253] : memref<2x128xi32, #tpu.memory_space<vmem>> -> memref<1x128xi32, #tpu.memory_space<vmem>>
        %dma_wait3A_255 = tpu.memref_squeeze %dma_wait3A_254 : memref<1x128xi32, #tpu.memory_space<vmem>> -> memref<128xi32, #tpu.memory_space<vmem>>
        %dma_wait3A_256 = arith.constant 0 : i32
        %dma_wait3A_257 = arith.constant 0 : i32
        %dma_wait3A_258 = tpu.memref_slice %arg18[%dma_wait3A_256, %dma_wait3A_257] : memref<10000x16xf32, #tpu.memory_space<vmem_shared>> -> memref<10000x16xf32, #tpu.memory_space<vmem_shared>>
        tpu.wait_indirect_dma semaphore(%arg28 : memref<!tpu.dma_semaphore, #tpu.memory_space<semaphore_mem>>) src(%arg15 : memref<128x16xf32, #tpu.memory_space<vmem>>) dst(%dma_wait3A_258 : memref<10000x16xf32, #tpu.memory_space<vmem_shared>>)
      } else {
      }
      %add3A_231 = arith.constant 2 : i32
      %add3A_232 = arith.addi %add3A_204, %add3A_231 : i32
      %lt3A_233 = arith.constant 80 : i32
      %lt3A_234 = arith.cmpi slt, %add3A_232, %lt3A_233 : i32
      %convert_element_type3A_235 = arith.extui %lt3A_234 : i1 to i32
      %cond3A_236 = arith.constant 0 : i32
      %cond3A_237 = arith.cmpi ne, %convert_element_type3A_235, %cond3A_236 : i32
      scf.if %cond3A_237 {
        %add3A_252 = arith.constant 2 : i32
        %add3A_253 = arith.addi %add3A_204, %add3A_252 : i32
        %mul3A_254 = arith.constant 2 : i32
        %mul3A_255 = arith.muli %mul3A_254, %add3A_253 : i32
        %add3A_256 = arith.addi %mul3A_7, %mul3A_255 : i32
        %dma_start3A_257 = arith.constant 0 : i32
        %dma_start3A_258 = tpu.memref_slice %arg3[%add3A_256, %dma_start3A_257] : memref<5120x128xi32, #tpu.memory_space<hbm>> -> memref<2x128xi32, #tpu.memory_space<hbm>>
        %dma_start3A_259 = arith.constant 0 : i32
        %dma_start3A_260 = tpu.memref_slice %arg3[%add3A_256, %dma_start3A_259] : memref<5120x128xi32, #tpu.memory_space<hbm>> -> memref<2x128xi32, #tpu.memory_space<hbm>>
        tpu.enqueue_dma source(%dma_start3A_260 : memref<2x128xi32, #tpu.memory_space<hbm>>) target(%arg10 : memref<2x128xi32, #tpu.memory_space<vmem>>) target_semaphore(%arg24 : memref<!tpu.dma_semaphore, #tpu.memory_space<semaphore_mem>>)
      } else {
      }
      %dma_wait3A_238 = arith.constant 1 : i32
      %dma_wait3A_239 = arith.constant 0 : i32
      %dma_wait3A_240 = tpu.memref_slice %arg12[%dma_wait3A_238, %dma_wait3A_239] : memref<2x128xi32, #tpu.memory_space<vmem>> -> memref<1x128xi32, #tpu.memory_space<vmem>>
      %dma_wait3A_241 = tpu.memref_squeeze %dma_wait3A_240 : memref<1x128xi32, #tpu.memory_space<vmem>> -> memref<128xi32, #tpu.memory_space<vmem>>
      %dma_wait3A_242 = arith.constant 0 : i32
      %dma_wait3A_243 = arith.constant 0 : i32
      %dma_wait3A_244 = tpu.memref_slice %arg17[%dma_wait3A_242, %dma_wait3A_243] : memref<10000x128xf32, #tpu.memory_space<vmem_shared>> -> memref<10000x128xf32, #tpu.memory_space<vmem_shared>>
      tpu.wait_indirect_dma semaphore(%arg22 : memref<!tpu.dma_semaphore, #tpu.memory_space<semaphore_mem>>) src(%arg14 : memref<128x128xf32, #tpu.memory_space<vmem>>) dst(%dma_wait3A_244 : memref<10000x128xf32, #tpu.memory_space<vmem_shared>>)
      %add3A_245 = arith.constant 2 : i32
      %add3A_246 = arith.addi %add3A_204, %add3A_245 : i32
      %lt3A_247 = arith.constant 80 : i32
      %lt3A_248 = arith.cmpi slt, %add3A_246, %lt3A_247 : i32
      %convert_element_type3A_249 = arith.extui %lt3A_248 : i1 to i32
      %cond3A_250 = arith.constant 0 : i32
      %cond3A_251 = arith.cmpi ne, %convert_element_type3A_249, %cond3A_250 : i32
      scf.if %cond3A_251 {
        %add3A_252 = arith.constant 2 : i32
        %add3A_253 = arith.addi %add3A_204, %add3A_252 : i32
        %mul3A_254 = arith.constant 2 : i32
        %mul3A_255 = arith.muli %mul3A_254, %add3A_253 : i32
        %add3A_256 = arith.addi %mul3A_7, %mul3A_255 : i32
        %dma_wait3A_257 = arith.constant 0 : i32
        %dma_wait3A_258 = tpu.memref_slice %arg3[%add3A_256, %dma_wait3A_257] : memref<5120x128xi32, #tpu.memory_space<hbm>> -> memref<2x128xi32, #tpu.memory_space<hbm>>
        %dma_wait3A_259 = arith.constant 0 : i32
        %dma_wait3A_260 = tpu.memref_slice %arg3[%add3A_256, %dma_wait3A_259] : memref<5120x128xi32, #tpu.memory_space<hbm>> -> memref<2x128xi32, #tpu.memory_space<hbm>>
        tpu.wait_dma2 semaphore(%arg24 : memref<!tpu.dma_semaphore, #tpu.memory_space<semaphore_mem>>) src(%dma_wait3A_260 : memref<2x128xi32, #tpu.memory_space<hbm>>) dst(%arg10 : memref<2x128xi32, #tpu.memory_space<vmem>>)
        %dma_start3A_261 = arith.constant 0 : i32
        %dma_start3A_262 = arith.constant 0 : i32
        %dma_start3A_263 = tpu.memref_slice %arg10[%dma_start3A_261, %dma_start3A_262] : memref<2x128xi32, #tpu.memory_space<vmem>> -> memref<1x128xi32, #tpu.memory_space<vmem>>
        %dma_start3A_264 = tpu.memref_squeeze %dma_start3A_263 : memref<1x128xi32, #tpu.memory_space<vmem>> -> memref<128xi32, #tpu.memory_space<vmem>>
        %dma_start3A_265 = arith.constant 0 : i32
        %dma_start3A_266 = arith.constant 0 : i32
        %dma_start3A_267 = tpu.memref_slice %arg2[%dma_start3A_265, %dma_start3A_266] : memref<10000x128xf32, #tpu.memory_space<hbm>> -> memref<10000x128xf32, #tpu.memory_space<hbm>>
        tpu.enqueue_indirect_dma source(%dma_start3A_267 : memref<10000x128xf32, #tpu.memory_space<hbm>>) target(%arg14 : memref<128x128xf32, #tpu.memory_space<vmem>>) offsets(%dma_start3A_264 : memref<128xi32, #tpu.memory_space<vmem>>) semaphore(%arg20 : memref<!tpu.dma_semaphore, #tpu.memory_space<semaphore_mem>>)
      } else {
      }
    }
    %scan3A_30 = arith.constant 20 : i32
    %dma_wait3A = arith.constant 1 : i32
    %dma_wait3A_31 = arith.constant 0 : i32
    %dma_wait3A_32 = tpu.memref_slice %arg11[%dma_wait3A, %dma_wait3A_31] : memref<2x128xi32, #tpu.memory_space<vmem>> -> memref<1x128xi32, #tpu.memory_space<vmem>>
    %dma_wait3A_33 = tpu.memref_squeeze %dma_wait3A_32 : memref<1x128xi32, #tpu.memory_space<vmem>> -> memref<128xi32, #tpu.memory_space<vmem>>
    %dma_wait3A_34 = arith.constant 0 : i32
    %dma_wait3A_35 = arith.constant 0 : i32
    %dma_wait3A_36 = tpu.memref_slice %arg18[%dma_wait3A_34, %dma_wait3A_35] : memref<10000x16xf32, #tpu.memory_space<vmem_shared>> -> memref<10000x16xf32, #tpu.memory_space<vmem_shared>>
    tpu.wait_indirect_dma semaphore(%arg29 : memref<!tpu.dma_semaphore, #tpu.memory_space<semaphore_mem>>) src(%arg15 : memref<128x16xf32, #tpu.memory_space<vmem>>) dst(%dma_wait3A_36 : memref<10000x16xf32, #tpu.memory_space<vmem_shared>>)
    %dma_wait3A_37 = arith.constant 1 : i32
    %dma_wait3A_38 = arith.constant 0 : i32
    %dma_wait3A_39 = tpu.memref_slice %arg12[%dma_wait3A_37, %dma_wait3A_38] : memref<2x128xi32, #tpu.memory_space<vmem>> -> memref<1x128xi32, #tpu.memory_space<vmem>>
    %dma_wait3A_40 = tpu.memref_squeeze %dma_wait3A_39 : memref<1x128xi32, #tpu.memory_space<vmem>> -> memref<128xi32, #tpu.memory_space<vmem>>
    %dma_wait3A_41 = arith.constant 0 : i32
    %dma_wait3A_42 = arith.constant 0 : i32
    %dma_wait3A_43 = tpu.memref_slice %arg18[%dma_wait3A_41, %dma_wait3A_42] : memref<10000x16xf32, #tpu.memory_space<vmem_shared>> -> memref<10000x16xf32, #tpu.memory_space<vmem_shared>>
    tpu.wait_indirect_dma semaphore(%arg30 : memref<!tpu.dma_semaphore, #tpu.memory_space<semaphore_mem>>) src(%arg15 : memref<128x16xf32, #tpu.memory_space<vmem>>) dst(%dma_wait3A_43 : memref<10000x16xf32, #tpu.memory_space<vmem_shared>>)
    %barrier3A_44 = arith.constant 0 : index
    tpu.barrier barrier_id(%barrier3A_44)
    %scan3A_45 = arith.constant 0 : i32
    %scan3A_46 = arith.constant 0 : i32
    %scan3A_47 = arith.constant 7 : i32
    %scan3A_48 = arith.addi %scan3A_46, %scan3A_47 : i32
    %scan3A_49 = arith.constant 1 : i32
    scf.for %scan3A_51 = %scan3A_46 to %scan3A_48 step %scan3A_49  : i32 {
      %mul3A_52 = arith.constant 16 : i32
      %mul3A_53 = arith.muli %mul3A_52, %scan3A_51 : i32
      %add3A_54 = arith.addi %arg1, %mul3A_53 : i32
      %lt3A = arith.constant 100 : i32
      %lt3A_55 = arith.cmpi slt, %add3A_54, %lt3A : i32
      %convert_element_type3A = arith.extui %lt3A_55 : i1 to i32
      %cond3A = arith.constant 0 : i32
      %cond3A_56 = arith.cmpi ne, %convert_element_type3A, %cond3A : i32
      scf.if %cond3A_56 {
        %mul3A_57 = arith.constant 100 : i32
        %mul3A_58 = arith.muli %add3A_54, %mul3A_57 : i32
        "tpu.region"() ({
          %run_scoped3A = tpu.sem_alloc : memref<!tpu.dma_semaphore, #tpu.memory_space<semaphore_mem>>
          %dma_start3A_65 = arith.constant 0 : i32
          %dma_start3A_66 = arith.constant 0 : i32
          %dma_start3A_67 = tpu.memref_slice %arg13[%dma_start3A_65, %dma_start3A_66] : memref<128x128xf32, #tpu.memory_space<vmem>> -> memref<100x128xf32, #tpu.memory_space<vmem>>
          %dma_start3A_68 = arith.constant 0 : i32
          %dma_start3A_69 = tpu.memref_slice %arg17[%mul3A_58, %dma_start3A_68] : memref<10000x128xf32, #tpu.memory_space<vmem_shared>> -> memref<100x128xf32, #tpu.memory_space<vmem_shared>>
          %dma_start3A_70 = arith.constant 0 : i32
          %dma_start3A_71 = arith.constant 0 : i32
          %dma_start3A_72 = tpu.memref_slice %arg13[%dma_start3A_70, %dma_start3A_71] : memref<128x128xf32, #tpu.memory_space<vmem>> -> memref<100x128xf32, #tpu.memory_space<vmem>>
          %dma_start3A_73 = arith.constant 0 : i32
          %dma_start3A_74 = tpu.memref_slice %arg17[%mul3A_58, %dma_start3A_73] : memref<10000x128xf32, #tpu.memory_space<vmem_shared>> -> memref<100x128xf32, #tpu.memory_space<vmem_shared>>
          tpu.enqueue_dma source(%dma_start3A_74 : memref<100x128xf32, #tpu.memory_space<vmem_shared>>) target(%dma_start3A_72 : memref<100x128xf32, #tpu.memory_space<vmem>>) target_semaphore(%run_scoped3A : memref<!tpu.dma_semaphore, #tpu.memory_space<semaphore_mem>>)
          %dma_wait3A_75 = arith.constant 0 : i32
          %dma_wait3A_76 = arith.constant 0 : i32
          %dma_wait3A_77 = tpu.memref_slice %arg13[%dma_wait3A_75, %dma_wait3A_76] : memref<128x128xf32, #tpu.memory_space<vmem>> -> memref<100x128xf32, #tpu.memory_space<vmem>>
          %dma_wait3A_78 = arith.constant 0 : i32
          %dma_wait3A_79 = tpu.memref_slice %arg17[%mul3A_58, %dma_wait3A_78] : memref<10000x128xf32, #tpu.memory_space<vmem_shared>> -> memref<100x128xf32, #tpu.memory_space<vmem_shared>>
          %dma_wait3A_80 = arith.constant 0 : i32
          %dma_wait3A_81 = arith.constant 0 : i32
          %dma_wait3A_82 = tpu.memref_slice %arg13[%dma_wait3A_80, %dma_wait3A_81] : memref<128x128xf32, #tpu.memory_space<vmem>> -> memref<100x128xf32, #tpu.memory_space<vmem>>
          %dma_wait3A_83 = arith.constant 0 : i32
          %dma_wait3A_84 = tpu.memref_slice %arg17[%mul3A_58, %dma_wait3A_83] : memref<10000x128xf32, #tpu.memory_space<vmem_shared>> -> memref<100x128xf32, #tpu.memory_space<vmem_shared>>
          tpu.wait_dma2 semaphore(%run_scoped3A : memref<!tpu.dma_semaphore, #tpu.memory_space<semaphore_mem>>) src(%dma_wait3A_84 : memref<100x128xf32, #tpu.memory_space<vmem_shared>>) dst(%dma_wait3A_82 : memref<100x128xf32, #tpu.memory_space<vmem>>)
          tpu.yield
        }) : () -> ()
        %mul3A_59 = arith.constant 100 : i32
        %mul3A_60 = arith.muli %add3A_54, %mul3A_59 : i32
        "tpu.region"() ({
          %run_scoped3A = tpu.sem_alloc : memref<!tpu.dma_semaphore, #tpu.memory_space<semaphore_mem>>
          %dma_start3A_65 = arith.constant 0 : i32
          %dma_start3A_66 = arith.constant 0 : i32
          %dma_start3A_67 = tpu.memref_slice %arg13[%dma_start3A_65, %dma_start3A_66] : memref<128x128xf32, #tpu.memory_space<vmem>> -> memref<100x128xf32, #tpu.memory_space<vmem>>
          %dma_start3A_68 = arith.constant 0 : i32
          %dma_start3A_69 = tpu.memref_slice %arg7[%arg0, %mul3A_60, %dma_start3A_68] : memref<2x10000x128xf32, #tpu.memory_space<hbm>> -> memref<1x100x128xf32, #tpu.memory_space<hbm>>
          %dma_start3A_70 = tpu.memref_squeeze %dma_start3A_69 : memref<1x100x128xf32, #tpu.memory_space<hbm>> -> memref<100x128xf32, #tpu.memory_space<hbm>>
          %dma_start3A_71 = arith.constant 0 : i32
          %dma_start3A_72 = tpu.memref_slice %arg7[%arg0, %mul3A_60, %dma_start3A_71] : memref<2x10000x128xf32, #tpu.memory_space<hbm>> -> memref<1x100x128xf32, #tpu.memory_space<hbm>>
          %dma_start3A_73 = tpu.memref_squeeze %dma_start3A_72 : memref<1x100x128xf32, #tpu.memory_space<hbm>> -> memref<100x128xf32, #tpu.memory_space<hbm>>
          %dma_start3A_74 = arith.constant 0 : i32
          %dma_start3A_75 = arith.constant 0 : i32
          %dma_start3A_76 = tpu.memref_slice %arg13[%dma_start3A_74, %dma_start3A_75] : memref<128x128xf32, #tpu.memory_space<vmem>> -> memref<100x128xf32, #tpu.memory_space<vmem>>
          tpu.enqueue_dma source(%dma_start3A_76 : memref<100x128xf32, #tpu.memory_space<vmem>>) target(%dma_start3A_73 : memref<100x128xf32, #tpu.memory_space<hbm>>) target_semaphore(%run_scoped3A : memref<!tpu.dma_semaphore, #tpu.memory_space<semaphore_mem>>)
          %dma_wait3A_77 = arith.constant 0 : i32
          %dma_wait3A_78 = arith.constant 0 : i32
          %dma_wait3A_79 = tpu.memref_slice %arg13[%dma_wait3A_77, %dma_wait3A_78] : memref<128x128xf32, #tpu.memory_space<vmem>> -> memref<100x128xf32, #tpu.memory_space<vmem>>
          %dma_wait3A_80 = arith.constant 0 : i32
          %dma_wait3A_81 = tpu.memref_slice %arg7[%arg0, %mul3A_60, %dma_wait3A_80] : memref<2x10000x128xf32, #tpu.memory_space<hbm>> -> memref<1x100x128xf32, #tpu.memory_space<hbm>>
          %dma_wait3A_82 = tpu.memref_squeeze %dma_wait3A_81 : memref<1x100x128xf32, #tpu.memory_space<hbm>> -> memref<100x128xf32, #tpu.memory_space<hbm>>
          %dma_wait3A_83 = arith.constant 0 : i32
          %dma_wait3A_84 = tpu.memref_slice %arg7[%arg0, %mul3A_60, %dma_wait3A_83] : memref<2x10000x128xf32, #tpu.memory_space<hbm>> -> memref<1x100x128xf32, #tpu.memory_space<hbm>>
          %dma_wait3A_85 = tpu.memref_squeeze %dma_wait3A_84 : memref<1x100x128xf32, #tpu.memory_space<hbm>> -> memref<100x128xf32, #tpu.memory_space<hbm>>
          %dma_wait3A_86 = arith.constant 0 : i32
          %dma_wait3A_87 = arith.constant 0 : i32
          %dma_wait3A_88 = tpu.memref_slice %arg13[%dma_wait3A_86, %dma_wait3A_87] : memref<128x128xf32, #tpu.memory_space<vmem>> -> memref<100x128xf32, #tpu.memory_space<vmem>>
          tpu.wait_dma2 semaphore(%run_scoped3A : memref<!tpu.dma_semaphore, #tpu.memory_space<semaphore_mem>>) src(%dma_wait3A_88 : memref<100x128xf32, #tpu.memory_space<vmem>>) dst(%dma_wait3A_85 : memref<100x128xf32, #tpu.memory_space<hbm>>)
          tpu.yield
        }) : () -> ()
        %mul3A_61 = arith.constant 100 : i32
        %mul3A_62 = arith.muli %add3A_54, %mul3A_61 : i32
        "tpu.region"() ({
          %run_scoped3A = tpu.sem_alloc : memref<!tpu.dma_semaphore, #tpu.memory_space<semaphore_mem>>
          %dma_start3A_65 = arith.constant 0 : i32
          %dma_start3A_66 = tpu.memref_slice %arg18[%mul3A_62, %dma_start3A_65] : memref<10000x16xf32, #tpu.memory_space<vmem_shared>> -> memref<100x16xf32, #tpu.memory_space<vmem_shared>>
          %dma_start3A_67 = arith.constant 0 : i32
          %dma_start3A_68 = tpu.memref_slice %arg18[%mul3A_62, %dma_start3A_67] : memref<10000x16xf32, #tpu.memory_space<vmem_shared>> -> memref<100x16xf32, #tpu.memory_space<vmem_shared>>
          tpu.enqueue_dma source(%dma_start3A_68 : memref<100x16xf32, #tpu.memory_space<vmem_shared>>) target(%arg16 : memref<100x16xf32, #tpu.memory_space<vmem>>) target_semaphore(%run_scoped3A : memref<!tpu.dma_semaphore, #tpu.memory_space<semaphore_mem>>)
          %dma_wait3A_69 = arith.constant 0 : i32
          %dma_wait3A_70 = tpu.memref_slice %arg18[%mul3A_62, %dma_wait3A_69] : memref<10000x16xf32, #tpu.memory_space<vmem_shared>> -> memref<100x16xf32, #tpu.memory_space<vmem_shared>>
          %dma_wait3A_71 = arith.constant 0 : i32
          %dma_wait3A_72 = tpu.memref_slice %arg18[%mul3A_62, %dma_wait3A_71] : memref<10000x16xf32, #tpu.memory_space<vmem_shared>> -> memref<100x16xf32, #tpu.memory_space<vmem_shared>>
          tpu.wait_dma2 semaphore(%run_scoped3A : memref<!tpu.dma_semaphore, #tpu.memory_space<semaphore_mem>>) src(%dma_wait3A_72 : memref<100x16xf32, #tpu.memory_space<vmem_shared>>) dst(%arg16 : memref<100x16xf32, #tpu.memory_space<vmem>>)
          tpu.yield
        }) : () -> ()
        %mul3A_63 = arith.constant 100 : i32
        %mul3A_64 = arith.muli %add3A_54, %mul3A_63 : i32
        "tpu.region"() ({
          %run_scoped3A = tpu.sem_alloc : memref<!tpu.dma_semaphore, #tpu.memory_space<semaphore_mem>>
          %dma_start3A_65 = arith.constant 0 : i32
          %dma_start3A_66 = tpu.memref_slice %arg8[%arg0, %mul3A_64, %dma_start3A_65] : memref<2x10000x16xf32, #tpu.memory_space<hbm>> -> memref<1x100x16xf32, #tpu.memory_space<hbm>>
          %dma_start3A_67 = tpu.memref_squeeze %dma_start3A_66 : memref<1x100x16xf32, #tpu.memory_space<hbm>> -> memref<100x16xf32, #tpu.memory_space<hbm>>
          %dma_start3A_68 = arith.constant 0 : i32
          %dma_start3A_69 = tpu.memref_slice %arg8[%arg0, %mul3A_64, %dma_start3A_68] : memref<2x10000x16xf32, #tpu.memory_space<hbm>> -> memref<1x100x16xf32, #tpu.memory_space<hbm>>
          %dma_start3A_70 = tpu.memref_squeeze %dma_start3A_69 : memref<1x100x16xf32, #tpu.memory_space<hbm>> -> memref<100x16xf32, #tpu.memory_space<hbm>>
          tpu.enqueue_dma source(%arg16 : memref<100x16xf32, #tpu.memory_space<vmem>>) target(%dma_start3A_70 : memref<100x16xf32, #tpu.memory_space<hbm>>) target_semaphore(%run_scoped3A : memref<!tpu.dma_semaphore, #tpu.memory_space<semaphore_mem>>)
          %dma_wait3A_71 = arith.constant 0 : i32
          %dma_wait3A_72 = tpu.memref_slice %arg8[%arg0, %mul3A_64, %dma_wait3A_71] : memref<2x10000x16xf32, #tpu.memory_space<hbm>> -> memref<1x100x16xf32, #tpu.memory_space<hbm>>
          %dma_wait3A_73 = tpu.memref_squeeze %dma_wait3A_72 : memref<1x100x16xf32, #tpu.memory_space<hbm>> -> memref<100x16xf32, #tpu.memory_space<hbm>>
          %dma_wait3A_74 = arith.constant 0 : i32
          %dma_wait3A_75 = tpu.memref_slice %arg8[%arg0, %mul3A_64, %dma_wait3A_74] : memref<2x10000x16xf32, #tpu.memory_space<hbm>> -> memref<1x100x16xf32, #tpu.memory_space<hbm>>
          %dma_wait3A_76 = tpu.memref_squeeze %dma_wait3A_75 : memref<1x100x16xf32, #tpu.memory_space<hbm>> -> memref<100x16xf32, #tpu.memory_space<hbm>>
          tpu.wait_dma2 semaphore(%run_scoped3A : memref<!tpu.dma_semaphore, #tpu.memory_space<semaphore_mem>>) src(%arg16 : memref<100x16xf32, #tpu.memory_space<vmem>>) dst(%dma_wait3A_76 : memref<100x16xf32, #tpu.memory_space<hbm>>)
          tpu.yield
        }) : () -> ()
      } else {
      }
    }
    %scan3A_50 = arith.constant 7 : i32
    return
  }
}

module attributes {stable_mosaic.version = 14 : i64} {
  func.func @_tc1_body(%arg0: i32, %arg1: memref<2x2000x128xf32, #tpu.memory_space<vmem>>, %arg2: memref<2x2000x16xf32, #tpu.memory_space<vmem>>, %arg3: memref<2000x128xf32, #tpu.memory_space<vmem>>, %arg4: memref<128x128xf32, #tpu.memory_space<vmem>>, %arg5: memref<1x128xf32, #tpu.memory_space<vmem>>, %arg6: memref<128x128xf32, #tpu.memory_space<vmem>>, %arg7: memref<16x128xf32, #tpu.memory_space<vmem>>, %arg8: memref<2000x128xf32, #tpu.memory_space<vmem>>, %arg9: memref<2000x16xf32, #tpu.memory_space<vmem>>, %arg10: memref<2000x1xf32, #tpu.memory_space<vmem>>) attributes {dimension_semantics = [#tpu.dimension_semantics<arbitrary>], iteration_bounds = array<i64: 5>, scalar_prefetch = 0 : i64, scratch_operands = 0 : i64, tpu.core_type = #tpu.core_type<tc>, window_params = [{transform_indices = @transform_0, window_bounds = array<i64: 2, 2000, 128>}, {transform_indices = @transform_1, window_bounds = array<i64: 2, 2000, 16>}, {transform_indices = @transform_2, window_bounds = array<i64: 2000, 128>}, {pipeline_mode = #tpu.pipeline_mode<synchronous>, transform_indices = @transform_3, window_bounds = array<i64: 128, 128>}, {pipeline_mode = #tpu.pipeline_mode<synchronous>, transform_indices = @transform_4, window_bounds = array<i64: 1, 128>}, {pipeline_mode = #tpu.pipeline_mode<synchronous>, transform_indices = @transform_5, window_bounds = array<i64: 128, 128>}, {pipeline_mode = #tpu.pipeline_mode<synchronous>, transform_indices = @transform_6, window_bounds = array<i64: 16, 128>}, {transform_indices = @transform_7, window_bounds = array<i64: 2000, 128>}, {transform_indices = @transform_8, window_bounds = array<i64: 2000, 16>}, {transform_indices = @transform_9, window_bounds = array<i64: 2000, 1>}]} {
    %get3A = arith.constant 0 : index
    %get3A_0 = arith.constant 0 : index
    %get3A_1 = arith.constant 0 : index
    %get3A_2 = vector.load %arg1[%get3A, %get3A_0, %get3A_1] : memref<2x2000x128xf32, #tpu.memory_space<vmem>>, vector<2x2000x128xf32>
    %get3A_3 = arith.constant 0 : index
    %get3A_4 = arith.constant 0 : index
    %get3A_5 = arith.constant 0 : index
    %get3A_6 = vector.load %arg2[%get3A_3, %get3A_4, %get3A_5] : memref<2x2000x16xf32, #tpu.memory_space<vmem>>, vector<2x2000x16xf32>
    %get3A_7 = arith.constant 0 : index
    %get3A_8 = arith.constant 0 : index
    %get3A_9 = vector.load %arg3[%get3A_7, %get3A_8] : memref<2000x128xf32, #tpu.memory_space<vmem>>, vector<2000x128xf32>
    %mul3A = arith.constant 2000 : i32
    %mul3A_10 = arith.muli %mul3A, %arg0 : i32
    %iota3A = tpu.iota {dimensions = array<i32: 0>} : vector<2000x1xi32>
    %add3A = vector.broadcast %mul3A_10 : i32 to vector<2000x1xi32>
    %add3A_11 = arith.addi %add3A, %iota3A : vector<2000x1xi32>
    %lt3A = arith.constant 7680 : i32
    %lt3A_12 = vector.broadcast %lt3A : i32 to vector<2000x1xi32>
    %lt3A_13 = arith.cmpi slt, %add3A_11, %lt3A_12 : vector<2000x1xi32>
    %convert_element_type3A = arith.extui %lt3A_13 : vector<2000x1xi1> to vector<2000x1xi32>
    %convert_element_type3A_14 = arith.sitofp %convert_element_type3A : vector<2000x1xi32> to vector<2000x1xf32>
    %slice3A = vector.extract_strided_slice %get3A_2 {offsets = [0, 0, 0], sizes = [1, 2000, 128], strides = [1, 1, 1]} : vector<2x2000x128xf32> to vector<1x2000x128xf32>
    %squeeze3A = vector.shape_cast %slice3A : vector<1x2000x128xf32> to vector<2000x128xf32>
    %slice3A_15 = vector.extract_strided_slice %get3A_2 {offsets = [1, 0, 0], sizes = [1, 2000, 128], strides = [1, 1, 1]} : vector<2x2000x128xf32> to vector<1x2000x128xf32>
    %squeeze3A_16 = vector.shape_cast %slice3A_15 : vector<1x2000x128xf32> to vector<2000x128xf32>
    %add3A_17 = arith.addf %squeeze3A, %squeeze3A_16 : vector<2000x128xf32>
    %mul3A_18 = vector.broadcast %convert_element_type3A_14 : vector<2000x1xf32> to vector<2000x128xf32>
    %mul3A_19 = arith.mulf %mul3A_18, %get3A_9 : vector<2000x128xf32>
    %sub3A = arith.subf %add3A_17, %mul3A_19 : vector<2000x128xf32>
    %slice3A_20 = vector.extract_strided_slice %get3A_6 {offsets = [0, 0, 0], sizes = [1, 2000, 1], strides = [1, 1, 1]} : vector<2x2000x16xf32> to vector<1x2000x1xf32>
    %squeeze3A_21 = vector.shape_cast %slice3A_20 : vector<1x2000x1xf32> to vector<2000x1xf32>
    %slice3A_22 = vector.extract_strided_slice %get3A_6 {offsets = [1, 0, 0], sizes = [1, 2000, 1], strides = [1, 1, 1]} : vector<2x2000x16xf32> to vector<1x2000x1xf32>
    %squeeze3A_23 = vector.shape_cast %slice3A_22 : vector<1x2000x1xf32> to vector<2000x1xf32>
    %add3A_24 = arith.addf %squeeze3A_21, %squeeze3A_23 : vector<2000x1xf32>
    %sub3A_25 = arith.subf %add3A_24, %convert_element_type3A_14 : vector<2000x1xf32>
    %max3A = arith.constant 1.000000e+00 : f32
    %max3A_26 = vector.broadcast %max3A : f32 to vector<2000x1xf32>
    %max3A_27 = arith.maximumf %sub3A_25, %max3A_26 : vector<2000x1xf32>
    %div3A = vector.broadcast %max3A_27 : vector<2000x1xf32> to vector<2000x128xf32>
    %div3A_28 = arith.divf %sub3A, %div3A : vector<2000x128xf32>
    %get3A_29 = arith.constant 0 : index
    %get3A_30 = arith.constant 0 : index
    %get3A_31 = vector.load %arg4[%get3A_29, %get3A_30] : memref<128x128xf32, #tpu.memory_space<vmem>>, vector<128x128xf32>
    %dot_general3A = arith.constant dense<0.000000e+00> : vector<2000x128xf32>
    %dot_general3A_32 = tpu.matmul %div3A_28, %get3A_31, %dot_general3A {dimension_numbers = #tpu.dot_dimension_numbers<[1], [1], [0], [0], [0, 0, 1, 0], [], []>, transpose_lhs_hint = false} : vector<2000x128xf32>, vector<128x128xf32>, vector<2000x128xf32> -> vector<2000x128xf32>
    %get3A_33 = arith.constant 0 : index
    %get3A_34 = arith.constant 0 : index
    %get3A_35 = vector.load %arg5[%get3A_33, %get3A_34] : memref<1x128xf32, #tpu.memory_space<vmem>>, vector<1x128xf32>
    %add3A_36 = vector.broadcast %get3A_35 : vector<1x128xf32> to vector<2000x128xf32>
    %add3A_37 = arith.addf %dot_general3A_32, %add3A_36 : vector<2000x128xf32>
    %get3A_38 = arith.constant 0 : index
    %get3A_39 = arith.constant 0 : index
    %get3A_40 = vector.load %arg6[%get3A_38, %get3A_39] : memref<128x128xf32, #tpu.memory_space<vmem>>, vector<128x128xf32>
    %dot_general3A_41 = arith.constant dense<0.000000e+00> : vector<2000x128xf32>
    %dot_general3A_42 = tpu.matmul %get3A_9, %get3A_40, %dot_general3A_41 {dimension_numbers = #tpu.dot_dimension_numbers<[1], [1], [0], [0], [0, 0, 1, 0], [], []>, transpose_lhs_hint = false} : vector<2000x128xf32>, vector<128x128xf32>, vector<2000x128xf32> -> vector<2000x128xf32>
    %add3A_43 = arith.addf %add3A_37, %dot_general3A_42 : vector<2000x128xf32>
    %max3A_44 = arith.constant 0.000000e+00 : f32
    %max3A_45 = vector.broadcast %max3A_44 : f32 to vector<2000x128xf32>
    %max3A_46 = arith.maximumf %add3A_43, %max3A_45 : vector<2000x128xf32>
    %swap3A = arith.constant 0 : index
    %swap3A_47 = arith.constant 0 : index
    %swap3A_48 = vector.load %arg8[%swap3A, %swap3A_47] : memref<2000x128xf32, #tpu.memory_space<vmem>>, vector<2000x128xf32>
    tpu.vector_store %arg8[%swap3A, %swap3A_47], %max3A_46 {strides = array<i32>} : memref<2000x128xf32, #tpu.memory_space<vmem>>, vector<2000x128xf32>,
    %get3A_49 = arith.constant 0 : index
    %get3A_50 = arith.constant 0 : index
    %get3A_51 = vector.load %arg7[%get3A_49, %get3A_50] : memref<16x128xf32, #tpu.memory_space<vmem>>, vector<16x128xf32>
    %dot_general3A_52 = arith.constant dense<0.000000e+00> : vector<2000x16xf32>
    %dot_general3A_53 = tpu.matmul %max3A_46, %get3A_51, %dot_general3A_52 {dimension_numbers = #tpu.dot_dimension_numbers<[1], [1], [0], [0], [0, 0, 1, 0], [], []>, transpose_lhs_hint = false} : vector<2000x128xf32>, vector<16x128xf32>, vector<2000x16xf32> -> vector<2000x16xf32>
    %swap3A_54 = arith.constant 0 : index
    %swap3A_55 = arith.constant 0 : index
    %swap3A_56 = vector.load %arg9[%swap3A_54, %swap3A_55] : memref<2000x16xf32, #tpu.memory_space<vmem>>, vector<2000x16xf32>
    tpu.vector_store %arg9[%swap3A_54, %swap3A_55], %dot_general3A_53 {strides = array<i32>} : memref<2000x16xf32, #tpu.memory_space<vmem>>, vector<2000x16xf32>,
    %swap3A_57 = arith.constant 0 : index
    %swap3A_58 = arith.constant 0 : index
    %swap3A_59 = vector.load %arg10[%swap3A_57, %swap3A_58] : memref<2000x1xf32, #tpu.memory_space<vmem>>, vector<2000x1xf32>
    tpu.vector_store %arg10[%swap3A_57, %swap3A_58], %max3A_27 {strides = array<i32>} : memref<2000x1xf32, #tpu.memory_space<vmem>>, vector<2000x1xf32>,
    return
  }
  func.func @transform_0(%arg0: i32) -> (i32, i32, i32) {
    %c0_i32 = arith.constant 0 : i32
    %c0_i32_0 = arith.constant 0 : i32
    %c0_i32_1 = arith.constant 0 : i32
    return %c0_i32, %arg0, %c0_i32_0 : i32, i32, i32
  }
  func.func @transform_1(%arg0: i32) -> (i32, i32, i32) {
    %c0_i32 = arith.constant 0 : i32
    %c0_i32_0 = arith.constant 0 : i32
    %c0_i32_1 = arith.constant 0 : i32
    return %c0_i32, %arg0, %c0_i32_0 : i32, i32, i32
  }
  func.func @transform_2(%arg0: i32) -> (i32, i32) {
    %c0_i32 = arith.constant 0 : i32
    %c0_i32_0 = arith.constant 0 : i32
    return %arg0, %c0_i32 : i32, i32
  }
  func.func @transform_3(%arg0: i32) -> (i32, i32) {
    %c0_i32 = arith.constant 0 : i32
    %c0_i32_0 = arith.constant 0 : i32
    %c0_i32_1 = arith.constant 0 : i32
    return %c0_i32, %c0_i32_0 : i32, i32
  }
  func.func @transform_4(%arg0: i32) -> (i32, i32) {
    %c0_i32 = arith.constant 0 : i32
    %c0_i32_0 = arith.constant 0 : i32
    %c0_i32_1 = arith.constant 0 : i32
    return %c0_i32, %c0_i32_0 : i32, i32
  }
  func.func @transform_5(%arg0: i32) -> (i32, i32) {
    %c0_i32 = arith.constant 0 : i32
    %c0_i32_0 = arith.constant 0 : i32
    %c0_i32_1 = arith.constant 0 : i32
    return %c0_i32, %c0_i32_0 : i32, i32
  }
  func.func @transform_6(%arg0: i32) -> (i32, i32) {
    %c0_i32 = arith.constant 0 : i32
    %c0_i32_0 = arith.constant 0 : i32
    %c0_i32_1 = arith.constant 0 : i32
    return %c0_i32, %c0_i32_0 : i32, i32
  }
  func.func @transform_7(%arg0: i32) -> (i32, i32) {
    %c0_i32 = arith.constant 0 : i32
    %c0_i32_0 = arith.constant 0 : i32
    return %arg0, %c0_i32 : i32, i32
  }
  func.func @transform_8(%arg0: i32) -> (i32, i32) {
    %c0_i32 = arith.constant 0 : i32
    %c0_i32_0 = arith.constant 0 : i32
    return %arg0, %c0_i32 : i32, i32
  }
  func.func @transform_9(%arg0: i32) -> (i32, i32) {
    %c0_i32 = arith.constant 0 : i32
    %c0_i32_0 = arith.constant 0 : i32
    return %arg0, %c0_i32 : i32, i32
  }
}

module attributes {stable_mosaic.version = 14 : i64} {
  func.func @_tc2_body(%arg0: i32, %arg1: memref<2x2000x16xf32, #tpu.memory_space<vmem>>, %arg2: memref<2000x1xf32, #tpu.memory_space<vmem>>, %arg3: memref<2000x16xf32, #tpu.memory_space<vmem>>, %arg4: memref<1x1xf32, #tpu.memory_space<vmem>>, %arg5: memref<2000x1xf32, #tpu.memory_space<vmem>>) attributes {dimension_semantics = [#tpu.dimension_semantics<arbitrary>], iteration_bounds = array<i64: 5>, scalar_prefetch = 0 : i64, scratch_operands = 0 : i64, tpu.core_type = #tpu.core_type<tc>, window_params = [{transform_indices = @transform_0, window_bounds = array<i64: 2, 2000, 16>}, {transform_indices = @transform_1, window_bounds = array<i64: 2000, 1>}, {transform_indices = @transform_2, window_bounds = array<i64: 2000, 16>}, {pipeline_mode = #tpu.pipeline_mode<synchronous>, transform_indices = @transform_3, window_bounds = array<i64: 1, 1>}, {transform_indices = @transform_4, window_bounds = array<i64: 2000, 1>}]} {
    %get3A = arith.constant 0 : index
    %get3A_0 = arith.constant 0 : index
    %get3A_1 = arith.constant 0 : index
    %get3A_2 = vector.load %arg1[%get3A, %get3A_0, %get3A_1] : memref<2x2000x16xf32, #tpu.memory_space<vmem>>, vector<2x2000x16xf32>
    %get3A_3 = arith.constant 0 : index
    %get3A_4 = arith.constant 0 : index
    %get3A_5 = vector.load %arg3[%get3A_3, %get3A_4] : memref<2000x16xf32, #tpu.memory_space<vmem>>, vector<2000x16xf32>
    %mul3A = arith.constant 2000 : i32
    %mul3A_6 = arith.muli %mul3A, %arg0 : i32
    %iota3A = tpu.iota {dimensions = array<i32: 0>} : vector<2000x1xi32>
    %add3A = vector.broadcast %mul3A_6 : i32 to vector<2000x1xi32>
    %add3A_7 = arith.addi %add3A, %iota3A : vector<2000x1xi32>
    %lt3A = arith.constant 7680 : i32
    %lt3A_8 = vector.broadcast %lt3A : i32 to vector<2000x1xi32>
    %lt3A_9 = arith.cmpi slt, %add3A_7, %lt3A_8 : vector<2000x1xi32>
    %convert_element_type3A = arith.extui %lt3A_9 : vector<2000x1xi1> to vector<2000x1xi32>
    %convert_element_type3A_10 = arith.sitofp %convert_element_type3A : vector<2000x1xi32> to vector<2000x1xf32>
    %slice3A = vector.extract_strided_slice %get3A_2 {offsets = [0, 0, 0], sizes = [1, 2000, 1], strides = [1, 1, 1]} : vector<2x2000x16xf32> to vector<1x2000x1xf32>
    %squeeze3A = vector.shape_cast %slice3A : vector<1x2000x1xf32> to vector<2000x1xf32>
    %slice3A_11 = vector.extract_strided_slice %get3A_2 {offsets = [1, 0, 0], sizes = [1, 2000, 1], strides = [1, 1, 1]} : vector<2x2000x16xf32> to vector<1x2000x1xf32>
    %squeeze3A_12 = vector.shape_cast %slice3A_11 : vector<1x2000x1xf32> to vector<2000x1xf32>
    %add3A_13 = arith.addf %squeeze3A, %squeeze3A_12 : vector<2000x1xf32>
    %slice3A_14 = vector.extract_strided_slice %get3A_5 {offsets = [0, 0], sizes = [2000, 1], strides = [1, 1]} : vector<2000x16xf32> to vector<2000x1xf32>
    %mul3A_15 = arith.mulf %convert_element_type3A_10, %slice3A_14 : vector<2000x1xf32>
    %sub3A = arith.subf %add3A_13, %mul3A_15 : vector<2000x1xf32>
    %get3A_16 = arith.constant 0 : index
    %get3A_17 = arith.constant 0 : index
    %get3A_18 = vector.load %arg2[%get3A_16, %get3A_17] : memref<2000x1xf32, #tpu.memory_space<vmem>>, vector<2000x1xf32>
    %div3A = arith.divf %sub3A, %get3A_18 : vector<2000x1xf32>
    %get3A_19 = arith.constant 0 : index
    %get3A_20 = arith.constant 0 : index
    %get3A_21 = vector.load %arg4[%get3A_19, %get3A_20] : memref<1x1xf32, #tpu.memory_space<vmem>>, vector<1x1xf32>
    %get3A_22 = vector.extract %get3A_21[0, 0] : f32 from vector<1x1xf32>
    %add3A_23 = vector.broadcast %get3A_22 : f32 to vector<2000x1xf32>
    %add3A_24 = arith.addf %div3A, %add3A_23 : vector<2000x1xf32>
    %slice3A_25 = vector.extract_strided_slice %get3A_5 {offsets = [0, 1], sizes = [2000, 1], strides = [1, 1]} : vector<2000x16xf32> to vector<2000x1xf32>
    %add3A_26 = arith.addf %add3A_24, %slice3A_25 : vector<2000x1xf32>
    %logistic3A = arith.negf %add3A_26 : vector<2000x1xf32>
    %logistic3A_27 = math.exp %logistic3A : vector<2000x1xf32>
    %logistic3A_28 = arith.constant 1.000000e+00 : f32
    %logistic3A_29 = vector.broadcast %logistic3A_28 : f32 to vector<2000x1xf32>
    %logistic3A_30 = arith.addf %logistic3A_29, %logistic3A_27 : vector<2000x1xf32>
    %logistic3A_31 = arith.divf %logistic3A_29, %logistic3A_30 : vector<2000x1xf32>
    %swap3A = arith.constant 0 : index
    %swap3A_32 = arith.constant 0 : index
    %swap3A_33 = vector.load %arg5[%swap3A, %swap3A_32] : memref<2000x1xf32, #tpu.memory_space<vmem>>, vector<2000x1xf32>
    tpu.vector_store %arg5[%swap3A, %swap3A_32], %logistic3A_31 {strides = array<i32>} : memref<2000x1xf32, #tpu.memory_space<vmem>>, vector<2000x1xf32>,
    return
  }
  func.func @transform_0(%arg0: i32) -> (i32, i32, i32) {
    %c0_i32 = arith.constant 0 : i32
    %c0_i32_0 = arith.constant 0 : i32
    %c0_i32_1 = arith.constant 0 : i32
    return %c0_i32, %arg0, %c0_i32_0 : i32, i32, i32
  }
  func.func @transform_1(%arg0: i32) -> (i32, i32) {
    %c0_i32 = arith.constant 0 : i32
    %c0_i32_0 = arith.constant 0 : i32
    return %arg0, %c0_i32 : i32, i32
  }
  func.func @transform_2(%arg0: i32) -> (i32, i32) {
    %c0_i32 = arith.constant 0 : i32
    %c0_i32_0 = arith.constant 0 : i32
    return %arg0, %c0_i32 : i32, i32
  }
  func.func @transform_3(%arg0: i32) -> (i32, i32) {
    %c0_i32 = arith.constant 0 : i32
    %c0_i32_0 = arith.constant 0 : i32
    %c0_i32_1 = arith.constant 0 : i32
    return %c0_i32, %c0_i32_0 : i32, i32
  }
  func.func @transform_4(%arg0: i32) -> (i32, i32) {
    %c0_i32 = arith.constant 0 : i32
    %c0_i32_0 = arith.constant 0 : i32
    return %arg0, %c0_i32 : i32, i32
  }
}

</mosaic_0001>

<sc_bundles>
// kernel: kernel.6.cloned.1.call-start
scs
__scs_entry_jumppad:
0x0: {  	(pc) =	sbr.rel $0x88, $3  }
0x1: {  	(tag) =	ssettag $0x0;
	lr =	simm.s32 $0x1  }
0x2: {  	[smem:$0x3F99] =	sst lr;
	_ =	strace $0xD0000000  }
0x3: {  	_ = 	snop  }
0x4: {  	_ = 	snop  }
0x5: {  	_ = 	snop  }
0x6: {  	_ = 	snop  }
0x7: {  	_ = 	snop  }
__scs_overlays_trampoline_lowered:
0x8: {  	[smem:$0x3FA8] =	sst s0  }
0x9: {  	[smem:$0x3FA9] =	sst s1  }
0xa: {  	[smem:$0x3FAA] =	sst s2  }
0xb: {  	[smem:$0x3FAB] =	sst s3  }
0xc: {  	[smem:$0x3FAC] =	sst s4  }
0xd: {  	[smem:$0x3FAD] =	sst s5  }
0xe: {  	[smem:$0x3FAE] =	sst s6  }
0xf: {  	[smem:$0x3FAF] =	sst s7  }
0x10: {  	[smem:$0x3FB0] =	sst s8  }
0x11: {  	[smem:$0x3FB1] =	sst s9;
	s0 =	simm.s32 @!p0 $0x0  }
0x12: {  	s1 =	sld [smem:$0x3F97];
	s0 =	simm.s32 @p0 $0x1  }
0x13: {  	[smem:$0x3FB2] =	sst s0;
	s0 =	simm.s32 @!p1 $0x0  }
0x14: {  	s2 =	sld [smem:$0x3F96];
	s0 =	simm.s32 @p1 $0x1  }
0x15: {  	[smem:$0x3FB3] =	sst s0;
	s0 =	simm.s32 @!p2 $0x0  }
0x16: {  	s3 =	sld [smem:$0x3FDB];
	s0 =	simm.s32 @p2 $0x1  }
0x17: {  	s4 =	simm.s32 $0x1BF5;
	[smem:$0x3FB5] =	sst s0  }
0x18: {  	s0 =	sld [smem:$0x3F98];
	_ =	swait.ge [sflag:s4], $0x0  }
0x19: {  	s7 =	sld [smem:$0x3F99]  }
0x1a: {  	s8 =	sadd.s32 $0xFFFFE003, lr  }
0x1b: {  	s9 =	sadd.s32 $0xFFFFFEF7, lr;
	s5 =	simm.s32 $0xFFFFFFFF;
	p2 =	slt.u32 s8, $0xFFFFF086  }
0x1c: {  	p1 =	slt.u32 s9, $0xF7A;
	s5 =	simm.s32 @!p2 $0x0  }
0x1d: {  	s5 =	simm.s32 @p1 $0x1;
	p0 =	seq.s32 s7, s2  }
0x1e: {  	s7 =	smul.u32 @!p0 $0xF7A, s2;
	p2 =	seq.s32 @!p0 s5, $0x0  }
0x1f: {  	s9 =	smul.u32 $0xF7A, s1;
	s8 =	simm.s32 @!p0 $0x1BF5;
	p2 =	por !p2, p0  }
0x20: {  	[sflag:s8] =	ssyncset.s32 @!p0 $0xFFFFF086;
	s6 =	sadd.s32 @!p0 s3, s7;
	s7 =	simm.s32 @!p0 $0x108  }
0x21: {  	s3 =	sadd.s32 s3, s9;
	s6 =	sadd.s32 @!p0 $0x88, s6;
	s7 =	simm.s32 @p2 $0x1082  }
0x22: {  	[simem:s7], [sflag:s8] =	dma.local @!p0 [hbm:s6], $0xF7A  }
0x23: {  	s9 =	sor.u32 $0xD0000000, s2;
	s6 =	simm.s32 $0x108;
	_ =	swait.ge @!p0 [sflag:s8], $0x0  }
0x24: {  	s3 =	sadd.s32 $0x88, s3;
	s6 =	simm.s32 @!p1 $0x1082;
	[sflag:s4] =	ssyncset.s32 $0xFFFFF086  }
0x25: {  	[simem:s6], [sflag:s4] =	dma.local [hbm:s3], $0xF7A  }
0x26: {  	[smem:$0x3F99] =	sst s1;
	(tag) =	ssettag s2;
	_ =	strace s9  }
0x27: {  	s1 =	sld [smem:$0x3FA9]  }
0x28: {  	s2 =	sld [smem:$0x3FAA]  }
0x29: {  	s4 =	sld [smem:$0x3FAC]  }
0x2a: {  	p0 =	seq.s32 s5, $0x0;
	s5 =	sld [smem:$0x3FAD]  }
0x2b: {  	s6 =	sld [smem:$0x3FAE]  }
0x2c: {  	s7 =	sld [smem:$0x3FAF]  }
0x2d: {  	s3 =	simm.s32 $0x108;
	s8 =	sld [smem:$0x3FB0]  }
0x2e: {  	s3 =	simm.s32 @!p0 $0x1082;
	s9 =	sld [smem:$0x3FB1]  }
0x2f: {  	lr =	sadd.s32 s0, s3;
	s0 =	sld [smem:$0x3FA8]  }
0x30: {  	s3 =	sld [smem:$0x3FAB]  }
0x31: {  	[smem:$0x3FB4] =	sst s10  }
0x32: {  	s10 =	sld [smem:$0x3FB2];
	_ =	sdelay $0x3  }
0x33: {  	p0 =	seq.s32 s10, $0x1;
	s10 =	sld [smem:$0x3FB4];
	_ =	sdelay $0x3  }
0x34: {  	[smem:$0x3FB4] =	sst s10  }
0x35: {  	s10 =	sld [smem:$0x3FB3];
	_ =	sdelay $0x3  }
0x36: {  	p1 =	seq.s32 s10, $0x1;
	s10 =	sld [smem:$0x3FB4];
	_ =	sdelay $0x3  }
0x37: {  	[smem:$0x3FB4] =	sst s10  }
0x38: {  	s10 =	sld [smem:$0x3FB5]  }
0x39: {  	_ = 	snop;
	(pc) =	sbr.ind lr, $3  }
0x3a: {  	_ = 	snop  }
0x3b: {  	_ = 	snop  }
0x3c: {  	p2 =	seq.s32 s10, $0x1;
	s10 =	sld [smem:$0x3FB4]  }
0x3d: {  	_ =	shalt  }
0x3e: {  	_ =	shalt  }
0x3f: {  	_ =	shalt  }
0x40: {  	_ =	shalt  }
0x41: {  	_ =	shalt  }
0x42: {  	_ =	shalt  }
0x43: {  	_ =	shalt  }
0x44: {  	_ =	shalt  }
0x45: {  	_ =	shalt  }
0x46: {  	_ =	shalt  }
0x47: {  	_ =	shalt  }
0x48: {  	_ =	shalt  }
0x49: {  	_ =	shalt  }
0x4a: {  	_ =	shalt  }
0x4b: {  	_ =	shalt  }
0x4c: {  	_ =	shalt  }
0x4d: {  	_ =	shalt  }
0x4e: {  	_ =	shalt  }
0x4f: {  	_ =	shalt  }
0x50: {  	_ =	shalt  }
0x51: {  	_ =	shalt  }
0x52: {  	_ =	shalt  }
0x53: {  	_ =	shalt  }
0x54: {  	_ =	shalt  }
0x55: {  	_ =	shalt  }
0x56: {  	_ =	shalt  }
0x57: {  	_ =	shalt  }
0x58: {  	_ =	shalt  }
0x59: {  	_ =	shalt  }
0x5a: {  	_ =	shalt  }
0x5b: {  	_ =	shalt  }
0x5c: {  	_ =	shalt  }
0x5d: {  	_ =	shalt  }
0x5e: {  	_ =	shalt  }
0x5f: {  	_ =	shalt  }
0x60: {  	_ =	shalt  }
0x61: {  	_ =	shalt  }
0x62: {  	_ =	shalt  }
0x63: {  	_ =	shalt  }
0x64: {  	_ =	shalt  }
0x65: {  	_ =	shalt  }
0x66: {  	_ =	shalt  }
0x67: {  	_ =	shalt  }
0x68: {  	_ =	shalt  }
0x69: {  	_ =	shalt  }
0x6a: {  	_ =	shalt  }
0x6b: {  	_ =	shalt  }
0x6c: {  	_ =	shalt  }
0x6d: {  	_ =	shalt  }
0x6e: {  	_ =	shalt  }
0x6f: {  	_ =	shalt  }
0x70: {  	_ =	shalt  }
0x71: {  	_ =	shalt  }
0x72: {  	_ =	shalt  }
0x73: {  	_ =	shalt  }
0x74: {  	_ =	shalt  }
0x75: {  	_ =	shalt  }
0x76: {  	_ =	shalt  }
0x77: {  	_ =	shalt  }
0x78: {  	_ =	shalt  }
0x79: {  	_ =	shalt  }
0x7a: {  	_ =	shalt  }
0x7b: {  	_ =	shalt  }
0x7c: {  	_ =	shalt  }
0x7d: {  	_ =	shalt  }
0x7e: {  	_ =	shalt  }
0x7f: {  	_ =	shalt  }
0x80: {  	_ =	shalt  }
0x81: {  	_ =	shalt  }
0x82: {  	_ =	shalt  }
0x83: {  	_ =	shalt  }
0x84: {  	_ =	shalt  }
0x85: {  	_ =	shalt  }
0x86: {  	_ =	shalt  }
0x87: {  	_ =	shalt  }
.Lfunc_end0:
.L_simem_size_0:
called_computation_lowered:
.L_overlay_start_0:
0x88: {  	s2 =	sld [smem:$0x3FD9]  }
0x89: {  	s3 =	sld [smem:$0x3FFE];
	_ =	sdelay $0x1  }
0x8a: {  	s1 =	srdreg.scid  }
0x8b: {  	s0 =	sand.u32 $0x1, s1  }
0x8c: {  	s14 =	sshll.u32 s0, $0xA;
	s2 =	sadd.s32 s3, s2  }
0x8d: {  	s2 =	sadd.s32 s2, s14  }
0x8e: {  	[smem:$0x3FC0] =	sst s2  }
0x8f: {  	_ = 	snop  }
0x90: {  	s2 =	sld [smem:$0x3FD0];
	_ =	sdelay $0x2  }
0x91: {  	s4 =	simm.s32 $0xA;
	s5 =	simm.s32 $0x10;
	s15 =	sld [smem:$0x3FC9]  }
0x92: {  	[smem:s5], [sflag:s4] =	dma.local [hbm:s2], $0x1  }
0x93: {  	_ =	swait.eq [sflag:s4], $0x1  }
0x94: {  	[sflag:s4] =	ssyncset.done $0x0  }
0x95: {  	s16 =	sld [smem:$0x10];
	[sflag:s4] =	ssyncadd.s32 $0xFFFFFFFF  }
0x96: {  	s17 =	sld [smem:$0x11];
	(tm) =	ssettm $0x1  }
0x97: {  	s18 =	sld [smem:$0x3FFB];
	_ =	sdelay $0x3  }
0x98: {  	_ =	strace s18  }
0x99: {  	s5 =	sld [smem:$0x3FFC];
	_ =	sdelay $0x3  }
0x9a: {  	_ =	strace s5  }
0x9b: {  	s5 =	sld [smem:$0x3FFD];
	_ =	sdelay $0x3  }
0x9c: {  	_ =	strace s5  }
0x9d: {  	_ =	strace $0x8FFFFFFF  }
0x9e: {  	s19 =	sld [smem:$0x3FDB];
	_ =	sdelay $0x1  }
0x9f: {  	s6 =	simm.s32 $_scs_section_size  }
0xa0: {  	s7 =	simm.s32 $_size__tile_overlayer_lowered;
	s8 =	simm.s32 $_tile_overlayer_lowered  }
0xa1: {  	s22 =	simm.s32 $0x1BFF;
	s21 =	sshll.u32 s8, $0x1;
	s5 =	sadd.s32 s6, s19  }
0xa2: {  	s9 =	simm.s32 $0x0;
	s20 =	sshll.u32 s7, $0x1;
	s7 =	sadd.s32 s21, s5  }
0xa3: {  	[timem:s9], [sflag:s22] =	dma.local [hbm:s7], s20  }
0xa4: {  	_ =	swait.ge [sflag:s22], s20  }
0xa5: {  	s6 =	ssub.s32 $0x0, s20;
	[sflag:s22] =	ssyncset.done $0x0  }
0xa6: {  	[sflag:s22] =	ssyncadd.s32 s6;
	_ =	sdelay $0x1  }
0xa7: {  	s23 =	simm.s32 $0x1B8B  }
0xa8: {  	_ =	swait.ge [sflag:s23], $0x1  }
0xa9: {  	[sflag:s23] =	ssyncset.done $0x0  }
0xaa: {  	s25 =	simm.s32 $0x1B8E;
	s24 =	sld [smem:$0x3FFE];
	[sflag:s23] =	ssyncadd.s32 $0xFFFFFFFF  }
0xab: {  	s26 =	simm.s32 $execute0_lowered;
	[smem:$0x3FD2] =	sst s25  }
0xac: {  	s7 =	sshll.u32 s26, $0x1;
	_ =	strace $0x80000046;
	[dreg:$0x1] =	wrdreg $0xFFFFFFFF  }
0xad: {  	s28 =	simm.s32 $_size_execute0_lowered;
	s5 =	sadd.s32 s5, s7;
	[dreg:$0x0] =	wrdreg $0x0  }
0xae: {  	s7 =	sshll.u32 s28, $0x1;
	[dreg:$0x2] =	wrdreg s5  }
0xaf: {  	[dreg:$0x3] =	wrdreg s7  }
0xb0: {  	[dreg:$0x4] =	wrdreg $0xC0  }
0xb1: {  	_ =	task [dreg:s9], $0x5FFFF  }
0xb2: {  	[dreg:$0x1] =	wrdreg $0xFFFFFFFF  }
0xb3: {  	[dreg:$0x0] =	wrdreg $0x60  }
0xb4: {  	[dreg:$0x2] =	wrdreg s15  }
0xb5: {  	[dreg:$0x3] =	wrdreg s24  }
0xb6: {  	[dreg:$0x4] =	wrdreg s16  }
0xb7: {  	[dreg:$0x5] =	wrdreg s17  }
0xb8: {  	[dreg:$0x6] =	wrdreg $0x92400  }
0xb9: {  	[dreg:$0x7] =	wrdreg $0x1CAC00  }
0xba: {  	[dreg:$0x8] =	wrdreg $0x9  }
0xbb: {  	_ =	task.clear_ibuf [dreg:s9], $0x9FFFF;
	_ =	strace $0x90000046  }
0xbc: {  	s29 =	simm.s32 $0x9;
	_ =	strace $0x80000048  }
0xbd: {  	_ =	swait.ge [sflag:s29], $0x1  }
0xbe: {  	[sflag:s29] =	ssyncadd.s32 $0xFFFFFFFF  }
0xbf: {  	_ =	strace $0x90000048  }
0xc0: {  	_ =	sfence  }
0xc1: {  	s30 =	sld [smem:$0x0];
	_ =	sdelay $0x2  }
0xc2: {  	s31 =	sshll.u32 s1, $0xD;
	s1 =	sshrl.u32 s1, $0x2  }
0xc3: {  	s3 =	sand.u32 $0x4000, s31;
	s1 =	sadd.s32 s1, s30  }
0xc4: {  	s0 =	sor.u32 s3, s0;
	s1 =	sshll.u32 s1, $0x11  }
0xc5: {  	s0 =	sor.u32 s1, s0  }
0xc6: {  	s0 =	sadd.s32 $0x8F2B, s0  }
0xc7: {  	[sflag:s0] =	ssyncadd.remote.s32 $0x1  }
0xc8: {  	_ =	sfence.sel $0xFFFF  }
0xc9: {  	[dreg:$0x0] =	wrdreg $0xFFFFFFFF;
	(pc) =	sbr.abs _section_cstart, $3  }
0xca: {  	[dreg:$0x1] =	wrdreg $0xFFFFFFFF  }
0xcb: {  	_ =	task.clear_ibuf [dreg:s9], $0x2FFFF;
	_ =	strace $0x9FFFFFFF  }
0xcc: {  	(tm) =	ssettm $0x7FFFFFFF  }
0xcd: {  	_ =	shalt  }
tec
execute0_lowered:
.L_overlay_start_1:
0x0: {  	(tag) =	ssettag $0x1  }
0x1: {  	s1 =	rddreg [dreg:$0x0]  }
0x2: {  	s0 =	rddreg [dreg:$0x1]  }
0x3: {  	s2 =	rddreg [dreg:$0x3]  }
0x4: {  	s3 =	rddreg [dreg:$0x4]  }
0x5: {  	s5 =	rddreg [dreg:$0x5]  }
0x6: {  	s7 =	srdreg.scid;
	s6 =	simm.s32 $0x0;
	s4 =	stileid.u32  }
0x7: {  	s29 =	simm.s32 $0x4;
	s30 =	simm.s32 $0x8;
	s10 =	smul.u32 $0x3200, s4  }
0x8: {  	s31 =	simm.s32 $0x380;
	s7 =	sand.u32 $0x1, s7;
	s13 =	smul.u32 $0xC800, s4  }
0x9: {  	[smem:$0x7FF] =	sst s6;
	s9 =	sshll.u32 s4, $0x1;
	s15 =	smul.u32 $0x1900, s4  }
0xa: {  	s11 =	sadd.s32 $0x1A00, s0;
	s12 =	sadd.s32 $0x15C00, s0;
	s25 =	smul.u32 $0xA000, s4  }
0xb: {  	s19 =	sadd.s32 $0x15A00, s0;
	s16 =	sor.u32 $0x10, s4;
	s8 =	smul.u32 $0x138800, s7  }
0xc: {  	_ =	strace $0x80000047;
	s9 =	sor.u32 s7, s9;
	s22 =	smul.u32 $0xC800, s16  }
0xd: {  	[dreg:$0x7] =	wrdreg s12;
	s20 =	ssub.s32 $0x2, s7;
	s24 =	smul.u32 $0x1900, s16  }
0xe: {  	[dreg:$0x8] =	wrdreg s19;
	s9 =	smul.u32 $0xA00, s9;
	s14 =	sshrl.u32 s20, $0x1  }
0xf: {  	s23 =	sshrl.u32 s13, $0x2;
	s26 =	sshrl.u32 s15, $0x2;
	s8 =	sadd.s32 s10, s8  }
0x10: {  	s10 =	smul.u32 $0x27100, s7;
	s21 =	ssub.s32 s20, s14;
	s18 =	sadd.s32 s23, s3  }
0x11: {  	s12 =	sshrl.u32 s22, $0x2;
	s7 =	smul.u32 $0x5000, s7;
	s22 =	sadd.s32 s26, s5  }
0x12: {  	s14 =	sor.u32 $0x20, s4;
	s15 =	sshrl.u32 s24, $0x2;
	s23 =	smul.u32 $0x640, s4  }
0x13: {  	s24 =	sor.u32 $0x30, s4;
	s8 =	sshrl.u32 s8, $0x3;
	[dreg:$0xb] =	wrdreg s18  }
0x14: {  	s12 =	sadd.s32 s12, s3;
	s16 =	smul.u32 $0xC800, s14;
	[dreg:$0xc] =	wrdreg s22  }
0x15: {  	s19 =	sadd.s32 s15, s5;
	s20 =	smul.u32 $0x1900, s14;
	[dreg:$0xd] =	wrdreg s12  }
0x16: {  	s17 =	sadd.s32 s11, s9;
	s15 =	smul.u32 $0xC800, s24;
	[dreg:$0xe] =	wrdreg s19  }
0x17: {  	s0 =	sadd.s32 s8, s0;
	s8 =	smax.u32 s21, $0x1;
	[dreg:$0x9] =	wrdreg s17  }
0x18: {  	s7 =	sadd.s32 s7, s25;
	s10 =	sadd.s32 s23, s10;
	[dreg:$0xa] =	wrdreg s8  }
0x19: {  	s21 =	sor.u32 $0x500, s7;
	s12 =	sshrl.u32 s16, $0x2;
	s8 =	sshrl.u32 s20, $0x2  }
0x1a: {  	s25 =	sor.u32 $0x400, s7;
	s26 =	sor.u32 $0x300, s7;
	s7 =	sor.u32 $0x200, s7  }
0x1b: {  	s19 =	sshrl.u32 s10, $0x3;
	s20 =	smul.u32 $0x1900, s24;
	s0 =	sadd.s32 $0x16400, s0  }
0x1c: {  	s9 =	sshrl.u32 s21, $0x3;
	s13 =	sshrl.u32 s26, $0x3;
	s7 =	sshrl.u32 s7, $0x3  }
0x1d: {  	s2 =	sadd.s32 s19, s2;
	s21 =	sor.u32 $0x40, s4;
	s23 =	sadd.s32 s12, s3  }
0x1e: {  	s8 =	sadd.s32 s8, s5;
	[dreg:$0x1e] =	wrdreg s0;
	s0 =	simm.s32 $0x280  }
0x1f: {  	s16 =	sadd.s32 s9, s11;
	s9 =	sshrl.u32 s25, $0x3;
	s28 =	sadd.s32 s13, s11  }
0x20: {  	s7 =	sadd.s32 s7, s11;
	[dreg:$0x13] =	wrdreg s2;
	s24 =	smul.u32 $0xC800, s21  }
0x21: {  	[dreg:$0x14] =	wrdreg s23;
	s2 =	smul.u32 $0x1900, s21;
	s25 =	sor.u32 $0x50, s4  }
0x22: {  	[dreg:$0x15] =	wrdreg s8;
	s26 =	sadd.s32 s9, s11;
	s11 =	smul.u32 $0xC800, s25  }
0x23: {  	s10 =	sshrl.u32 s20, $0x2;
	s13 =	sor.u32 $0x60, s4;
	s12 =	smul.u32 $0x1900, s25  }
0x24: {  	[dreg:$0x12] =	wrdreg s7;
	s7 =	sshrl.u32 s15, $0x2;
	s14 =	smul.u32 $0xC800, s13  }
0x25: {  	p0 =	sgt.u32 s13, $0x63;
	s9 =	smul.u32 $0x1900, s13;
	[dreg:$0xf] =	wrdreg s16  }
0x26: {  	s25 =	sadd.s32 $0x20, s17;
	s17 =	simm.s32 $0x100;
	[dreg:$0x11] =	wrdreg s28  }
0x27: {  	s7 =	sadd.s32 s7, s3;
	s8 =	sshrl.u32 s24, $0x2;
	[dreg:$0x1f] =	wrdreg s25  }
0x28: {  	s2 =	sshrl.u32 s2, $0x2;
	s25 =	simm.s32 $0x2;
	[dreg:$0x10] =	wrdreg s26  }
0x29: {  	[dreg:$0x16] =	wrdreg s7;
	s7 =	sadd.s32 s10, s5;
	s10 =	sshrl.u32 s11, $0x2  }
0x2a: {  	s8 =	sadd.s32 s8, s3;
	s2 =	sadd.s32 s2, s5;
	s19 =	sshrl.u32 s12, $0x2  }
0x2b: {  	s20 =	sshrl.u32 s14, $0x2;
	s21 =	sshrl.u32 s9, $0x2;
	[dreg:$0x17] =	wrdreg s7  }
0x2c: {  	s9 =	simm.s32 $0x80;
	s11 =	simm.s32 $0xA;
	[dreg:$0x18] =	wrdreg s8  }
0x2d: {  	s12 =	simm.s32 $0x6;
	[dreg:$0x19] =	wrdreg s2;
	s15 =	sadd.s32 s10, s3  }
0x2e: {  	s2 =	sadd.s32 s19, s5;
	s23 =	sadd.s32 s20, s3;
	[dreg:$0x1a] =	wrdreg s15  }
0x2f: {  	s24 =	sadd.s32 s21, s5;
	s10 =	simm.s32 $0x8400;
	[dreg:$0x1b] =	wrdreg s2  }
0x30: {  	s20 =	simm.s32 $0x4400;
	s21 =	simm.s32 $0x1;
	[dreg:$0x1c] =	wrdreg s23  }
0x31: {  	s19 =	simm.s32 $0x9;
	s8 =	simm.s32 $0x0;
	[dreg:$0x1d] =	wrdreg s24  }
0x32: {  	s2 =	simm.s32 $0x400;
	s23 =	simm.s32 $0x3;
	s24 =	simm.s32 $0x7  }
.LBB2_1:
0x33: {  	[smem:$0x7FD] =	sst s8  }
0x34: {  	s7 =	rddreg [dreg:$0x7];
	s13 =	simm.s32 $0xD  }
0x35: {  	[tilespmem:s2], [sflag:$0xD] =	stream.linear.gather [hbm4b:s7+s6], $0x3200, $0x38;
	[tilespmem:$0x1F1D0] =	vst v63  }
0x36: {  	_ =	swait.ge [sflag:s13], $0x3200  }
0x37: {  	[sflag:s13] =	ssyncset.done $0x0  }
0x38: {  	s8 =	simm.s32 $0x8C00;
	s15 =	rddreg [dreg:$0x8];
	[sflag:s13] =	ssyncadd.s32 $0xFFFFCE00  }
0x39: {  	[tilespmem:s8], [sflag:$0xD] =	stream.linear.gather [hbm4b:s15+s6], $0x640, $0x38;
	[tilespmem:$0x1F1D0] =	vst v63  }
0x3a: {  	_ =	swait.ge [sflag:s13], $0x640  }
0x3b: {  	[sflag:s13] =	ssyncset.done $0x0  }
0x3c: {  	[sflag:s13] =	ssyncadd.s32 $0xFFFFF9C0  }
0x3d: {  	s14 =	rddreg [dreg:$0x2]  }
0x3e: {  	[tilespmem:s10], [sflag:$0xD] =	stream.linear.gather [hbm4b:s14+s6], $0x800, $0x38;
	[tilespmem:$0x1F1D0] =	vst v63  }
0x3f: {  	_ =	swait.ge [sflag:s13], $0x800  }
0x40: {  	[sflag:s13] =	ssyncset.done $0x0  }
0x41: {  	s14 =	simm.s32 $0xE;
	[sflag:s13] =	ssyncadd.s32 $0xFFFFF800  }
0x42: {  	[spmem:s18] =	stream.linear.scatter [tilespmem:s2], [sflag:$0xE], $0x3200, $0x38;
	[tilespmem:$0x1F1D0] =	vst v63  }
0x43: {  	_ =	swait.ge [sflag:s14], $0x3200  }
0x44: {  	[sflag:s14] =	ssyncset.done $0x0  }
0x45: {  	[sflag:s14] =	ssyncadd.s32 $0xFFFFCE00  }
0x46: {  	[spmem:s22] =	stream.linear.scatter [tilespmem:s8], [sflag:$0xD], $0x640, $0x38;
	[tilespmem:$0x1F1D0] =	vst v63  }
0x47: {  	_ =	swait.ge [sflag:s13], $0x640  }
0x48: {  	[sflag:s13] =	ssyncset.done $0x0  }
0x49: {  	s15 =	rddreg [dreg:$0xd];
	[sflag:s13] =	ssyncadd.s32 $0xFFFFF9C0  }
0x4a: {  	[spmem:s15] =	stream.linear.scatter [tilespmem:s2], [sflag:$0xE], $0x3200, $0x38;
	[tilespmem:$0x1F1D0] =	vst v63  }
0x4b: {  	_ =	swait.ge [sflag:s14], $0x3200  }
0x4c: {  	[sflag:s14] =	ssyncset.done $0x0  }
0x4d: {  	s15 =	rddreg [dreg:$0xe];
	[sflag:s14] =	ssyncadd.s32 $0xFFFFCE00  }
0x4e: {  	[spmem:s15] =	stream.linear.scatter [tilespmem:s8], [sflag:$0xD], $0x640, $0x38;
	[tilespmem:$0x1F1D0] =	vst v63  }
0x4f: {  	_ =	swait.ge [sflag:s13], $0x640  }
0x50: {  	[sflag:s13] =	ssyncset.done $0x0  }
0x51: {  	s15 =	rddreg [dreg:$0x14];
	[sflag:s13] =	ssyncadd.s32 $0xFFFFF9C0  }
0x52: {  	[spmem:s15] =	stream.linear.scatter [tilespmem:s2], [sflag:$0xE], $0x3200, $0x38;
	[tilespmem:$0x1F1D0] =	vst v63  }
0x53: {  	_ =	swait.ge [sflag:s14], $0x3200  }
0x54: {  	[sflag:s14] =	ssyncset.done $0x0  }
0x55: {  	s15 =	rddreg [dreg:$0x15];
	[sflag:s14] =	ssyncadd.s32 $0xFFFFCE00  }
0x56: {  	[spmem:s15] =	stream.linear.scatter [tilespmem:s8], [sflag:$0xD], $0x640, $0x38;
	[tilespmem:$0x1F1D0] =	vst v63  }
0x57: {  	_ =	swait.ge [sflag:s13], $0x640  }
0x58: {  	[sflag:s13] =	ssyncset.done $0x0  }
0x59: {  	s15 =	rddreg [dreg:$0x16];
	[sflag:s13] =	ssyncadd.s32 $0xFFFFF9C0  }
0x5a: {  	[spmem:s15] =	stream.linear.scatter [tilespmem:s2], [sflag:$0xE], $0x3200, $0x38;
	[tilespmem:$0x1F1D0] =	vst v63  }
0x5b: {  	_ =	swait.ge [sflag:s14], $0x3200  }
0x5c: {  	[sflag:s14] =	ssyncset.done $0x0  }
0x5d: {  	s15 =	rddreg [dreg:$0x17];
	[sflag:s14] =	ssyncadd.s32 $0xFFFFCE00  }
0x5e: {  	[spmem:s15] =	stream.linear.scatter [tilespmem:s8], [sflag:$0xD], $0x640, $0x38;
	[tilespmem:$0x1F1D0] =	vst v63  }
0x5f: {  	_ =	swait.ge [sflag:s13], $0x640  }
0x60: {  	[sflag:s13] =	ssyncset.done $0x0  }
0x61: {  	s15 =	rddreg [dreg:$0x18];
	[sflag:s13] =	ssyncadd.s32 $0xFFFFF9C0  }
0x62: {  	[spmem:s15] =	stream.linear.scatter [tilespmem:s2], [sflag:$0xE], $0x3200, $0x38;
	[tilespmem:$0x1F1D0] =	vst v63  }
0x63: {  	_ =	swait.ge [sflag:s14], $0x3200  }
0x64: {  	[sflag:s14] =	ssyncset.done $0x0  }
0x65: {  	s15 =	rddreg [dreg:$0x19];
	[sflag:s14] =	ssyncadd.s32 $0xFFFFCE00  }
0x66: {  	[spmem:s15] =	stream.linear.scatter [tilespmem:s8], [sflag:$0xD], $0x640, $0x38;
	[tilespmem:$0x1F1D0] =	vst v63  }
0x67: {  	_ =	swait.ge [sflag:s13], $0x640  }
0x68: {  	[sflag:s13] =	ssyncset.done $0x0  }
0x69: {  	s15 =	rddreg [dreg:$0x1a];
	[sflag:s13] =	ssyncadd.s32 $0xFFFFF9C0  }
0x6a: {  	[spmem:s15] =	stream.linear.scatter [tilespmem:s2], [sflag:$0xE], $0x3200, $0x38;
	[tilespmem:$0x1F1D0] =	vst v63  }
0x6b: {  	_ =	swait.ge [sflag:s14], $0x3200  }
0x6c: {  	[sflag:s14] =	ssyncset.done $0x0  }
0x6d: {  	s15 =	rddreg [dreg:$0x1b];
	[sflag:s14] =	ssyncadd.s32 $0xFFFFCE00  }
0x6e: {  	[spmem:s15] =	stream.linear.scatter [tilespmem:s8], [sflag:$0xD], $0x640, $0x38;
	[tilespmem:$0x1F1D0] =	vst v63  }
0x6f: {  	_ =	swait.ge [sflag:s13], $0x640  }
0x70: {  	[sflag:s13] =	ssyncset.done $0x0  }
0x71: {  	s7 =	simm.s32 @!p0 $0x400;
	s8 =	rddreg [dreg:$0x1c];
	[sflag:s13] =	ssyncadd.s32 $0xFFFFF9C0  }
0x72: {  	[spmem:s8] =	stream.linear.scatter @!p0 [tilespmem:s7], [sflag:$0xE], $0x3200, $0x38;
	[tilespmem:$0x1F1D0] =	vst v63  }
0x73: {  	s7 =	simm.s32 @!p0 $0xE  }
0x74: {  	_ =	swait.ge @!p0 [sflag:s7], $0x3200  }
0x75: {  	[sflag:s7] =	ssyncset.done @!p0 $0x0  }
0x76: {  	s8 =	rddreg [dreg:$0x1d];
	[sflag:s7] =	ssyncadd.s32 @!p0 $0xFFFFCE00;
	s7 =	simm.s32 @!p0 $0x8C00  }
0x77: {  	[spmem:s8] =	stream.linear.scatter @!p0 [tilespmem:s7], [sflag:$0xD], $0x640, $0x38;
	[tilespmem:$0x1F1D0] =	vst v63  }
0x78: {  	s7 =	simm.s32 @!p0 $0xD  }
0x79: {  	_ =	swait.ge @!p0 [sflag:s7], $0x640  }
0x7a: {  	[sflag:s7] =	ssyncset.done @!p0 $0x0  }
0x7b: {  	[sflag:s7] =	ssyncadd.s32 @!p0 $0xFFFFF9C0  }
0x7c: {  	[bflag:$0x0] =	sbarrier.arrive $0xFFFF  }
0x7d: {  	s14 =	rddreg [dreg:$0x9]  }
0x7e: {  	[tilespmem:s6], [sflag:$0xD] =	stream.linear.gather [hbm4b:s14+s6], $0x100, $0x38;
	[tilespmem:$0x1F1D0] =	vst v63  }
0x7f: {  	_ =	swait.ge [sflag:s13], $0x100  }
0x80: {  	[sflag:s13] =	ssyncset.done $0x0  }
0x81: {  	[sflag:s13] =	ssyncadd.s32 $0xFFFFFF00  }
0x82: {  	[tilespmem:s2], [sflag:$0x1] =	stream.indirect.gather [hbm4b:s1+s9], $0x80, s6, s9, $0xb8;
	[tilespmem:$0x1F1D0] =	vst v63  }
0x83: {  	s15 =	rddreg [dreg:$0x1f]  }
0x84: {  	[tilespmem:s17], [sflag:$0xD] =	stream.linear.gather [hbm4b:s15+s6], $0x100, $0x38;
	[tilespmem:$0x1F1D0] =	vst v63  }
0x85: {  	_ =	swait.ge [sflag:s13], $0x100  }
0x86: {  	[sflag:s13] =	ssyncset.done $0x0  }
0x87: {  	s8 =	simm.s32 $0x0;
	s14 =	rddreg [dreg:$0x12];
	[sflag:s13] =	ssyncadd.s32 $0xFFFFFF00  }
0x88: {  	[tilespmem:s20], [sflag:$0x2] =	stream.indirect.gather [hbm4b:s1+s9], $0x80, s17, s9, $0xb8;
	[tilespmem:$0x1F1D0] =	vst v63  }
.LBB2_2:
0x89: {  	_ =	swait.ge [sflag:s21], $0x4000  }
0x8a: {  	[sflag:s21] =	ssyncset.done $0x0  }
0x8b: {  	p1 =	seq.s32 s8, $0x0;
	[sflag:s21] =	ssyncadd.s32 $0xFFFFC000  }
0x8c: {  	[spmem:s3] =	stream.indirect.scatter.add.f32 [tilespmem:s2], [sflag:$0x3], $0x80, s9, s9, $0xb8;
	[tilespmem:$0x1F1D0] =	vst v63  }
0x8d: {  	s7 =	simm.s32 @!p1 $0xB  }
0x8e: {  	[spmem:s5] =	stream.indirect.scatter.add.f32 [tilespmem:s10], [sflag:$0x9], $0x10, s9, s9, $0xb8;
	[tilespmem:$0x1F1D0] =	vst v63  }
0x8f: {  	_ =	swait.ge @!p1 [sflag:s7], $0x800  }
0x90: {  	[sflag:s7] =	ssyncset.done @!p1 $0x0  }
0x91: {  	s15 =	sadd.s32 s8, s14;
	s13 =	simm.s32 $0x200;
	[sflag:s7] =	ssyncadd.s32 @!p1 $0xFFFFF800  }
0x92: {  	[tilespmem:s13], [sflag:$0x7] =	stream.linear.gather [hbm4b:s15+s6], $0x100, $0x38;
	[tilespmem:$0x1F1D0] =	vst v63  }
0x93: {  	_ =	swait.ge [sflag:s23], $0x4000  }
0x94: {  	[sflag:s23] =	ssyncset.done $0x0  }
0x95: {  	[sflag:s23] =	ssyncadd.s32 $0xFFFFC000  }
0x96: {  	_ =	swait.ge [sflag:s24], $0x100  }
0x97: {  	[sflag:s24] =	ssyncset.done $0x0  }
0x98: {  	[sflag:s24] =	ssyncadd.s32 $0xFFFFFF00  }
0x99: {  	[tilespmem:s2], [sflag:$0x1] =	stream.indirect.gather [hbm4b:s1+s9], $0x80, s13, s9, $0xb8;
	[tilespmem:$0x1F1D0] =	vst v63  }
0x9a: {  	_ =	swait.ge [sflag:s25], $0x4000  }
0x9b: {  	[sflag:s25] =	ssyncset.done $0x0  }
0x9c: {  	s15 =	simm.s32 $0x180;
	[sflag:s25] =	ssyncadd.s32 $0xFFFFC000  }
0x9d: {  	[spmem:s3] =	stream.indirect.scatter.add.f32 [tilespmem:s20], [sflag:$0x4], $0x80, s15, s9, $0xb8;
	[tilespmem:$0x1F1D0] =	vst v63  }
0x9e: {  	s7 =	simm.s32 @!p1 $0xC  }
0x9f: {  	[spmem:s5] =	stream.indirect.scatter.add.f32 [tilespmem:s10], [sflag:$0xA], $0x10, s15, s9, $0xb8;
	[tilespmem:$0x1F1D0] =	vst v63  }
0xa0: {  	_ =	swait.ge @!p1 [sflag:s7], $0x800  }
0xa1: {  	[sflag:s7] =	ssyncset.done @!p1 $0x0  }
0xa2: {  	s13 =	sadd.s32 s8, s28;
	s15 =	simm.s32 $0x300;
	[sflag:s7] =	ssyncadd.s32 @!p1 $0xFFFFF800  }
0xa3: {  	[tilespmem:s15], [sflag:$0x8] =	stream.linear.gather [hbm4b:s13+s6], $0x100, $0x38;
	[tilespmem:$0x1F1D0] =	vst v63  }
0xa4: {  	_ =	swait.ge [sflag:s29], $0x4000  }
0xa5: {  	[sflag:s29] =	ssyncset.done $0x0  }
0xa6: {  	[sflag:s29] =	ssyncadd.s32 $0xFFFFC000  }
0xa7: {  	_ =	swait.ge [sflag:s30], $0x100  }
0xa8: {  	[sflag:s30] =	ssyncset.done $0x0  }
0xa9: {  	[sflag:s30] =	ssyncadd.s32 $0xFFFFFF00  }
0xaa: {  	[tilespmem:s20], [sflag:$0x2] =	stream.indirect.gather [hbm4b:s1+s9], $0x80, s15, s9, $0xb8;
	[tilespmem:$0x1F1D0] =	vst v63  }
0xab: {  	_ =	swait.ge [sflag:s21], $0x4000  }
0xac: {  	[sflag:s21] =	ssyncset.done $0x0  }
0xad: {  	[sflag:s21] =	ssyncadd.s32 $0xFFFFC000  }
0xae: {  	[spmem:s3] =	stream.indirect.scatter.add.f32 [tilespmem:s2], [sflag:$0x3], $0x80, s0, s9, $0xb8;
	[tilespmem:$0x1F1D0] =	vst v63  }
0xaf: {  	_ = 	snop  }
0xb0: {  	[spmem:s5] =	stream.indirect.scatter.add.f32 [tilespmem:s10], [sflag:$0xB], $0x10, s0, s9, $0xb8;
	[tilespmem:$0x1F1D0] =	vst v63  }
0xb1: {  	_ =	swait.ge [sflag:s19], $0x800  }
0xb2: {  	p1 =	seq.s32 s8, $0x980;
	[sflag:s19] =	ssyncset.done $0x0  }
0xb3: {  	s7 =	simm.s32 @p1 $0x3;
	[sflag:s19] =	ssyncadd.s32 $0xFFFFF800  }
0xb4: {  	_ =	swait.ge @p1 [sflag:s7], $0x4000  }
0xb5: {  	[sflag:s7] =	ssyncset.done @p1 $0x0  }
0xb6: {  	s13 =	simm.s32 @!p1 $0x0;
	[sflag:s7] =	ssyncadd.s32 @p1 $0xFFFFC000;
	s7 =	sadd.s32 @!p1 s8, s26  }
0xb7: {  	[tilespmem:s13], [sflag:$0x5] =	stream.linear.gather @!p1 [hbm4b:s7+s13], $0x100, $0x38;
	[tilespmem:$0x1F1D0] =	vst v63  }
0xb8: {  	s7 =	simm.s32 @!p1 $0x3  }
0xb9: {  	_ =	swait.ge @!p1 [sflag:s7], $0x4000  }
0xba: {  	[sflag:s7] =	ssyncset.done @!p1 $0x0  }
0xbb: {  	[sflag:s7] =	ssyncadd.s32 @!p1 $0xFFFFC000;
	s7 =	simm.s32 @!p1 $0x5  }
0xbc: {  	_ =	swait.ge @!p1 [sflag:s7], $0x100  }
0xbd: {  	[sflag:s7] =	ssyncset.done @!p1 $0x0  }
0xbe: {  	s15 =	simm.s32 @!p1 $0x400;
	[sflag:s7] =	ssyncadd.s32 @!p1 $0xFFFFFF00;
	s7 =	simm.s32 @!p1 $0x80  }
0xbf: {  	[tilespmem:s15], [sflag:$0x1] =	stream.indirect.gather @!p1 [hbm4b:s1+s7], $0x80, s13, s7, $0xb8;
	[tilespmem:$0x1F1D0] =	vst v63  }
0xc0: {  	_ =	swait.ge [sflag:s25], $0x4000  }
0xc1: {  	[sflag:s25] =	ssyncset.done $0x0  }
0xc2: {  	[sflag:s25] =	ssyncadd.s32 $0xFFFFC000  }
0xc3: {  	[spmem:s3] =	stream.indirect.scatter.add.f32 [tilespmem:s20], [sflag:$0x4], $0x80, s31, s9, $0xb8;
	[tilespmem:$0x1F1D0] =	vst v63  }
.Ltmp0:
0xc4: {  	_ = 	snop;
	(pc) =	sbr.rel @p1 .LBB2_4-.Ltmp0, $4  }
0xc5: {  	[spmem:s5] =	stream.indirect.scatter.add.f32 [tilespmem:s10], [sflag:$0xC], $0x10, s31, s9, $0xb8;
	[tilespmem:$0x1F1D0] =	vst v63  }
0xc6: {  	_ =	swait.ge [sflag:s11], $0x800  }
0xc7: {  	[sflag:s11] =	ssyncset.done $0x0  }
0xc8: {  	[sflag:s11] =	ssyncadd.s32 $0xFFFFF800  }
0xc9: {  	s7 =	sadd.s32 s8, s16  }
0xca: {  	[tilespmem:s17], [sflag:$0x6] =	stream.linear.gather [hbm4b:s7+s6], $0x100, $0x38;
	[tilespmem:$0x1F1D0] =	vst v63  }
0xcb: {  	_ =	swait.ge [sflag:s29], $0x4000  }
0xcc: {  	[sflag:s29] =	ssyncset.done $0x0  }
.Ltmp1:
0xcd: {  	[sflag:s29] =	ssyncadd.s32 $0xFFFFC000;
	(pc) =	sbr.rel .LBB2_2-.Ltmp1, $4  }
0xce: {  	_ =	swait.ge [sflag:s12], $0x100  }
0xcf: {  	[sflag:s12] =	ssyncset.done $0x0  }
0xd0: {  	s8 =	sadd.s32 $0x80, s8;
	[sflag:s12] =	ssyncadd.s32 $0xFFFFFF00  }
0xd1: {  	[tilespmem:s20], [sflag:$0x2] =	stream.indirect.gather [hbm4b:s1+s9], $0x80, s17, s9, $0xb8;
	[tilespmem:$0x1F1D0] =	vst v63  }
.LBB2_4:
0xd2: {  	_ =	swait.ge [sflag:s29], $0x4000  }
0xd3: {  	[sflag:s29] =	ssyncset.done $0x0  }
0xd4: {  	s7 =	simm.s32 $0xB;
	[sflag:s29] =	ssyncadd.s32 $0xFFFFC000  }
0xd5: {  	_ =	swait.ge [sflag:s7], $0x800  }
0xd6: {  	[sflag:s7] =	ssyncset.done $0x0  }
0xd7: {  	s8 =	simm.s32 $0xC;
	[sflag:s7] =	ssyncadd.s32 $0xFFFFF800  }
0xd8: {  	_ =	swait.ge [sflag:s8], $0x800  }
0xd9: {  	s26 =	sadd.s32 $0x0, s4;
	[sflag:s8] =	ssyncset.done $0x0  }
0xda: {  	p1 =	sgt.u32 s26, $0x63;
	[sflag:s8] =	ssyncadd.s32 $0xFFFFF800  }
0xdb: {  	s7 =	simm.s32 @!p1 $0x400;
	s8 =	simm.s32 @!p1 $0xE;
	[bflag:$0x0] =	sbarrier.arrive $0xFFFF  }
0xdc: {  	[tilespmem:s7], [sflag:$0xE] =	stream.linear.gather @!p1 [spmem:s18], $0x3200, $0x38;
	[tilespmem:$0x1F1D0] =	vst v63  }
0xdd: {  	_ =	swait.ge @!p1 [sflag:s8], $0x3200  }
0xde: {  	s15 =	simm.s32 @!p1 $0x0;
	[sflag:s8] =	ssyncset.done @!p1 $0x0  }
0xdf: {  	s26 =	rddreg [dreg:$0x1e];
	[sflag:s8] =	ssyncadd.s32 @!p1 $0xFFFFCE00;
	p1 =	por p1, p1  }
0xe0: {  	[hbm4b:s26+s15] =	stream.linear.scatter @!p1 [tilespmem:s7], [sflag:$0xE], $0x3200, $0x38;
	[tilespmem:$0x1F1D0] =	vst v63  }
0xe1: {  	_ =	swait.ge @!p1 [sflag:s8], $0x3200  }
0xe2: {  	[sflag:s8] =	ssyncset.done @!p1 $0x0  }
0xe3: {  	s16 =	simm.s32 @!p1 $0x8C00;
	[sflag:s8] =	ssyncadd.s32 @!p1 $0xFFFFCE00  }
0xe4: {  	[tilespmem:s16], [sflag:$0xE] =	stream.linear.gather @!p1 [spmem:s22], $0x640, $0x38;
	[tilespmem:$0x1F1D0] =	vst v63  }
0xe5: {  	s28 =	sadd.s32 $0x10, s4;
	_ =	swait.ge @!p1 [sflag:s8], $0x640  }
0xe6: {  	s13 =	sadd.s32 $0x6400, s22;
	p3 =	sgt.u32 s28, $0x63;
	[sflag:s8] =	ssyncset.done @!p1 $0x0  }
0xe7: {  	s17 =	simm.s32 @!p1 $0xD;
	s14 =	rddreg [dreg:$0x13];
	[sflag:s8] =	ssyncadd.s32 @!p1 $0xFFFFF9C0  }
0xe8: {  	[hbm4b:s14+s15] =	stream.linear.scatter @!p1 [tilespmem:s16], [sflag:$0xD], $0x640, $0x38;
	[tilespmem:$0x1F1D0] =	vst v63  }
0xe9: {  	s7 =	simm.s32 $0x20;
	s8 =	sadd.s32 $0xC80, s14;
	_ =	swait.ge @!p1 [sflag:s17], $0x640  }
0xea: {  	s16 =	sadd.s32 $0x32000, s18;
	s15 =	sadd.s32 $0x6400, s26;
	[sflag:s17] =	ssyncset.done @!p1 $0x0  }
.LBB2_5:
0xeb: {  	s18 =	simm.s32 @!p3 $0x400;
	s14 =	simm.s32 @!p3 $0xE;
	[sflag:s17] =	ssyncadd.s32 @!p1 $0xFFFFF9C0  }
0xec: {  	[tilespmem:s18], [sflag:$0xE] =	stream.linear.gather @!p3 [spmem:s16], $0x3200, $0x38;
	[tilespmem:$0x1F1D0] =	vst v63  }
0xed: {  	s22 =	smov.u32 s7;
	s7 =	sadd.s32 $0x10, s7;
	_ =	swait.ge @!p3 [sflag:s14], $0x3200  }
0xee: {  	s26 =	smov.u32 s8;
	p2 =	sne.s32 s7, $0x70;
	[sflag:s14] =	ssyncset.done @!p3 $0x0  }
0xef: {  	s28 =	simm.s32 @!p3 $0x0;
	p1 =	por p3, p3;
	[sflag:s14] =	ssyncadd.s32 @!p3 $0xFFFFCE00  }
0xf0: {  	[hbm4b:s15+s28] =	stream.linear.scatter @!p1 [tilespmem:s18], [sflag:$0xE], $0x3200, $0x38;
	[tilespmem:$0x1F1D0] =	vst v63  }
0xf1: {  	_ =	swait.ge @!p1 [sflag:s14], $0x3200  }
0xf2: {  	[sflag:s14] =	ssyncset.done @!p1 $0x0  }
0xf3: {  	s18 =	simm.s32 @!p1 $0x8C00;
	[sflag:s14] =	ssyncadd.s32 @!p1 $0xFFFFCE00  }
0xf4: {  	[tilespmem:s18], [sflag:$0xE] =	stream.linear.gather @!p1 [spmem:s13], $0x640, $0x38;
	[tilespmem:$0x1F1D0] =	vst v63  }
0xf5: {  	_ =	swait.ge @!p1 [sflag:s14], $0x640  }
.Ltmp2:
0xf6: {  	s13 =	sadd.s32 $0x6400, s13;
	[sflag:s14] =	ssyncset.done @!p1 $0x0;
	(pc) =	sbr.rel @p2 .LBB2_5-.Ltmp2, $4  }
0xf7: {  	s8 =	sadd.s32 $0xC80, s8;
	s17 =	simm.s32 @!p1 $0xD;
	[sflag:s14] =	ssyncadd.s32 @!p1 $0xFFFFF9C0  }
0xf8: {  	[hbm4b:s26+s28] =	stream.linear.scatter @!p1 [tilespmem:s18], [sflag:$0xD], $0x640, $0x38;
	[tilespmem:$0x1F1D0] =	vst v63  }
0xf9: {  	s16 =	sadd.s32 $0x32000, s16;
	s14 =	sadd.s32 s22, s4;
	_ =	swait.ge @!p1 [sflag:s17], $0x640  }
0xfa: {  	s15 =	sadd.s32 $0x6400, s15;
	p3 =	sgt.u32 s14, $0x63;
	[sflag:s17] =	ssyncset.done @!p1 $0x0  }
0xfb: {  	s7 =	simm.s32 @!p3 $0x400;
	s14 =	simm.s32 @!p3 $0xE;
	[sflag:s17] =	ssyncadd.s32 @!p1 $0xFFFFF9C0  }
0xfc: {  	[tilespmem:s7], [sflag:$0xE] =	stream.linear.gather @!p3 [spmem:s16], $0x3200, $0x38;
	[tilespmem:$0x1F1D0] =	vst v63  }
0xfd: {  	_ =	swait.ge @!p3 [sflag:s14], $0x3200  }
0xfe: {  	[sflag:s14] =	ssyncset.done @!p3 $0x0  }
0xff: {  	p1 =	por p3, p3;
	s16 =	simm.s32 @!p3 $0x0;
	[sflag:s14] =	ssyncadd.s32 @!p3 $0xFFFFCE00  }
0x100: {  	[hbm4b:s15+s16] =	stream.linear.scatter @!p1 [tilespmem:s7], [sflag:$0xE], $0x3200, $0x38;
	[tilespmem:$0x1F1D0] =	vst v63  }
0x101: {  	_ =	swait.ge @!p1 [sflag:s14], $0x3200  }
0x102: {  	[sflag:s14] =	ssyncset.done @!p1 $0x0  }
0x103: {  	s7 =	simm.s32 @!p1 $0x8C00;
	[sflag:s14] =	ssyncadd.s32 @!p1 $0xFFFFCE00  }
0x104: {  	[tilespmem:s7], [sflag:$0xE] =	stream.linear.gather @!p1 [spmem:s13], $0x640, $0x38;
	[tilespmem:$0x1F1D0] =	vst v63  }
0x105: {  	_ =	swait.ge @!p1 [sflag:s14], $0x640  }
0x106: {  	[sflag:s14] =	ssyncset.done @!p1 $0x0  }
0x107: {  	s13 =	simm.s32 @!p1 $0xD;
	[sflag:s14] =	ssyncadd.s32 @!p1 $0xFFFFF9C0  }
0x108: {  	[hbm4b:s8+s16] =	stream.linear.scatter @!p1 [tilespmem:s7], [sflag:$0xD], $0x640, $0x38;
	[tilespmem:$0x1F1D0] =	vst v63  }
0x109: {  	_ =	swait.ge @!p1 [sflag:s13], $0x640  }
0x10a: {  	s22 =	sld [smem:$0x7FD];
	_ =	sdelay $0x2  }
0x10b: {  	s26 =	rddreg [dreg:$0xa];
	s8 =	sadd.s32 $0x1, s22  }
0x10c: {  	p2 =	sne.s32 s8, s26  }
.Ltmp3:
0x10d: {  	s18 =	rddreg [dreg:$0xb];
	(pc) =	sbr.rel @p2 .LBB2_1-.Ltmp3, $4  }
0x10e: {  	s16 =	rddreg [dreg:$0xf]  }
0x10f: {  	s28 =	rddreg [dreg:$0x11]  }
0x110: {  	[sflag:s13] =	ssyncset.done @!p1 $0x0;
	s22 =	rddreg [dreg:$0xc]  }
0x111: {  	s17 =	simm.s32 $0x100;
	[sflag:s13] =	ssyncadd.s32 @!p1 $0xFFFFF9C0;
	s26 =	rddreg [dreg:$0x10]  }
0x112: {  	_ =	sfence.sel $0x180000  }
0x113: {  	[bflag:$0x0] =	sbarrier.arrive $0xFFFF  }
0x114: {  	_ =	strace $0x90000047  }
0x115: {  	[bflag:$0x2] =	sbarrier.arrive $0xFFFF  }
0x116: {  	p0 =	sne.s32 s4, $0x0;
	s0 =	rddreg [dreg:$0x6]  }
0x117: {  	s0 =	sadd.s32 @!p0 $0x100000, s0  }
0x118: {  	[sflag:s0] =	ssyncadd.tile.s32 @!p0 $0x1;
	_ =	shalt  }
.Lfunc_end2:
_tile_overlayer_lowered:
.L_overlay_start_2:
0x119: {  	(tag) =	ssettag $0x2  }
0x11a: {  	s0 =	rddreg [dreg:$0x0];
	s2 =	stileid.u32  }
0x11b: {  	s1 =	rddreg [dreg:$0x1];
	p0 =	sne.s32 s2, $0x0  }
0x11c: {  	s3 =	rddreg [dreg:$0x2];
	[bflag:$0x3] =	sbarrier.arrive $0xFFFF;
	s2 =	simm.s32 @!p0 $0x1C0D  }
0x11d: {  	[timem:s3], [sflag:s2] =	dma.local @!p0 [hbm:s0], s1  }
0x11e: {  	s0 =	simm.s32 @!p0 $0xD  }
0x11f: {  	_ =	swait.ge @!p0 [sflag:s0], s1  }
0x120: {  	s1 =	ssub.s32 @!p0 $0x0, s1;
	[sflag:s0] =	ssyncset.done @!p0 $0x0  }
0x121: {  	[sflag:s0] =	ssyncadd.s32 @!p0 s1  }
0x122: {  	[bflag:$0x3] =	sbarrier.arrive $0xFFFF  }
0x123: {  	_ =	shalt  }

// kernel: kernel.9.cloned.1.call-start
scs
__scs_entry_jumppad:
0x0: {  	(pc) =	sbr.rel $0x88, $3  }
0x1: {  	(tag) =	ssettag $0x0;
	lr =	simm.s32 $0x1  }
0x2: {  	[smem:$0x3F99] =	sst lr;
	_ =	strace $0xD0000000  }
0x3: {  	_ = 	snop  }
0x4: {  	_ = 	snop  }
0x5: {  	_ = 	snop  }
0x6: {  	_ = 	snop  }
0x7: {  	_ = 	snop  }
__scs_overlays_trampoline_lowered:
0x8: {  	[smem:$0x3FA8] =	sst s0  }
0x9: {  	[smem:$0x3FA9] =	sst s1  }
0xa: {  	[smem:$0x3FAA] =	sst s2  }
0xb: {  	[smem:$0x3FAB] =	sst s3  }
0xc: {  	[smem:$0x3FAC] =	sst s4  }
0xd: {  	[smem:$0x3FAD] =	sst s5  }
0xe: {  	[smem:$0x3FAE] =	sst s6  }
0xf: {  	[smem:$0x3FAF] =	sst s7  }
0x10: {  	[smem:$0x3FB0] =	sst s8  }
0x11: {  	[smem:$0x3FB1] =	sst s9;
	s0 =	simm.s32 @!p0 $0x0  }
0x12: {  	s1 =	sld [smem:$0x3F97];
	s0 =	simm.s32 @p0 $0x1  }
0x13: {  	[smem:$0x3FB2] =	sst s0;
	s0 =	simm.s32 @!p1 $0x0  }
0x14: {  	s2 =	sld [smem:$0x3F96];
	s0 =	simm.s32 @p1 $0x1  }
0x15: {  	[smem:$0x3FB3] =	sst s0;
	s0 =	simm.s32 @!p2 $0x0  }
0x16: {  	s3 =	sld [smem:$0x3FDB];
	s0 =	simm.s32 @p2 $0x1  }
0x17: {  	s4 =	simm.s32 $0x1BF5;
	[smem:$0x3FB5] =	sst s0  }
0x18: {  	s0 =	sld [smem:$0x3F98];
	_ =	swait.ge [sflag:s4], $0x0  }
0x19: {  	s7 =	sld [smem:$0x3F99]  }
0x1a: {  	s8 =	sadd.s32 $0xFFFFE003, lr  }
0x1b: {  	s9 =	sadd.s32 $0xFFFFFEF7, lr;
	s5 =	simm.s32 $0xFFFFFFFF;
	p2 =	slt.u32 s8, $0xFFFFF086  }
0x1c: {  	p1 =	slt.u32 s9, $0xF7A;
	s5 =	simm.s32 @!p2 $0x0  }
0x1d: {  	s5 =	simm.s32 @p1 $0x1;
	p0 =	seq.s32 s7, s2  }
0x1e: {  	s7 =	smul.u32 @!p0 $0xF7A, s2;
	p2 =	seq.s32 @!p0 s5, $0x0  }
0x1f: {  	s9 =	smul.u32 $0xF7A, s1;
	s8 =	simm.s32 @!p0 $0x1BF5;
	p2 =	por !p2, p0  }
0x20: {  	[sflag:s8] =	ssyncset.s32 @!p0 $0xFFFFF086;
	s6 =	sadd.s32 @!p0 s3, s7;
	s7 =	simm.s32 @!p0 $0x108  }
0x21: {  	s3 =	sadd.s32 s3, s9;
	s6 =	sadd.s32 @!p0 $0x88, s6;
	s7 =	simm.s32 @p2 $0x1082  }
0x22: {  	[simem:s7], [sflag:s8] =	dma.local @!p0 [hbm:s6], $0xF7A  }
0x23: {  	s9 =	sor.u32 $0xD0000000, s2;
	s6 =	simm.s32 $0x108;
	_ =	swait.ge @!p0 [sflag:s8], $0x0  }
0x24: {  	s3 =	sadd.s32 $0x88, s3;
	s6 =	simm.s32 @!p1 $0x1082;
	[sflag:s4] =	ssyncset.s32 $0xFFFFF086  }
0x25: {  	[simem:s6], [sflag:s4] =	dma.local [hbm:s3], $0xF7A  }
0x26: {  	[smem:$0x3F99] =	sst s1;
	(tag) =	ssettag s2;
	_ =	strace s9  }
0x27: {  	s1 =	sld [smem:$0x3FA9]  }
0x28: {  	s2 =	sld [smem:$0x3FAA]  }
0x29: {  	s4 =	sld [smem:$0x3FAC]  }
0x2a: {  	p0 =	seq.s32 s5, $0x0;
	s5 =	sld [smem:$0x3FAD]  }
0x2b: {  	s6 =	sld [smem:$0x3FAE]  }
0x2c: {  	s7 =	sld [smem:$0x3FAF]  }
0x2d: {  	s3 =	simm.s32 $0x108;
	s8 =	sld [smem:$0x3FB0]  }
0x2e: {  	s3 =	simm.s32 @!p0 $0x1082;
	s9 =	sld [smem:$0x3FB1]  }
0x2f: {  	lr =	sadd.s32 s0, s3;
	s0 =	sld [smem:$0x3FA8]  }
0x30: {  	s3 =	sld [smem:$0x3FAB]  }
0x31: {  	[smem:$0x3FB4] =	sst s10  }
0x32: {  	s10 =	sld [smem:$0x3FB2];
	_ =	sdelay $0x3  }
0x33: {  	p0 =	seq.s32 s10, $0x1;
	s10 =	sld [smem:$0x3FB4];
	_ =	sdelay $0x3  }
0x34: {  	[smem:$0x3FB4] =	sst s10  }
0x35: {  	s10 =	sld [smem:$0x3FB3];
	_ =	sdelay $0x3  }
0x36: {  	p1 =	seq.s32 s10, $0x1;
	s10 =	sld [smem:$0x3FB4];
	_ =	sdelay $0x3  }
0x37: {  	[smem:$0x3FB4] =	sst s10  }
0x38: {  	s10 =	sld [smem:$0x3FB5]  }
0x39: {  	_ = 	snop;
	(pc) =	sbr.ind lr, $3  }
0x3a: {  	_ = 	snop  }
0x3b: {  	_ = 	snop  }
0x3c: {  	p2 =	seq.s32 s10, $0x1;
	s10 =	sld [smem:$0x3FB4]  }
0x3d: {  	_ =	shalt  }
0x3e: {  	_ =	shalt  }
0x3f: {  	_ =	shalt  }
0x40: {  	_ =	shalt  }
0x41: {  	_ =	shalt  }
0x42: {  	_ =	shalt  }
0x43: {  	_ =	shalt  }
0x44: {  	_ =	shalt  }
0x45: {  	_ =	shalt  }
0x46: {  	_ =	shalt  }
0x47: {  	_ =	shalt  }
0x48: {  	_ =	shalt  }
0x49: {  	_ =	shalt  }
0x4a: {  	_ =	shalt  }
0x4b: {  	_ =	shalt  }
0x4c: {  	_ =	shalt  }
0x4d: {  	_ =	shalt  }
0x4e: {  	_ =	shalt  }
0x4f: {  	_ =	shalt  }
0x50: {  	_ =	shalt  }
0x51: {  	_ =	shalt  }
0x52: {  	_ =	shalt  }
0x53: {  	_ =	shalt  }
0x54: {  	_ =	shalt  }
0x55: {  	_ =	shalt  }
0x56: {  	_ =	shalt  }
0x57: {  	_ =	shalt  }
0x58: {  	_ =	shalt  }
0x59: {  	_ =	shalt  }
0x5a: {  	_ =	shalt  }
0x5b: {  	_ =	shalt  }
0x5c: {  	_ =	shalt  }
0x5d: {  	_ =	shalt  }
0x5e: {  	_ =	shalt  }
0x5f: {  	_ =	shalt  }
0x60: {  	_ =	shalt  }
0x61: {  	_ =	shalt  }
0x62: {  	_ =	shalt  }
0x63: {  	_ =	shalt  }
0x64: {  	_ =	shalt  }
0x65: {  	_ =	shalt  }
0x66: {  	_ =	shalt  }
0x67: {  	_ =	shalt  }
0x68: {  	_ =	shalt  }
0x69: {  	_ =	shalt  }
0x6a: {  	_ =	shalt  }
0x6b: {  	_ =	shalt  }
0x6c: {  	_ =	shalt  }
0x6d: {  	_ =	shalt  }
0x6e: {  	_ =	shalt  }
0x6f: {  	_ =	shalt  }
0x70: {  	_ =	shalt  }
0x71: {  	_ =	shalt  }
0x72: {  	_ =	shalt  }
0x73: {  	_ =	shalt  }
0x74: {  	_ =	shalt  }
0x75: {  	_ =	shalt  }
0x76: {  	_ =	shalt  }
0x77: {  	_ =	shalt  }
0x78: {  	_ =	shalt  }
0x79: {  	_ =	shalt  }
0x7a: {  	_ =	shalt  }
0x7b: {  	_ =	shalt  }
0x7c: {  	_ =	shalt  }
0x7d: {  	_ =	shalt  }
0x7e: {  	_ =	shalt  }
0x7f: {  	_ =	shalt  }
0x80: {  	_ =	shalt  }
0x81: {  	_ =	shalt  }
0x82: {  	_ =	shalt  }
0x83: {  	_ =	shalt  }
0x84: {  	_ =	shalt  }
0x85: {  	_ =	shalt  }
0x86: {  	_ =	shalt  }
0x87: {  	_ =	shalt  }
.Lfunc_end0:
.L_simem_size_0:
called_computation.1_lowered:
.L_overlay_start_0:
0x88: {  	s2 =	sld [smem:$0x3FD9]  }
0x89: {  	s3 =	sld [smem:$0x3FFE];
	_ =	sdelay $0x1  }
0x8a: {  	s1 =	srdreg.scid  }
0x8b: {  	s0 =	sand.u32 $0x1, s1  }
0x8c: {  	s16 =	sshll.u32 s0, $0xA;
	s2 =	sadd.s32 s3, s2  }
0x8d: {  	s2 =	sadd.s32 s2, s16  }
0x8e: {  	[smem:$0x3FC0] =	sst s2  }
0x8f: {  	_ = 	snop  }
0x90: {  	(tm) =	ssettm $0x1  }
0x91: {  	s17 =	sld [smem:$0x3FFB];
	_ =	sdelay $0x3  }
0x92: {  	_ =	strace s17  }
0x93: {  	s2 =	sld [smem:$0x3FFC];
	_ =	sdelay $0x3  }
0x94: {  	_ =	strace s2  }
0x95: {  	s2 =	sld [smem:$0x3FFD];
	_ =	sdelay $0x3  }
0x96: {  	_ =	strace s2  }
0x97: {  	_ =	strace $0x8FFFFFFF  }
0x98: {  	s18 =	sld [smem:$0x3FDB];
	_ =	sdelay $0x1  }
0x99: {  	s19 =	simm.s32 $_scs_section_size  }
0x9a: {  	s4 =	simm.s32 $_size__tile_overlayer_lowered;
	s5 =	simm.s32 $_tile_overlayer_lowered  }
0x9b: {  	s22 =	simm.s32 $0x1BFF;
	s21 =	sshll.u32 s5, $0x1;
	s2 =	sadd.s32 s19, s18  }
0x9c: {  	s6 =	simm.s32 $0x0;
	s20 =	sshll.u32 s4, $0x1;
	s4 =	sadd.s32 s21, s2  }
0x9d: {  	[timem:s6], [sflag:s22] =	dma.local [hbm:s4], s20  }
0x9e: {  	_ =	swait.ge [sflag:s22], s20  }
0x9f: {  	s3 =	ssub.s32 $0x0, s20;
	[sflag:s22] =	ssyncset.done $0x0  }
0xa0: {  	[sflag:s22] =	ssyncadd.s32 s3;
	_ =	sdelay $0x1  }
0xa1: {  	s23 =	simm.s32 $0x1B8B  }
0xa2: {  	_ =	swait.ge [sflag:s23], $0x1  }
0xa3: {  	[sflag:s23] =	ssyncset.done $0x0  }
0xa4: {  	s25 =	simm.s32 $0x1B8E;
	s24 =	sld [smem:$0x3FFE];
	[sflag:s23] =	ssyncadd.s32 $0xFFFFFFFF  }
0xa5: {  	s26 =	simm.s32 $execute0_lowered;
	[smem:$0x3FD2] =	sst s25  }
0xa6: {  	s4 =	sshll.u32 s26, $0x1;
	_ =	strace $0x80000049;
	[dreg:$0x1] =	wrdreg $0xFFFFFFFF  }
0xa7: {  	s28 =	simm.s32 $_size_execute0_lowered;
	s2 =	sadd.s32 s2, s4;
	[dreg:$0x0] =	wrdreg $0x0  }
0xa8: {  	s4 =	sshll.u32 s28, $0x1;
	[dreg:$0x2] =	wrdreg s2  }
0xa9: {  	[dreg:$0x3] =	wrdreg s4  }
0xaa: {  	[dreg:$0x4] =	wrdreg $0xC0  }
0xab: {  	_ =	task [dreg:s6], $0x5FFFF  }
0xac: {  	[dreg:$0x1] =	wrdreg $0xFFFFFFFF  }
0xad: {  	[dreg:$0x0] =	wrdreg $0x60  }
0xae: {  	[dreg:$0x2] =	wrdreg s24  }
0xaf: {  	[dreg:$0x3] =	wrdreg $0x1A400  }
0xb0: {  	[dreg:$0x4] =	wrdreg $0x41500  }
0xb1: {  	[dreg:$0x5] =	wrdreg $0x9  }
0xb2: {  	_ =	task.clear_ibuf [dreg:s6], $0x6FFFF;
	_ =	strace $0x90000049  }
0xb3: {  	s29 =	simm.s32 $0x9;
	_ =	strace $0x8000004B  }
0xb4: {  	_ =	swait.ge [sflag:s29], $0x1  }
0xb5: {  	[sflag:s29] =	ssyncadd.s32 $0xFFFFFFFF  }
0xb6: {  	_ =	strace $0x9000004B  }
0xb7: {  	_ =	sfence  }
0xb8: {  	s30 =	sld [smem:$0x0];
	_ =	sdelay $0x2  }
0xb9: {  	s31 =	sshll.u32 s1, $0xD;
	s1 =	sshrl.u32 s1, $0x2  }
0xba: {  	s3 =	sand.u32 $0x4000, s31;
	s1 =	sadd.s32 s1, s30  }
0xbb: {  	s0 =	sor.u32 s3, s0;
	s1 =	sshll.u32 s1, $0x11  }
0xbc: {  	s0 =	sor.u32 s1, s0  }
0xbd: {  	s0 =	sadd.s32 $0x8F2B, s0  }
0xbe: {  	[sflag:s0] =	ssyncadd.remote.s32 $0x1  }
0xbf: {  	_ =	sfence.sel $0xFFFF  }
0xc0: {  	[dreg:$0x0] =	wrdreg $0xFFFFFFFF;
	(pc) =	sbr.abs _section_cstart, $3  }
0xc1: {  	[dreg:$0x1] =	wrdreg $0xFFFFFFFF  }
0xc2: {  	_ =	task.clear_ibuf [dreg:s6], $0x2FFFF;
	_ =	strace $0x9FFFFFFF  }
0xc3: {  	(tm) =	ssettm $0x7FFFFFFF  }
tec
execute0_lowered:
.L_overlay_start_1:
0x0: {  	(tag) =	ssettag $0x1  }
0x1: {  	s0 =	srdreg.scid  }
0x2: {  	s18 =	stileid.u32;
	s1 =	rddreg [dreg:$0x0]  }
0x3: {  	s31 =	simm.s32 $0x1400;
	s28 =	simm.s32 $0x3;
	s30 =	simm.s32 $0x7  }
0x4: {  	s29 =	simm.s32 $0x6;
	s9 =	sand.u32 $0x1, s0;
	s0 =	smul.u32 $0x640, s18  }
0x5: {  	s10 =	sadd.s32 $0x15C00, s1;
	s11 =	sadd.s32 $0x1AC00, s1;
	s14 =	sshll.u32 s18, $0x1  }
0x6: {  	s2 =	ssub.s32 $0x2, s9;
	s12 =	sor.u32 s9, s14;
	s13 =	smul.u32 $0x27100, s9  }
0x7: {  	s9 =	smul.u32 $0x5000, s9;
	s3 =	sshrl.u32 s2, $0x1;
	s4 =	sshrl.u32 s0, $0x3  }
0x8: {  	s5 =	sadd.s32 $0x6400, s0;
	s2 =	ssub.s32 s2, s3;
	s15 =	sadd.s32 s10, s4  }
0x9: {  	s4 =	sadd.s32 $0xC800, s0;
	s3 =	sadd.s32 $0x12C00, s0;
	s6 =	sshrl.u32 s5, $0x3  }
0xa: {  	s20 =	sadd.s32 s13, s0;
	[dreg:$0x4] =	wrdreg s15;
	s7 =	sshrl.u32 s4, $0x3  }
0xb: {  	s8 =	sshrl.u32 s3, $0x3;
	s6 =	sadd.s32 s10, s6;
	s15 =	sor.u32 $0x60, s18  }
0xc: {  	s24 =	sadd.s32 s13, s4;
	s25 =	sadd.s32 s13, s3;
	s2 =	smax.u32 s2, $0x1  }
0xd: {  	[dreg:$0x5] =	wrdreg s6;
	s16 =	sadd.s32 s10, s7;
	s17 =	sadd.s32 s10, s8  }
0xe: {  	s7 =	sadd.s32 $0x19000, s0;
	s6 =	sadd.s32 $0x1F400, s0;
	[dreg:$0x6] =	wrdreg s16  }
0xf: {  	s8 =	smul.u32 $0x640, s15;
	p0 =	sgt.u32 s15, $0x63;
	[dreg:$0x7] =	wrdreg s17  }
0x10: {  	s14 =	sshrl.u32 s7, $0x3;
	s16 =	sshrl.u32 s6, $0x3;
	s17 =	sadd.s32 s13, s5  }
0x11: {  	s26 =	sadd.s32 s13, s7;
	s14 =	sadd.s32 s10, s14;
	s19 =	sadd.s32 s10, s16  }
0x12: {  	s21 =	sshrl.u32 s8, $0x3;
	s23 =	sshrl.u32 s17, $0x3;
	[dreg:$0x8] =	wrdreg s14  }
0x13: {  	s17 =	sshrl.u32 s26, $0x3;
	[dreg:$0x9] =	wrdreg s19;
	s14 =	sshrl.u32 s20, $0x3  }
0x14: {  	s10 =	sadd.s32 s10, s21;
	s19 =	sadd.s32 s13, s6;
	s13 =	sadd.s32 s13, s8  }
0x15: {  	s20 =	smul.u32 $0xA000, s18;
	[dreg:$0xa] =	wrdreg s10;
	s22 =	sadd.s32 s11, s14  }
0x16: {  	s10 =	sadd.s32 s11, s23;
	s14 =	sshrl.u32 s25, $0x3;
	s21 =	sshrl.u32 s13, $0x3  }
0x17: {  	s25 =	sadd.s32 $0x1A00, s1;
	s1 =	sadd.s32 $0x15A00, s1;
	[dreg:$0xb] =	wrdreg s22  }
0x18: {  	[dreg:$0xc] =	wrdreg s10;
	s10 =	sshrl.u32 s24, $0x3;
	s14 =	sadd.s32 s11, s14  }
0x19: {  	s9 =	sadd.s32 s9, s20;
	s22 =	smul.u32 $0xA00, s12;
	s20 =	rddreg [dreg:$0x1]  }
0x1a: {  	s10 =	sadd.s32 s11, s10;
	[dreg:$0xe] =	wrdreg s14;
	s14 =	simm.s32 $0x0  }
0x1b: {  	s23 =	sor.u32 $0x500, s9;
	[dreg:$0xd] =	wrdreg s10;
	s10 =	sadd.s32 s11, s17  }
0x1c: {  	s24 =	sor.u32 $0x400, s9;
	[dreg:$0xf] =	wrdreg s10;
	s10 =	sshrl.u32 s19, $0x3  }
0x1d: {  	s26 =	sor.u32 $0x300, s9;
	[smem:$0x7FF] =	sst s14;
	s10 =	sadd.s32 s11, s10  }
0x1e: {  	s9 =	sor.u32 $0x200, s9;
	s13 =	sadd.s32 s7, s20;
	[dreg:$0x10] =	wrdreg s10  }
0x1f: {  	s12 =	sshrl.u32 s24, $0x3;
	s10 =	sadd.s32 s11, s21;
	s21 =	rddreg [dreg:$0x2]  }
0x20: {  	s9 =	sshrl.u32 s9, $0x3;
	s11 =	sshrl.u32 s23, $0x3;
	[dreg:$0x11] =	wrdreg s10  }
0x21: {  	s23 =	sadd.s32 s9, s25;
	_ =	strace $0x8000004A;
	[dreg:$0x13] =	wrdreg s1  }
0x22: {  	s9 =	sadd.s32 s0, s20;
	s0 =	sadd.s32 s0, s21;
	[dreg:$0x14] =	wrdreg s2  }
0x23: {  	s17 =	sadd.s32 s11, s25;
	s11 =	sadd.s32 s4, s21;
	[dreg:$0x16] =	wrdreg s0  }
0x24: {  	s18 =	sadd.s32 s12, s25;
	s12 =	sadd.s32 s3, s21;
	[dreg:$0x19] =	wrdreg s11  }
0x25: {  	s16 =	sadd.s32 s25, s22;
	s19 =	sadd.s32 s6, s20;
	[dreg:$0x1c] =	wrdreg s12  }
0x26: {  	s10 =	sshrl.u32 s26, $0x3;
	s15 =	sadd.s32 s7, s21;
	[smem:$0x7F9] =	sst s13  }
0x27: {  	s24 =	sadd.s32 s6, s21;
	s6 =	sadd.s32 s8, s20;
	[dreg:$0x1d] =	wrdreg s15  }
0x28: {  	s26 =	sadd.s32 $0x20, s16;
	s7 =	simm.s32 $0x8;
	[dreg:$0x1e] =	wrdreg s19  }
0x29: {  	s22 =	sadd.s32 s10, s25;
	s2 =	sadd.s32 s5, s20;
	[dreg:$0x1f] =	wrdreg s24  }
0x2a: {  	s5 =	sadd.s32 s5, s21;
	s10 =	sadd.s32 s4, s20;
	[dreg:$0x12] =	wrdreg s16  }
0x2b: {  	s4 =	sadd.s32 s3, s20;
	s25 =	sadd.s32 s8, s21;
	[smem:$0x7FB] =	sst s26  }
0x2c: {  	s11 =	simm.s32 $0xA;
	s12 =	simm.s32 $0x400;
	[dreg:$0x15] =	wrdreg s9  }
0x2d: {  	s13 =	simm.s32 $0x80;
	s15 =	simm.s32 $0x100;
	[smem:$0x7FD] =	sst s6  }
0x2e: {  	s16 =	simm.s32 $0xC00;
	s24 =	simm.s32 $0x1;
	[dreg:$0x18] =	wrdreg s5  }
.Ltmp0:
0x2f: {  	s19 =	simm.s32 $0x2;
	[dreg:$0x1b] =	wrdreg s10;
	(pc) =	sbr.rel .LBB2_1-.Ltmp0, $4  }
0x30: {  	s1 =	simm.s32 $0x180;
	s0 =	simm.s32 $0x0;
	[smem:$0x7FA] =	sst s25  }
0x31: {  	s3 =	simm.s32 $0x300;
	s8 =	simm.s32 $0x280;
	[smem:$0x7FC] =	sst s0  }
0x32: {  	s26 =	simm.s32 $0x380;
	s10 =	simm.s32 $0x9;
	[dreg:$0x17] =	wrdreg s2  }
0x33: {  	s25 =	simm.s32 $0x200;
	s5 =	simm.s32 $0x4;
	[dreg:$0x1a] =	wrdreg s4  }
.LBB2_4:
0x34: {  	_ =	swait.ge [sflag:s5], $0x800  }
0x35: {  	[sflag:s5] =	ssyncset.done $0x0  }
0x36: {  	[sflag:s5] =	ssyncadd.s32 $0xFFFFF800  }
0x37: {  	[bflag:$0x0] =	sbarrier.arrive $0xFFFF  }
0x38: {  	s2 =	smov.u32 s9;
	s9 =	rddreg [dreg:$0x15]  }
0x39: {  	[tilespmem:s31], [sflag:$0xA] =	stream.linear.gather [spmem:s9], $0x640, $0x38;
	[tilespmem:$0x6860] =	vst v63  }
0x3a: {  	_ =	swait.ge [sflag:s11], $0x640  }
0x3b: {  	[sflag:s11] =	ssyncset.done $0x0  }
0x3c: {  	s0 =	rddreg [dreg:$0xb];
	[sflag:s11] =	ssyncadd.s32 $0xFFFFF9C0  }
0x3d: {  	[hbm4b:s0+s14] =	stream.linear.scatter [tilespmem:s31], [sflag:$0x9], $0x640, $0x38;
	[tilespmem:$0x6860] =	vst v63  }
0x3e: {  	_ =	swait.ge [sflag:s10], $0x640  }
0x3f: {  	[sflag:s10] =	ssyncset.done $0x0  }
0x40: {  	s4 =	rddreg [dreg:$0x17];
	[sflag:s10] =	ssyncadd.s32 $0xFFFFF9C0  }
0x41: {  	[tilespmem:s31], [sflag:$0xA] =	stream.linear.gather [spmem:s4], $0x640, $0x38;
	[tilespmem:$0x6860] =	vst v63  }
0x42: {  	_ =	swait.ge [sflag:s11], $0x640  }
0x43: {  	[sflag:s11] =	ssyncset.done $0x0  }
0x44: {  	s6 =	rddreg [dreg:$0xc];
	[sflag:s11] =	ssyncadd.s32 $0xFFFFF9C0  }
0x45: {  	[hbm4b:s6+s14] =	stream.linear.scatter [tilespmem:s31], [sflag:$0x9], $0x640, $0x38;
	[tilespmem:$0x6860] =	vst v63  }
0x46: {  	_ =	swait.ge [sflag:s10], $0x640  }
0x47: {  	[sflag:s10] =	ssyncset.done $0x0  }
0x48: {  	s4 =	rddreg [dreg:$0x1b];
	[sflag:s10] =	ssyncadd.s32 $0xFFFFF9C0  }
0x49: {  	[tilespmem:s31], [sflag:$0xA] =	stream.linear.gather [spmem:s4], $0x640, $0x38;
	[tilespmem:$0x6860] =	vst v63  }
0x4a: {  	_ =	swait.ge [sflag:s11], $0x640  }
0x4b: {  	[sflag:s11] =	ssyncset.done $0x0  }
0x4c: {  	s6 =	rddreg [dreg:$0xd];
	[sflag:s11] =	ssyncadd.s32 $0xFFFFF9C0  }
0x4d: {  	[hbm4b:s6+s14] =	stream.linear.scatter [tilespmem:s31], [sflag:$0x9], $0x640, $0x38;
	[tilespmem:$0x6860] =	vst v63  }
0x4e: {  	_ =	swait.ge [sflag:s10], $0x640  }
0x4f: {  	[sflag:s10] =	ssyncset.done $0x0  }
0x50: {  	s6 =	rddreg [dreg:$0x1a];
	[sflag:s10] =	ssyncadd.s32 $0xFFFFF9C0  }
0x51: {  	[tilespmem:s31], [sflag:$0xA] =	stream.linear.gather [spmem:s6], $0x640, $0x38;
	[tilespmem:$0x6860] =	vst v63  }
0x52: {  	_ =	swait.ge [sflag:s11], $0x640  }
0x53: {  	[sflag:s11] =	ssyncset.done $0x0  }
0x54: {  	s4 =	rddreg [dreg:$0xe];
	[sflag:s11] =	ssyncadd.s32 $0xFFFFF9C0  }
0x55: {  	[hbm4b:s4+s14] =	stream.linear.scatter [tilespmem:s31], [sflag:$0x9], $0x640, $0x38;
	[tilespmem:$0x6860] =	vst v63  }
0x56: {  	_ =	swait.ge [sflag:s10], $0x640  }
0x57: {  	[sflag:s10] =	ssyncset.done $0x0  }
0x58: {  	[sflag:s10] =	ssyncadd.s32 $0xFFFFF9C0  }
0x59: {  	[tilespmem:s31], [sflag:$0xA] =	stream.linear.gather [spmem:s2], $0x640, $0x38;
	[tilespmem:$0x6860] =	vst v63  }
0x5a: {  	_ =	swait.ge [sflag:s11], $0x640  }
0x5b: {  	[sflag:s11] =	ssyncset.done $0x0  }
0x5c: {  	s4 =	rddreg [dreg:$0xf];
	[sflag:s11] =	ssyncadd.s32 $0xFFFFF9C0  }
0x5d: {  	[hbm4b:s4+s14] =	stream.linear.scatter [tilespmem:s31], [sflag:$0x9], $0x640, $0x38;
	[tilespmem:$0x6860] =	vst v63  }
0x5e: {  	_ =	swait.ge [sflag:s10], $0x640  }
0x5f: {  	[sflag:s10] =	ssyncset.done $0x0  }
0x60: {  	s2 =	rddreg [dreg:$0x1e];
	[sflag:s10] =	ssyncadd.s32 $0xFFFFF9C0  }
0x61: {  	[tilespmem:s31], [sflag:$0xA] =	stream.linear.gather [spmem:s2], $0x640, $0x38;
	[tilespmem:$0x6860] =	vst v63  }
0x62: {  	_ =	swait.ge [sflag:s11], $0x640  }
0x63: {  	[sflag:s11] =	ssyncset.done $0x0  }
0x64: {  	s4 =	rddreg [dreg:$0x10];
	[sflag:s11] =	ssyncadd.s32 $0xFFFFF9C0  }
0x65: {  	[hbm4b:s4+s14] =	stream.linear.scatter [tilespmem:s31], [sflag:$0x9], $0x640, $0x38;
	[tilespmem:$0x6860] =	vst v63  }
0x66: {  	_ =	swait.ge [sflag:s10], $0x640  }
0x67: {  	s31 =	sld [smem:$0x7FD]  }
0x68: {  	[sflag:s10] =	ssyncset.done $0x0  }
0x69: {  	s0 =	simm.s32 @!p0 $0x1400;
	s2 =	simm.s32 @!p0 $0xA;
	[sflag:s10] =	ssyncadd.s32 $0xFFFFF9C0  }
0x6a: {  	[tilespmem:s0], [sflag:$0xA] =	stream.linear.gather @!p0 [spmem:s31], $0x640, $0x38;
	[tilespmem:$0x6860] =	vst v63  }
0x6b: {  	_ =	swait.ge @!p0 [sflag:s2], $0x640  }
0x6c: {  	[sflag:s2] =	ssyncset.done @!p0 $0x0  }
0x6d: {  	s4 =	rddreg [dreg:$0x11];
	[sflag:s2] =	ssyncadd.s32 @!p0 $0xFFFFF9C0;
	s2 =	simm.s32 @!p0 $0x0  }
0x6e: {  	[hbm4b:s4+s2] =	stream.linear.scatter @!p0 [tilespmem:s0], [sflag:$0x9], $0x640, $0x38;
	[tilespmem:$0x6860] =	vst v63  }
0x6f: {  	s0 =	simm.s32 @!p0 $0x9  }
0x70: {  	_ =	swait.ge @!p0 [sflag:s0], $0x640  }
0x71: {  	s2 =	sld [smem:$0x7FC];
	_ =	sdelay $0x2  }
0x72: {  	s4 =	smov.u32 s6;
	s6 =	sadd.s32 $0x1, s2;
	s2 =	rddreg [dreg:$0x14]  }
0x73: {  	p1 =	sne.s32 s6, s2  }
.Ltmp1:
0x74: {  	_ = 	snop;
	(pc) =	sbr.rel @!p1 .LBB2_5-.Ltmp1, $4  }
0x75: {  	_ = 	snop  }
0x76: {  	[sflag:s0] =	ssyncset.done @!p0 $0x0  }
0x77: {  	[sflag:s0] =	ssyncadd.s32 @!p0 $0xFFFFF9C0;
	[smem:$0x7FC] =	sst s6  }
0x78: {  	s2 =	rddreg [dreg:$0x17];
	s6 =	smov.u32 s31;
	s31 =	simm.s32 $0x1400  }
.LBB2_1:
0x79: {  	s0 =	rddreg [dreg:$0x13]  }
0x7a: {  	[tilespmem:s31], [sflag:$0x9] =	stream.linear.gather [hbm4b:s0+s14], $0x640, $0x38;
	[tilespmem:$0x6860] =	vst v63  }
0x7b: {  	_ =	swait.ge [sflag:s10], $0x640  }
0x7c: {  	[sflag:s10] =	ssyncset.done $0x0  }
0x7d: {  	[sflag:s10] =	ssyncadd.s32 $0xFFFFF9C0  }
0x7e: {  	[spmem:s9] =	stream.linear.scatter [tilespmem:s31], [sflag:$0xA], $0x640, $0x38;
	[tilespmem:$0x6860] =	vst v63  }
0x7f: {  	_ =	swait.ge [sflag:s11], $0x640  }
0x80: {  	[sflag:s11] =	ssyncset.done $0x0  }
0x81: {  	s9 =	rddreg [dreg:$0x4];
	[sflag:s11] =	ssyncadd.s32 $0xFFFFF9C0  }
0x82: {  	[tilespmem:s12], [sflag:$0xA] =	stream.linear.gather [hbm4b:s9+s14], $0x640, $0x38;
	[tilespmem:$0x6860] =	vst v63  }
0x83: {  	_ =	swait.ge [sflag:s11], $0x640  }
0x84: {  	[sflag:s11] =	ssyncset.done $0x0  }
0x85: {  	s9 =	rddreg [dreg:$0x16];
	[sflag:s11] =	ssyncadd.s32 $0xFFFFF9C0  }
0x86: {  	[spmem:s9] =	stream.linear.scatter [tilespmem:s12], [sflag:$0x9], $0x640, $0x38;
	[tilespmem:$0x6860] =	vst v63  }
0x87: {  	_ =	swait.ge [sflag:s10], $0x640  }
0x88: {  	[sflag:s10] =	ssyncset.done $0x0  }
0x89: {  	[sflag:s10] =	ssyncadd.s32 $0xFFFFF9C0  }
0x8a: {  	[spmem:s2] =	stream.linear.scatter [tilespmem:s31], [sflag:$0xA], $0x640, $0x38;
	[tilespmem:$0x6860] =	vst v63  }
0x8b: {  	_ =	swait.ge [sflag:s11], $0x640  }
0x8c: {  	[sflag:s11] =	ssyncset.done $0x0  }
0x8d: {  	s2 =	rddreg [dreg:$0x5];
	[sflag:s11] =	ssyncadd.s32 $0xFFFFF9C0  }
0x8e: {  	[tilespmem:s12], [sflag:$0xA] =	stream.linear.gather [hbm4b:s2+s14], $0x640, $0x38;
	[tilespmem:$0x6860] =	vst v63  }
0x8f: {  	_ =	swait.ge [sflag:s11], $0x640  }
0x90: {  	[sflag:s11] =	ssyncset.done $0x0  }
0x91: {  	s9 =	rddreg [dreg:$0x18];
	[sflag:s11] =	ssyncadd.s32 $0xFFFFF9C0  }
0x92: {  	[spmem:s9] =	stream.linear.scatter [tilespmem:s12], [sflag:$0x9], $0x640, $0x38;
	[tilespmem:$0x6860] =	vst v63  }
0x93: {  	_ =	swait.ge [sflag:s10], $0x640  }
0x94: {  	[sflag:s10] =	ssyncset.done $0x0  }
0x95: {  	s2 =	rddreg [dreg:$0x1b];
	[sflag:s10] =	ssyncadd.s32 $0xFFFFF9C0  }
0x96: {  	[spmem:s2] =	stream.linear.scatter [tilespmem:s31], [sflag:$0xA], $0x640, $0x38;
	[tilespmem:$0x6860] =	vst v63  }
0x97: {  	_ =	swait.ge [sflag:s11], $0x640  }
0x98: {  	[sflag:s11] =	ssyncset.done $0x0  }
0x99: {  	s9 =	rddreg [dreg:$0x6];
	[sflag:s11] =	ssyncadd.s32 $0xFFFFF9C0  }
0x9a: {  	[tilespmem:s12], [sflag:$0xA] =	stream.linear.gather [hbm4b:s9+s14], $0x640, $0x38;
	[tilespmem:$0x6860] =	vst v63  }
0x9b: {  	_ =	swait.ge [sflag:s11], $0x640  }
0x9c: {  	[sflag:s11] =	ssyncset.done $0x0  }
0x9d: {  	s2 =	rddreg [dreg:$0x19];
	[sflag:s11] =	ssyncadd.s32 $0xFFFFF9C0  }
0x9e: {  	[spmem:s2] =	stream.linear.scatter [tilespmem:s12], [sflag:$0x9], $0x640, $0x38;
	[tilespmem:$0x6860] =	vst v63  }
0x9f: {  	_ =	swait.ge [sflag:s10], $0x640  }
0xa0: {  	[sflag:s10] =	ssyncset.done $0x0  }
0xa1: {  	[sflag:s10] =	ssyncadd.s32 $0xFFFFF9C0  }
0xa2: {  	[spmem:s4] =	stream.linear.scatter [tilespmem:s31], [sflag:$0xA], $0x640, $0x38;
	[tilespmem:$0x6860] =	vst v63  }
0xa3: {  	_ =	swait.ge [sflag:s11], $0x640  }
0xa4: {  	[sflag:s11] =	ssyncset.done $0x0  }
0xa5: {  	s4 =	rddreg [dreg:$0x7];
	[sflag:s11] =	ssyncadd.s32 $0xFFFFF9C0  }
0xa6: {  	[tilespmem:s12], [sflag:$0xA] =	stream.linear.gather [hbm4b:s4+s14], $0x640, $0x38;
	[tilespmem:$0x6860] =	vst v63  }
0xa7: {  	_ =	swait.ge [sflag:s11], $0x640  }
0xa8: {  	[sflag:s11] =	ssyncset.done $0x0  }
0xa9: {  	s9 =	rddreg [dreg:$0x1c];
	[sflag:s11] =	ssyncadd.s32 $0xFFFFF9C0  }
0xaa: {  	[spmem:s9] =	stream.linear.scatter [tilespmem:s12], [sflag:$0x9], $0x640, $0x38;
	[tilespmem:$0x6860] =	vst v63  }
0xab: {  	_ =	swait.ge [sflag:s10], $0x640  }
0xac: {  	s9 =	sld [smem:$0x7F9]  }
0xad: {  	[sflag:s10] =	ssyncset.done $0x0  }
0xae: {  	[sflag:s10] =	ssyncadd.s32 $0xFFFFF9C0  }
0xaf: {  	[spmem:s9] =	stream.linear.scatter [tilespmem:s31], [sflag:$0xA], $0x640, $0x38;
	[tilespmem:$0x6860] =	vst v63  }
0xb0: {  	_ =	swait.ge [sflag:s11], $0x640  }
0xb1: {  	[sflag:s11] =	ssyncset.done $0x0  }
0xb2: {  	s2 =	rddreg [dreg:$0x8];
	[sflag:s11] =	ssyncadd.s32 $0xFFFFF9C0  }
0xb3: {  	[tilespmem:s12], [sflag:$0xA] =	stream.linear.gather [hbm4b:s2+s14], $0x640, $0x38;
	[tilespmem:$0x6860] =	vst v63  }
0xb4: {  	_ =	swait.ge [sflag:s11], $0x640  }
0xb5: {  	[sflag:s11] =	ssyncset.done $0x0  }
0xb6: {  	s4 =	rddreg [dreg:$0x1d];
	[sflag:s11] =	ssyncadd.s32 $0xFFFFF9C0  }
0xb7: {  	[spmem:s4] =	stream.linear.scatter [tilespmem:s12], [sflag:$0x9], $0x640, $0x38;
	[tilespmem:$0x6860] =	vst v63  }
0xb8: {  	_ =	swait.ge [sflag:s10], $0x640  }
0xb9: {  	[sflag:s10] =	ssyncset.done $0x0  }
0xba: {  	s2 =	rddreg [dreg:$0x1e];
	[sflag:s10] =	ssyncadd.s32 $0xFFFFF9C0  }
0xbb: {  	[spmem:s2] =	stream.linear.scatter [tilespmem:s31], [sflag:$0xA], $0x640, $0x38;
	[tilespmem:$0x6860] =	vst v63  }
0xbc: {  	_ =	swait.ge [sflag:s11], $0x640  }
0xbd: {  	[sflag:s11] =	ssyncset.done $0x0  }
0xbe: {  	s4 =	rddreg [dreg:$0x9];
	[sflag:s11] =	ssyncadd.s32 $0xFFFFF9C0  }
0xbf: {  	[tilespmem:s12], [sflag:$0xA] =	stream.linear.gather [hbm4b:s4+s14], $0x640, $0x38;
	[tilespmem:$0x6860] =	vst v63  }
0xc0: {  	_ =	swait.ge [sflag:s11], $0x640  }
0xc1: {  	[sflag:s11] =	ssyncset.done $0x0  }
0xc2: {  	s2 =	rddreg [dreg:$0x1f];
	[sflag:s11] =	ssyncadd.s32 $0xFFFFF9C0  }
0xc3: {  	[spmem:s2] =	stream.linear.scatter [tilespmem:s12], [sflag:$0x9], $0x640, $0x38;
	[tilespmem:$0x6860] =	vst v63  }
0xc4: {  	_ =	swait.ge [sflag:s10], $0x640  }
0xc5: {  	[sflag:s10] =	ssyncset.done $0x0  }
0xc6: {  	s0 =	simm.s32 @!p0 $0x1400;
	[sflag:s10] =	ssyncadd.s32 $0xFFFFF9C0  }
0xc7: {  	[spmem:s6] =	stream.linear.scatter @!p0 [tilespmem:s0], [sflag:$0xA], $0x640, $0x38;
	[tilespmem:$0x6860] =	vst v63  }
0xc8: {  	s0 =	simm.s32 @!p0 $0xA  }
0xc9: {  	_ =	swait.ge @!p0 [sflag:s0], $0x640  }
0xca: {  	s4 =	simm.s32 @!p0 $0x400;
	[sflag:s0] =	ssyncset.done @!p0 $0x0  }
0xcb: {  	s2 =	simm.s32 @!p0 $0x0;
	s6 =	rddreg [dreg:$0xa];
	[sflag:s0] =	ssyncadd.s32 @!p0 $0xFFFFF9C0  }
0xcc: {  	[tilespmem:s4], [sflag:$0xA] =	stream.linear.gather @!p0 [hbm4b:s6+s2], $0x640, $0x38;
	[tilespmem:$0x6860] =	vst v63  }
0xcd: {  	_ =	swait.ge @!p0 [sflag:s0], $0x640  }
0xce: {  	[sflag:s0] =	ssyncset.done @!p0 $0x0  }
0xcf: {  	[sflag:s0] =	ssyncadd.s32 @!p0 $0xFFFFF9C0;
	s0 =	sld [smem:$0x7FA];
	_ =	sdelay $0x2  }
0xd0: {  	[spmem:s0] =	stream.linear.scatter @!p0 [tilespmem:s4], [sflag:$0x9], $0x640, $0x38;
	[tilespmem:$0x6860] =	vst v63  }
0xd1: {  	s0 =	simm.s32 @!p0 $0x9  }
0xd2: {  	_ =	swait.ge @!p0 [sflag:s0], $0x640  }
0xd3: {  	[sflag:s0] =	ssyncset.done @!p0 $0x0  }
0xd4: {  	[sflag:s0] =	ssyncadd.s32 @!p0 $0xFFFFF9C0  }
0xd5: {  	[bflag:$0x0] =	sbarrier.arrive $0xFFFF  }
0xd6: {  	s4 =	rddreg [dreg:$0x12]  }
0xd7: {  	[tilespmem:s14], [sflag:$0x9] =	stream.linear.gather [hbm4b:s4+s14], $0x100, $0x38;
	[tilespmem:$0x6860] =	vst v63  }
0xd8: {  	_ =	swait.ge [sflag:s10], $0x100  }
0xd9: {  	[sflag:s10] =	ssyncset.done $0x0  }
0xda: {  	s6 =	sld [smem:$0x7FB];
	[sflag:s10] =	ssyncadd.s32 $0xFFFFFF00  }
0xdb: {  	[tilespmem:s12], [sflag:$0x1] =	stream.indirect.gather [spmem:s21], $0x10, s14, s13, $0xb8;
	[tilespmem:$0x6860] =	vst v63  }
0xdc: {  	_ = 	snop  }
0xdd: {  	[tilespmem:s15], [sflag:$0x9] =	stream.linear.gather [hbm4b:s6+s14], $0x100, $0x38;
	[tilespmem:$0x6860] =	vst v63  }
0xde: {  	_ =	swait.ge [sflag:s10], $0x100  }
0xdf: {  	[sflag:s10] =	ssyncset.done $0x0  }
0xe0: {  	s0 =	simm.s32 $0x0;
	[sflag:s10] =	ssyncadd.s32 $0xFFFFFF00  }
0xe1: {  	[tilespmem:s16], [sflag:$0x2] =	stream.indirect.gather [spmem:s21], $0x10, s15, s13, $0xb8;
	[tilespmem:$0x6860] =	vst v63  }
.LBB2_2:
0xe2: {  	_ =	swait.ge [sflag:s24], $0x800  }
0xe3: {  	[sflag:s24] =	ssyncset.done $0x0  }
0xe4: {  	[sflag:s24] =	ssyncadd.s32 $0xFFFFF800  }
0xe5: {  	[spmem:s20] =	stream.indirect.scatter.add.f32 [tilespmem:s12], [sflag:$0x3], $0x10, s13, s13, $0xb8;
	[tilespmem:$0x6860] =	vst v63  }
0xe6: {  	s2 =	sadd.s32 s0, s23  }
0xe7: {  	[tilespmem:s25], [sflag:$0x7] =	stream.linear.gather [hbm4b:s2+s14], $0x100, $0x38;
	[tilespmem:$0x6860] =	vst v63  }
0xe8: {  	_ =	swait.ge [sflag:s28], $0x800  }
0xe9: {  	[sflag:s28] =	ssyncset.done $0x0  }
0xea: {  	[sflag:s28] =	ssyncadd.s32 $0xFFFFF800  }
0xeb: {  	_ =	swait.ge [sflag:s30], $0x100  }
0xec: {  	[sflag:s30] =	ssyncset.done $0x0  }
0xed: {  	[sflag:s30] =	ssyncadd.s32 $0xFFFFFF00  }
0xee: {  	[tilespmem:s12], [sflag:$0x1] =	stream.indirect.gather [spmem:s21], $0x10, s25, s13, $0xb8;
	[tilespmem:$0x6860] =	vst v63  }
0xef: {  	_ =	swait.ge [sflag:s19], $0x800  }
0xf0: {  	[sflag:s19] =	ssyncset.done $0x0  }
0xf1: {  	[sflag:s19] =	ssyncadd.s32 $0xFFFFF800  }
0xf2: {  	[spmem:s20] =	stream.indirect.scatter.add.f32 [tilespmem:s16], [sflag:$0x4], $0x10, s1, s13, $0xb8;
	[tilespmem:$0x6860] =	vst v63  }
0xf3: {  	s6 =	sadd.s32 s0, s22  }
0xf4: {  	[tilespmem:s3], [sflag:$0x8] =	stream.linear.gather [hbm4b:s6+s14], $0x100, $0x38;
	[tilespmem:$0x6860] =	vst v63  }
0xf5: {  	_ =	swait.ge [sflag:s5], $0x800  }
0xf6: {  	[sflag:s5] =	ssyncset.done $0x0  }
0xf7: {  	[sflag:s5] =	ssyncadd.s32 $0xFFFFF800  }
0xf8: {  	_ =	swait.ge [sflag:s7], $0x100  }
0xf9: {  	[sflag:s7] =	ssyncset.done $0x0  }
0xfa: {  	[sflag:s7] =	ssyncadd.s32 $0xFFFFFF00  }
0xfb: {  	[tilespmem:s16], [sflag:$0x2] =	stream.indirect.gather [spmem:s21], $0x10, s3, s13, $0xb8;
	[tilespmem:$0x6860] =	vst v63  }
0xfc: {  	_ =	swait.ge [sflag:s24], $0x800  }
0xfd: {  	p1 =	seq.s32 s0, $0x980;
	[sflag:s24] =	ssyncset.done $0x0  }
0xfe: {  	s2 =	simm.s32 @p1 $0x3;
	[sflag:s24] =	ssyncadd.s32 $0xFFFFF800  }
0xff: {  	[spmem:s20] =	stream.indirect.scatter.add.f32 [tilespmem:s12], [sflag:$0x3], $0x10, s8, s13, $0xb8;
	[tilespmem:$0x6860] =	vst v63  }
0x100: {  	_ =	swait.ge @p1 [sflag:s2], $0x800  }
0x101: {  	[sflag:s2] =	ssyncset.done @p1 $0x0  }
0x102: {  	s4 =	simm.s32 @!p1 $0x0;
	[sflag:s2] =	ssyncadd.s32 @p1 $0xFFFFF800;
	s2 =	sadd.s32 @!p1 s0, s18  }
0x103: {  	[tilespmem:s4], [sflag:$0x5] =	stream.linear.gather @!p1 [hbm4b:s2+s4], $0x100, $0x38;
	[tilespmem:$0x6860] =	vst v63  }
0x104: {  	s2 =	simm.s32 @!p1 $0x3  }
0x105: {  	_ =	swait.ge @!p1 [sflag:s2], $0x800  }
0x106: {  	[sflag:s2] =	ssyncset.done @!p1 $0x0  }
0x107: {  	[sflag:s2] =	ssyncadd.s32 @!p1 $0xFFFFF800;
	s2 =	simm.s32 @!p1 $0x5  }
0x108: {  	_ =	swait.ge @!p1 [sflag:s2], $0x100  }
0x109: {  	[sflag:s2] =	ssyncset.done @!p1 $0x0  }
0x10a: {  	s6 =	simm.s32 @!p1 $0x400;
	[sflag:s2] =	ssyncadd.s32 @!p1 $0xFFFFFF00;
	s2 =	simm.s32 @!p1 $0x80  }
0x10b: {  	[tilespmem:s6], [sflag:$0x1] =	stream.indirect.gather @!p1 [spmem:s21], $0x10, s4, s2, $0xb8;
	[tilespmem:$0x6860] =	vst v63  }
.Ltmp2:
0x10c: {  	_ = 	snop;
	(pc) =	sbr.rel @p1 .LBB2_4-.Ltmp2, $4  }
0x10d: {  	_ =	swait.ge [sflag:s19], $0x800  }
0x10e: {  	[sflag:s19] =	ssyncset.done $0x0  }
0x10f: {  	[sflag:s19] =	ssyncadd.s32 $0xFFFFF800  }
0x110: {  	[spmem:s20] =	stream.indirect.scatter.add.f32 [tilespmem:s16], [sflag:$0x4], $0x10, s26, s13, $0xb8;
	[tilespmem:$0x6860] =	vst v63  }
0x111: {  	s2 =	sadd.s32 s0, s17  }
0x112: {  	[tilespmem:s15], [sflag:$0x6] =	stream.linear.gather [hbm4b:s2+s14], $0x100, $0x38;
	[tilespmem:$0x6860] =	vst v63  }
0x113: {  	_ =	swait.ge [sflag:s5], $0x800  }
0x114: {  	[sflag:s5] =	ssyncset.done $0x0  }
.Ltmp3:
0x115: {  	[sflag:s5] =	ssyncadd.s32 $0xFFFFF800;
	(pc) =	sbr.rel .LBB2_2-.Ltmp3, $4  }
0x116: {  	_ =	swait.ge [sflag:s29], $0x100  }
0x117: {  	[sflag:s29] =	ssyncset.done $0x0  }
0x118: {  	s0 =	sadd.s32 $0x80, s0;
	[sflag:s29] =	ssyncadd.s32 $0xFFFFFF00  }
0x119: {  	[tilespmem:s16], [sflag:$0x2] =	stream.indirect.gather [spmem:s21], $0x10, s15, s13, $0xb8;
	[tilespmem:$0x6860] =	vst v63  }
.LBB2_5:
0x11a: {  	_ =	sfence.sel $0x180000  }
0x11b: {  	[bflag:$0x0] =	sbarrier.arrive $0xFFFF  }
0x11c: {  	_ =	strace $0x9000004A  }
0x11d: {  	s0 =	stileid.u32;
	[bflag:$0x2] =	sbarrier.arrive $0xFFFF  }
0x11e: {  	p0 =	sne.s32 s0, $0x0;
	s0 =	rddreg [dreg:$0x3]  }
0x11f: {  	s0 =	sadd.s32 @!p0 $0x100000, s0  }
0x120: {  	[sflag:s0] =	ssyncadd.tile.s32 @!p0 $0x1;
	_ =	shalt  }
.Lfunc_end2:
_tile_overlayer_lowered:
.L_overlay_start_2:
0x121: {  	(tag) =	ssettag $0x2  }
0x122: {  	s0 =	rddreg [dreg:$0x0];
	s2 =	stileid.u32  }
0x123: {  	s1 =	rddreg [dreg:$0x1];
	p0 =	sne.s32 s2, $0x0  }
0x124: {  	s3 =	rddreg [dreg:$0x2];
	[bflag:$0x3] =	sbarrier.arrive $0xFFFF;
	s2 =	simm.s32 @!p0 $0x1C09  }
0x125: {  	[timem:s3], [sflag:s2] =	dma.local @!p0 [hbm:s0], s1  }
0x126: {  	s0 =	simm.s32 @!p0 $0x9  }
0x127: {  	_ =	swait.ge @!p0 [sflag:s0], s1  }
0x128: {  	s1 =	ssub.s32 @!p0 $0x0, s1;
	[sflag:s0] =	ssyncset.done @!p0 $0x0  }
0x129: {  	[sflag:s0] =	ssyncadd.s32 @!p0 s1  }
0x12a: {  	[bflag:$0x3] =	sbarrier.arrive $0xFFFF  }
0x12b: {  	_ =	shalt  }

</sc_bundles>
